<compile_context>
chip_gen: v7x
topology: tpu7x:2x2x1
jax: 0.10.2.dev20260603
libtpu: 0.0.44.dev20260713+nightly
codegen_flags: <defaults>
</compile_context>

<pallas_src>
import functools

import jax
import jax.numpy as jnp
from jax import lax
from jax.experimental import pallas as pl
from jax.experimental.pallas import tpu as pltpu
from jax.experimental.pallas import tpu_sc as plsc

_B, _C, _H, _W = 4, 96, 112, 112
_STRIDE = 2
_HOUT, _WOUT = _H * _STRIDE, _W * _STRIDE
_PLANE = _HOUT * _WOUT
_NVAL = _H * _W
_NP = _B * _C
_NC, _NS, _L = 2, 16, 16
_NW = _NC * _NS
_PPW = _NP // _NW
_NCHUNK = 8
_CW = _PLANE // _NCHUNK


def _gather_body(real_hbm, imag_hbm, win_hbm, out_hbm,
                 vr_v, vi_v, win_v, outr_v, outi_v,
                 ws0, ws1, ws2, os0, os1, vsem):
    wid = lax.axis_index("s") * _NC + lax.axis_index("c")
    wsems = [ws0, ws1, ws2]
    osems = [os0, os1]

    def start_vals(t, slot):
        p = wid * _PPW + t
        pltpu.async_copy(real_hbm.at[p], vr_v.at[pl.ds(slot * _NVAL, _NVAL)], vsem)
        pltpu.async_copy(imag_hbm.at[p], vi_v.at[pl.ds(slot * _NVAL, _NVAL)], vsem)

    def wait_vals(slot):
        pltpu.make_async_copy(
            real_hbm.at[0], vr_v.at[pl.ds(slot * _NVAL, _NVAL)], vsem).wait()
        pltpu.make_async_copy(
            imag_hbm.at[0], vi_v.at[pl.ds(slot * _NVAL, _NVAL)], vsem).wait()

    start_vals(0, 0)

    def task(t, c):
        p = wid * _PPW + t
        vslot = lax.rem(t, 2)
        vbase = vslot * _NVAL
        wait_vals(vslot)

        @pl.when(t + 1 < _PPW)
        def _():
            start_vals(t + 1, lax.rem(t + 1, 2))

        def start_win(k):
            slot = k % 3
            return pltpu.async_copy(
                win_hbm.at[p, pl.ds(k * _CW, _CW)],
                win_v.at[pl.ds(slot * _CW, _CW)],
                wsems[slot],
            )

        win_h = {0: start_win(0), 1: start_win(1)}
        out_h = {}
        for k in range(_NCHUNK):
            slot = k % 3
            win_h.pop(k).wait()
            if k + 2 < _NCHUNK:
                win_h[k + 2] = start_win(k + 2)
            osl = k % 2
            for h in out_h.pop(osl, ()):
                h.wait()

            wbase = slot * _CW
            obase = osl * _CW

            @plsc.parallel_loop(0, _CW // _L, 1, unroll=8)
            def body(i):
                b = i * _L
                w = win_v[pl.ds(wbase + b, _L)]
                iw = w.astype(jnp.int32)
                m = iw > 0
                j = jnp.maximum(iw - 1, 0) + vbase
                r = plsc.load_gather(vr_v, [j])
                im = plsc.load_gather(vi_v, [j])
                zero = jnp.zeros((_L,), jnp.float32)
                outr_v[pl.ds(obase + b, _L)] = jnp.where(m, r, zero)
                outi_v[pl.ds(obase + b, _L)] = jnp.where(m, im, zero)

            out_h[osl] = (
                pltpu.async_copy(
                    outr_v.at[pl.ds(obase, _CW)],
                    out_hbm.at[p, pl.ds(k * _CW, _CW)],
                    osems[osl],
                ),
                pltpu.async_copy(
                    outi_v.at[pl.ds(obase, _CW)],
                    out_hbm.at[_NP + p, pl.ds(k * _CW, _CW)],
                    osems[osl],
                ),
            )
        for hs in out_h.values():
            for h in hs:
                h.wait()
        return c

    lax.fori_loop(0, _PPW, task, 0)


@functools.partial(
    pl.kernel,
    out_type=jax.ShapeDtypeStruct((2 * _NP, _PLANE), jnp.float32),
    mesh=plsc.VectorSubcoreMesh(core_axis_name="c", subcore_axis_name="s"),
    scratch_types=[
        pltpu.VMEM((2 * _NVAL,), jnp.float32),
        pltpu.VMEM((2 * _NVAL,), jnp.float32),
        pltpu.VMEM((3 * _CW,), jnp.float32),
        pltpu.VMEM((2 * _CW,), jnp.float32),
        pltpu.VMEM((2 * _CW,), jnp.float32),
        pltpu.SemaphoreType.DMA,
        pltpu.SemaphoreType.DMA,
        pltpu.SemaphoreType.DMA,
        pltpu.SemaphoreType.DMA,
        pltpu.SemaphoreType.DMA,
        pltpu.SemaphoreType.DMA,
    ],
    compiler_params=pltpu.CompilerParams(needs_layout_passes=False),
)
def _unpool(real_hbm, imag_hbm, win_hbm, out_hbm,
            vr_v, vi_v, win_v, outr_v, outi_v,
            ws0, ws1, ws2, os0, os1, vsem):
    _gather_body(real_hbm, imag_hbm, win_hbm, out_hbm,
                 vr_v, vi_v, win_v, outr_v, outi_v,
                 ws0, ws1, ws2, os0, os1, vsem)


def kernel(inp_real, inp_imag, indices):
    b, c, h, w = inp_real.shape
    offsets = (jnp.arange(b * c, dtype=jnp.int32) * _PLANE).reshape(b, c, 1, 1)
    gidx = (indices.astype(jnp.int32) + offsets).ravel()
    loc = jnp.broadcast_to(
        jnp.arange(1, h * w + 1, dtype=jnp.float32).reshape(1, 1, h, w), (b, c, h, w)
    )
    win = jnp.zeros((b * c * _PLANE,), dtype=jnp.float32).at[gidx].set(loc.ravel())

    vr = inp_real.reshape(_NP, _NVAL)
    vi = inp_imag.reshape(_NP, _NVAL)
    out = _unpool(vr, vi, win.reshape(_NP, _PLANE))
    return out.reshape(2, _B, _C, _HOUT, _WOUT)

# --- scband reference (transcript-rebuilt; emitter-appended) ---
"""Pipeline reference for scband-complex-un-pooling2-d-71356586655825 (READ-ONLY COPY).

The authoritative reference and input builder live on the scoring server;
editing this copy changes nothing except your own understanding.
"""

import jax, jax.numpy as jnp
import numpy as np

B, C, H, W = 4, 96, 112, 112
KERNEL = 2
STRIDE = 2
HOUT, WOUT = H * STRIDE, W * STRIDE
PLANE = HOUT * WOUT


def setup_inputs(seed: int = 0) -> dict:
    key = jax.random.key(seed)
    k1, k2, k3 = jax.random.split(key, 3)
    inp_real = jax.random.normal(k1, (B, C, H, W), dtype=jnp.float32)
    inp_imag = jax.random.normal(k2, (B, C, H, W), dtype=jnp.float32)
    indices = jax.random.randint(k3, (B, C, H, W), 0, PLANE, dtype=jnp.int32)
    return {"inp_real": inp_real, "inp_imag": inp_imag, "indices": indices}


def reference(inp_real, inp_imag, indices):
    # Complex max-unpool2d: scatter each pooled value (real and imag parts
    # separately) into a zero-initialized upsampled plane at the flat
    # per-(b,c)-plane positions given by `indices` (same semantics as
    # torch.nn.functional.max_unpool2d applied to .real and .imag).
    b, c, h, w = inp_real.shape
    hout, wout = h * STRIDE, w * STRIDE
    plane = hout * wout
    offsets = (jnp.arange(b * c, dtype=jnp.int32) * plane).reshape(b, c, 1, 1)
    gidx = (indices.astype(jnp.int32) + offsets).ravel()

    def unpool(x):
        out = jnp.zeros((b * c * plane,), dtype=x.dtype).at[gidx].set(x.ravel())
        return out.reshape(b, c, hout, wout)

    out_real = unpool(inp_real)
    out_imag = unpool(inp_imag)
    # Represent complex64 output as stacked (real, imag) float32 channels.
    return jnp.stack([out_real, out_imag], axis=0)

if __name__ == "__main__":
    import jax
    _d = setup_inputs()
    print(jax.jit(kernel)(*tuple(_d.values())))

</pallas_src>

<mosaic_0001>
#map = affine_map<(d0, d1) -> (0, 0)>
module attributes {stable_mosaic.version = 14 : i64} {
  func.func @_unpool(%arg0: i32, %arg1: i32, %arg2: memref<384x12544xf32, #tpu.memory_space<hbm>>, %arg3: memref<384x12544xf32, #tpu.memory_space<hbm>>, %arg4: memref<384x50176xf32, #tpu.memory_space<hbm>>, %arg5: memref<768x50176xf32, #tpu.memory_space<hbm>>, %arg6: memref<25088xf32, #tpu.memory_space<vmem>>, %arg7: memref<25088xf32, #tpu.memory_space<vmem>>, %arg8: memref<18816xf32, #tpu.memory_space<vmem>>, %arg9: memref<12544xf32, #tpu.memory_space<vmem>>, %arg10: memref<12544xf32, #tpu.memory_space<vmem>>, %arg11: memref<!tpu.dma_semaphore, #tpu.memory_space<semaphore_mem>>, %arg12: memref<!tpu.dma_semaphore, #tpu.memory_space<semaphore_mem>>, %arg13: memref<!tpu.dma_semaphore, #tpu.memory_space<semaphore_mem>>, %arg14: memref<!tpu.dma_semaphore, #tpu.memory_space<semaphore_mem>>, %arg15: memref<!tpu.dma_semaphore, #tpu.memory_space<semaphore_mem>>, %arg16: memref<!tpu.dma_semaphore, #tpu.memory_space<semaphore_mem>>) attributes {dimension_semantics = [#tpu.dimension_semantics<core_parallel>, #tpu.dimension_semantics<subcore_parallel>], iteration_bounds = array<i64: 2, 16>, scalar_prefetch = 0 : i64, scratch_operands = 11 : i64, tpu.core_type = #tpu.core_type<sc_vector_subcore>, window_params = [{transform_indices = #map}, {transform_indices = #map}, {transform_indices = #map}, {transform_indices = #map}]} {
    %mul3A = arith.constant 2 : i32
    %mul3A_0 = arith.muli %arg1, %mul3A : i32
    %add3A = arith.addi %mul3A_0, %arg0 : i32
    %mul3A_1 = arith.constant 12 : i32
    %mul3A_2 = arith.muli %add3A, %mul3A_1 : i32
    %add3A_3 = arith.constant 0 : i32
    %add3A_4 = arith.addi %mul3A_2, %add3A_3 : i32
    %dma_start3A = arith.constant 0 : i32
    %dma_start3A_5 = tpu.memref_slice %arg6[%dma_start3A] : memref<25088xf32, #tpu.memory_space<vmem>> -> memref<12544xf32, #tpu.memory_space<vmem>>
    %dma_start3A_6 = arith.constant 0 : i32
    %dma_start3A_7 = tpu.memref_slice %arg2[%add3A_4, %dma_start3A_6] : memref<384x12544xf32, #tpu.memory_space<hbm>> -> memref<1x12544xf32, #tpu.memory_space<hbm>>
    %dma_start3A_8 = tpu.memref_squeeze %dma_start3A_7 : memref<1x12544xf32, #tpu.memory_space<hbm>> -> memref<12544xf32, #tpu.memory_space<hbm>>
    %dma_start3A_9 = arith.constant 0 : i32
    %dma_start3A_10 = tpu.memref_slice %arg6[%dma_start3A_9] : memref<25088xf32, #tpu.memory_space<vmem>> -> memref<12544xf32, #tpu.memory_space<vmem>>
    %dma_start3A_11 = arith.constant 0 : i32
    %dma_start3A_12 = tpu.memref_slice %arg2[%add3A_4, %dma_start3A_11] : memref<384x12544xf32, #tpu.memory_space<hbm>> -> memref<1x12544xf32, #tpu.memory_space<hbm>>
    %dma_start3A_13 = tpu.memref_squeeze %dma_start3A_12 : memref<1x12544xf32, #tpu.memory_space<hbm>> -> memref<12544xf32, #tpu.memory_space<hbm>>
    tpu.enqueue_dma source(%dma_start3A_13 : memref<12544xf32, #tpu.memory_space<hbm>>) target(%dma_start3A_10 : memref<12544xf32, #tpu.memory_space<vmem>>) target_semaphore(%arg16 : memref<!tpu.dma_semaphore, #tpu.memory_space<semaphore_mem>>)
    %dma_start3A_14 = arith.constant 0 : i32
    %dma_start3A_15 = tpu.memref_slice %arg7[%dma_start3A_14] : memref<25088xf32, #tpu.memory_space<vmem>> -> memref<12544xf32, #tpu.memory_space<vmem>>
    %dma_start3A_16 = arith.constant 0 : i32
    %dma_start3A_17 = tpu.memref_slice %arg3[%add3A_4, %dma_start3A_16] : memref<384x12544xf32, #tpu.memory_space<hbm>> -> memref<1x12544xf32, #tpu.memory_space<hbm>>
    %dma_start3A_18 = tpu.memref_squeeze %dma_start3A_17 : memref<1x12544xf32, #tpu.memory_space<hbm>> -> memref<12544xf32, #tpu.memory_space<hbm>>
    %dma_start3A_19 = arith.constant 0 : i32
    %dma_start3A_20 = tpu.memref_slice %arg7[%dma_start3A_19] : memref<25088xf32, #tpu.memory_space<vmem>> -> memref<12544xf32, #tpu.memory_space<vmem>>
    %dma_start3A_21 = arith.constant 0 : i32
    %dma_start3A_22 = tpu.memref_slice %arg3[%add3A_4, %dma_start3A_21] : memref<384x12544xf32, #tpu.memory_space<hbm>> -> memref<1x12544xf32, #tpu.memory_space<hbm>>
    %dma_start3A_23 = tpu.memref_squeeze %dma_start3A_22 : memref<1x12544xf32, #tpu.memory_space<hbm>> -> memref<12544xf32, #tpu.memory_space<hbm>>
    tpu.enqueue_dma source(%dma_start3A_23 : memref<12544xf32, #tpu.memory_space<hbm>>) target(%dma_start3A_20 : memref<12544xf32, #tpu.memory_space<vmem>>) target_semaphore(%arg16 : memref<!tpu.dma_semaphore, #tpu.memory_space<semaphore_mem>>)
    %scan3A = arith.constant 0 : i32
    %scan3A_24 = arith.constant 0 : i32
    %scan3A_25 = arith.constant 12 : i32
    %scan3A_26 = arith.addi %scan3A_24, %scan3A_25 : i32
    %scan3A_27 = arith.constant 1 : i32
    scf.for %scan3A_29 = %scan3A_24 to %scan3A_26 step %scan3A_27  : i32 {
      %mul3A_30 = arith.constant 12 : i32
      %mul3A_31 = arith.muli %add3A, %mul3A_30 : i32
      %add3A_32 = arith.addi %mul3A_31, %scan3A_29 : i32
      %rem3A = arith.constant 2 : i32
      %rem3A_33 = arith.remsi %scan3A_29, %rem3A : i32
      %mul3A_34 = arith.constant 12544 : i32
      %mul3A_35 = arith.muli %rem3A_33, %mul3A_34 : i32
      %mul3A_36 = arith.constant 12544 : i32
      %mul3A_37 = arith.muli %rem3A_33, %mul3A_36 : i32
      %dma_wait3A = arith.constant 0 : i32
      %dma_wait3A_38 = tpu.memref_slice %arg6[%mul3A_37] : memref<25088xf32, #tpu.memory_space<vmem>> -> memref<12544xf32, #tpu.memory_space<vmem>>
      %dma_wait3A_39 = arith.constant 0 : i32
      %dma_wait3A_40 = tpu.memref_slice %arg2[%dma_wait3A, %dma_wait3A_39] : memref<384x12544xf32, #tpu.memory_space<hbm>> -> memref<1x12544xf32, #tpu.memory_space<hbm>>
      %dma_wait3A_41 = tpu.memref_squeeze %dma_wait3A_40 : memref<1x12544xf32, #tpu.memory_space<hbm>> -> memref<12544xf32, #tpu.memory_space<hbm>>
      %dma_wait3A_42 = tpu.memref_slice %arg6[%mul3A_37] : memref<25088xf32, #tpu.memory_space<vmem>> -> memref<12544xf32, #tpu.memory_space<vmem>>
      %dma_wait3A_43 = arith.constant 0 : i32
      %dma_wait3A_44 = tpu.memref_slice %arg2[%dma_wait3A, %dma_wait3A_43] : memref<384x12544xf32, #tpu.memory_space<hbm>> -> memref<1x12544xf32, #tpu.memory_space<hbm>>
      %dma_wait3A_45 = tpu.memref_squeeze %dma_wait3A_44 : memref<1x12544xf32, #tpu.memory_space<hbm>> -> memref<12544xf32, #tpu.memory_space<hbm>>
      tpu.wait_dma2 semaphore(%arg16 : memref<!tpu.dma_semaphore, #tpu.memory_space<semaphore_mem>>) src(%dma_wait3A_45 : memref<12544xf32, #tpu.memory_space<hbm>>) dst(%dma_wait3A_42 : memref<12544xf32, #tpu.memory_space<vmem>>)
      %mul3A_46 = arith.constant 12544 : i32
      %mul3A_47 = arith.muli %rem3A_33, %mul3A_46 : i32
      %dma_wait3A_48 = arith.constant 0 : i32
      %dma_wait3A_49 = tpu.memref_slice %arg7[%mul3A_47] : memref<25088xf32, #tpu.memory_space<vmem>> -> memref<12544xf32, #tpu.memory_space<vmem>>
      %dma_wait3A_50 = arith.constant 0 : i32
      %dma_wait3A_51 = tpu.memref_slice %arg3[%dma_wait3A_48, %dma_wait3A_50] : memref<384x12544xf32, #tpu.memory_space<hbm>> -> memref<1x12544xf32, #tpu.memory_space<hbm>>
      %dma_wait3A_52 = tpu.memref_squeeze %dma_wait3A_51 : memref<1x12544xf32, #tpu.memory_space<hbm>> -> memref<12544xf32, #tpu.memory_space<hbm>>
      %dma_wait3A_53 = tpu.memref_slice %arg7[%mul3A_47] : memref<25088xf32, #tpu.memory_space<vmem>> -> memref<12544xf32, #tpu.memory_space<vmem>>
      %dma_wait3A_54 = arith.constant 0 : i32
      %dma_wait3A_55 = tpu.memref_slice %arg3[%dma_wait3A_48, %dma_wait3A_54] : memref<384x12544xf32, #tpu.memory_space<hbm>> -> memref<1x12544xf32, #tpu.memory_space<hbm>>
      %dma_wait3A_56 = tpu.memref_squeeze %dma_wait3A_55 : memref<1x12544xf32, #tpu.memory_space<hbm>> -> memref<12544xf32, #tpu.memory_space<hbm>>
      tpu.wait_dma2 semaphore(%arg16 : memref<!tpu.dma_semaphore, #tpu.memory_space<semaphore_mem>>) src(%dma_wait3A_56 : memref<12544xf32, #tpu.memory_space<hbm>>) dst(%dma_wait3A_53 : memref<12544xf32, #tpu.memory_space<vmem>>)
      %add3A_57 = arith.constant 1 : i32
      %add3A_58 = arith.addi %scan3A_29, %add3A_57 : i32
      %lt3A = arith.constant 12 : i32
      %lt3A_59 = arith.cmpi slt, %add3A_58, %lt3A : i32
      %convert_element_type3A = arith.extui %lt3A_59 : i1 to i32
      %cond3A = arith.constant 0 : i32
      %cond3A_60 = arith.cmpi ne, %convert_element_type3A, %cond3A : i32
      scf.if %cond3A_60 {
        %add3A_580 = arith.constant 1 : i32
        %add3A_581 = arith.addi %scan3A_29, %add3A_580 : i32
        %add3A_582 = arith.constant 1 : i32
        %add3A_583 = arith.addi %scan3A_29, %add3A_582 : i32
        %rem3A_584 = arith.constant 2 : i32
        %rem3A_585 = arith.remsi %add3A_583, %rem3A_584 : i32
        %mul3A_586 = arith.constant 12 : i32
        %mul3A_587 = arith.muli %add3A, %mul3A_586 : i32
        %add3A_588 = arith.addi %mul3A_587, %add3A_581 : i32
        %mul3A_589 = arith.constant 12544 : i32
        %mul3A_590 = arith.muli %rem3A_585, %mul3A_589 : i32
        %dma_start3A_591 = tpu.memref_slice %arg6[%mul3A_590] : memref<25088xf32, #tpu.memory_space<vmem>> -> memref<12544xf32, #tpu.memory_space<vmem>>
        %dma_start3A_592 = arith.constant 0 : i32
        %dma_start3A_593 = tpu.memref_slice %arg2[%add3A_588, %dma_start3A_592] : memref<384x12544xf32, #tpu.memory_space<hbm>> -> memref<1x12544xf32, #tpu.memory_space<hbm>>
        %dma_start3A_594 = tpu.memref_squeeze %dma_start3A_593 : memref<1x12544xf32, #tpu.memory_space<hbm>> -> memref<12544xf32, #tpu.memory_space<hbm>>
        %dma_start3A_595 = tpu.memref_slice %arg6[%mul3A_590] : memref<25088xf32, #tpu.memory_space<vmem>> -> memref<12544xf32, #tpu.memory_space<vmem>>
        %dma_start3A_596 = arith.constant 0 : i32
        %dma_start3A_597 = tpu.memref_slice %arg2[%add3A_588, %dma_start3A_596] : memref<384x12544xf32, #tpu.memory_space<hbm>> -> memref<1x12544xf32, #tpu.memory_space<hbm>>
        %dma_start3A_598 = tpu.memref_squeeze %dma_start3A_597 : memref<1x12544xf32, #tpu.memory_space<hbm>> -> memref<12544xf32, #tpu.memory_space<hbm>>
        tpu.enqueue_dma source(%dma_start3A_598 : memref<12544xf32, #tpu.memory_space<hbm>>) target(%dma_start3A_595 : memref<12544xf32, #tpu.memory_space<vmem>>) target_semaphore(%arg16 : memref<!tpu.dma_semaphore, #tpu.memory_space<semaphore_mem>>)
        %mul3A_599 = arith.constant 12544 : i32
        %mul3A_600 = arith.muli %rem3A_585, %mul3A_599 : i32
        %dma_start3A_601 = tpu.memref_slice %arg7[%mul3A_600] : memref<25088xf32, #tpu.memory_space<vmem>> -> memref<12544xf32, #tpu.memory_space<vmem>>
        %dma_start3A_602 = arith.constant 0 : i32
        %dma_start3A_603 = tpu.memref_slice %arg3[%add3A_588, %dma_start3A_602] : memref<384x12544xf32, #tpu.memory_space<hbm>> -> memref<1x12544xf32, #tpu.memory_space<hbm>>
        %dma_start3A_604 = tpu.memref_squeeze %dma_start3A_603 : memref<1x12544xf32, #tpu.memory_space<hbm>> -> memref<12544xf32, #tpu.memory_space<hbm>>
        %dma_start3A_605 = tpu.memref_slice %arg7[%mul3A_600] : memref<25088xf32, #tpu.memory_space<vmem>> -> memref<12544xf32, #tpu.memory_space<vmem>>
        %dma_start3A_606 = arith.constant 0 : i32
        %dma_start3A_607 = tpu.memref_slice %arg3[%add3A_588, %dma_start3A_606] : memref<384x12544xf32, #tpu.memory_space<hbm>> -> memref<1x12544xf32, #tpu.memory_space<hbm>>
        %dma_start3A_608 = tpu.memref_squeeze %dma_start3A_607 : memref<1x12544xf32, #tpu.memory_space<hbm>> -> memref<12544xf32, #tpu.memory_space<hbm>>
        tpu.enqueue_dma source(%dma_start3A_608 : memref<12544xf32, #tpu.memory_space<hbm>>) target(%dma_start3A_605 : memref<12544xf32, #tpu.memory_space<vmem>>) target_semaphore(%arg16 : memref<!tpu.dma_semaphore, #tpu.memory_space<semaphore_mem>>)
      } else {
      }
      %dma_start3A_61 = arith.constant 0 : i32
      %dma_start3A_62 = tpu.memref_slice %arg8[%dma_start3A_61] : memref<18816xf32, #tpu.memory_space<vmem>> -> memref<6272xf32, #tpu.memory_space<vmem>>
      %dma_start3A_63 = arith.constant 0 : i32
      %dma_start3A_64 = tpu.memref_slice %arg4[%add3A_32, %dma_start3A_63] : memref<384x50176xf32, #tpu.memory_space<hbm>> -> memref<1x6272xf32, #tpu.memory_space<hbm>>
      %dma_start3A_65 = tpu.memref_squeeze %dma_start3A_64 : memref<1x6272xf32, #tpu.memory_space<hbm>> -> memref<6272xf32, #tpu.memory_space<hbm>>
      %dma_start3A_66 = arith.constant 0 : i32
      %dma_start3A_67 = tpu.memref_slice %arg8[%dma_start3A_66] : memref<18816xf32, #tpu.memory_space<vmem>> -> memref<6272xf32, #tpu.memory_space<vmem>>
      %dma_start3A_68 = arith.constant 0 : i32
      %dma_start3A_69 = tpu.memref_slice %arg4[%add3A_32, %dma_start3A_68] : memref<384x50176xf32, #tpu.memory_space<hbm>> -> memref<1x6272xf32, #tpu.memory_space<hbm>>
      %dma_start3A_70 = tpu.memref_squeeze %dma_start3A_69 : memref<1x6272xf32, #tpu.memory_space<hbm>> -> memref<6272xf32, #tpu.memory_space<hbm>>
      tpu.enqueue_dma source(%dma_start3A_70 : memref<6272xf32, #tpu.memory_space<hbm>>) target(%dma_start3A_67 : memref<6272xf32, #tpu.memory_space<vmem>>) target_semaphore(%arg11 : memref<!tpu.dma_semaphore, #tpu.memory_space<semaphore_mem>>)
      %dma_start3A_71 = arith.constant 6272 : i32
      %dma_start3A_72 = tpu.memref_slice %arg8[%dma_start3A_71] : memref<18816xf32, #tpu.memory_space<vmem>> -> memref<6272xf32, #tpu.memory_space<vmem>>
      %dma_start3A_73 = arith.constant 6272 : i32
      %dma_start3A_74 = tpu.memref_slice %arg4[%add3A_32, %dma_start3A_73] : memref<384x50176xf32, #tpu.memory_space<hbm>> -> memref<1x6272xf32, #tpu.memory_space<hbm>>
      %dma_start3A_75 = tpu.memref_squeeze %dma_start3A_74 : memref<1x6272xf32, #tpu.memory_space<hbm>> -> memref<6272xf32, #tpu.memory_space<hbm>>
      %dma_start3A_76 = arith.constant 6272 : i32
      %dma_start3A_77 = tpu.memref_slice %arg8[%dma_start3A_76] : memref<18816xf32, #tpu.memory_space<vmem>> -> memref<6272xf32, #tpu.memory_space<vmem>>
      %dma_start3A_78 = arith.constant 6272 : i32
      %dma_start3A_79 = tpu.memref_slice %arg4[%add3A_32, %dma_start3A_78] : memref<384x50176xf32, #tpu.memory_space<hbm>> -> memref<1x6272xf32, #tpu.memory_space<hbm>>
      %dma_start3A_80 = tpu.memref_squeeze %dma_start3A_79 : memref<1x6272xf32, #tpu.memory_space<hbm>> -> memref<6272xf32, #tpu.memory_space<hbm>>
      tpu.enqueue_dma source(%dma_start3A_80 : memref<6272xf32, #tpu.memory_space<hbm>>) target(%dma_start3A_77 : memref<6272xf32, #tpu.memory_space<vmem>>) target_semaphore(%arg12 : memref<!tpu.dma_semaphore, #tpu.memory_space<semaphore_mem>>)
      %dma_wait3A_81 = arith.constant 0 : i32
      %dma_wait3A_82 = tpu.memref_slice %arg8[%dma_wait3A_81] : memref<18816xf32, #tpu.memory_space<vmem>> -> memref<6272xf32, #tpu.memory_space<vmem>>
      %dma_wait3A_83 = arith.constant 0 : i32
      %dma_wait3A_84 = tpu.memref_slice %arg4[%add3A_32, %dma_wait3A_83] : memref<384x50176xf32, #tpu.memory_space<hbm>> -> memref<1x6272xf32, #tpu.memory_space<hbm>>
      %dma_wait3A_85 = tpu.memref_squeeze %dma_wait3A_84 : memref<1x6272xf32, #tpu.memory_space<hbm>> -> memref<6272xf32, #tpu.memory_space<hbm>>
      %dma_wait3A_86 = arith.constant 0 : i32
      %dma_wait3A_87 = tpu.memref_slice %arg8[%dma_wait3A_86] : memref<18816xf32, #tpu.memory_space<vmem>> -> memref<6272xf32, #tpu.memory_space<vmem>>
      %dma_wait3A_88 = arith.constant 0 : i32
      %dma_wait3A_89 = tpu.memref_slice %arg4[%add3A_32, %dma_wait3A_88] : memref<384x50176xf32, #tpu.memory_space<hbm>> -> memref<1x6272xf32, #tpu.memory_space<hbm>>
      %dma_wait3A_90 = tpu.memref_squeeze %dma_wait3A_89 : memref<1x6272xf32, #tpu.memory_space<hbm>> -> memref<6272xf32, #tpu.memory_space<hbm>>
      tpu.wait_dma2 semaphore(%arg11 : memref<!tpu.dma_semaphore, #tpu.memory_space<semaphore_mem>>) src(%dma_wait3A_90 : memref<6272xf32, #tpu.memory_space<hbm>>) dst(%dma_wait3A_87 : memref<6272xf32, #tpu.memory_space<vmem>>)
      %dma_start3A_91 = arith.constant 12544 : i32
      %dma_start3A_92 = tpu.memref_slice %arg8[%dma_start3A_91] : memref<18816xf32, #tpu.memory_space<vmem>> -> memref<6272xf32, #tpu.memory_space<vmem>>
      %dma_start3A_93 = arith.constant 12544 : i32
      %dma_start3A_94 = tpu.memref_slice %arg4[%add3A_32, %dma_start3A_93] : memref<384x50176xf32, #tpu.memory_space<hbm>> -> memref<1x6272xf32, #tpu.memory_space<hbm>>
      %dma_start3A_95 = tpu.memref_squeeze %dma_start3A_94 : memref<1x6272xf32, #tpu.memory_space<hbm>> -> memref<6272xf32, #tpu.memory_space<hbm>>
      %dma_start3A_96 = arith.constant 12544 : i32
      %dma_start3A_97 = tpu.memref_slice %arg8[%dma_start3A_96] : memref<18816xf32, #tpu.memory_space<vmem>> -> memref<6272xf32, #tpu.memory_space<vmem>>
      %dma_start3A_98 = arith.constant 12544 : i32
      %dma_start3A_99 = tpu.memref_slice %arg4[%add3A_32, %dma_start3A_98] : memref<384x50176xf32, #tpu.memory_space<hbm>> -> memref<1x6272xf32, #tpu.memory_space<hbm>>
      %dma_start3A_100 = tpu.memref_squeeze %dma_start3A_99 : memref<1x6272xf32, #tpu.memory_space<hbm>> -> memref<6272xf32, #tpu.memory_space<hbm>>
      tpu.enqueue_dma source(%dma_start3A_100 : memref<6272xf32, #tpu.memory_space<hbm>>) target(%dma_start3A_97 : memref<6272xf32, #tpu.memory_space<vmem>>) target_semaphore(%arg13 : memref<!tpu.dma_semaphore, #tpu.memory_space<semaphore_mem>>)
      %parallel_loop3A = arith.constant 0 : i32
      %parallel_loop3A_101 = arith.constant 392 : i32
      %parallel_loop3A_102 = arith.constant 1 : i32
      scf.for %parallel_loop3A_580 = %parallel_loop3A to %parallel_loop3A_101 step %parallel_loop3A_102  : i32 {
        %parallel_loop3A_581 = arith.constant 16 : i32
        %parallel_loop3A_582 = arith.muli %parallel_loop3A_580, %parallel_loop3A_581 : i32
        %parallel_loop3A_583 = arith.constant 0 : i32
        %parallel_loop3A_584 = arith.addi %parallel_loop3A_583, %parallel_loop3A_582 : i32
        %parallel_loop3A_585 = arith.index_cast %parallel_loop3A_584 : i32 to index
        %parallel_loop3A_586 = tpu.vector_load %arg8[%parallel_loop3A_585] {strides = array<i32>} : memref<18816xf32, #tpu.memory_space<vmem>>, vector<16xf32>,
        %parallel_loop3A_587 = arith.fptosi %parallel_loop3A_586 : vector<16xf32> to vector<16xi32>
        %parallel_loop3A_588 = arith.constant 0 : i32
        %parallel_loop3A_589 = vector.broadcast %parallel_loop3A_588 : i32 to vector<16xi32>
        %parallel_loop3A_590 = arith.cmpi sgt, %parallel_loop3A_587, %parallel_loop3A_589 : vector<16xi32>
        %parallel_loop3A_591 = arith.constant 1 : i32
        %parallel_loop3A_592 = vector.broadcast %parallel_loop3A_591 : i32 to vector<16xi32>
        %parallel_loop3A_593 = arith.subi %parallel_loop3A_587, %parallel_loop3A_592 : vector<16xi32>
        %parallel_loop3A_594 = arith.constant 0 : i32
        %parallel_loop3A_595 = vector.broadcast %parallel_loop3A_594 : i32 to vector<16xi32>
        %parallel_loop3A_596 = arith.maxsi %parallel_loop3A_593, %parallel_loop3A_595 : vector<16xi32>
        %parallel_loop3A_597 = vector.broadcast %mul3A_35 : i32 to vector<16xi32>
        %parallel_loop3A_598 = arith.addi %parallel_loop3A_596, %parallel_loop3A_597 : vector<16xi32>
        %parallel_loop3A_599 = tpu.vector_load_idx %arg6[%parallel_loop3A_598] : memref<25088xf32, #tpu.memory_space<vmem>>[vector<16xi32>], vector<16xf32>,
        %parallel_loop3A_600 = tpu.vector_load_idx %arg7[%parallel_loop3A_598] : memref<25088xf32, #tpu.memory_space<vmem>>[vector<16xi32>], vector<16xf32>,
        %parallel_loop3A_601 = arith.constant 0.000000e+00 : f32
        %parallel_loop3A_602 = vector.broadcast %parallel_loop3A_601 : f32 to vector<16xf32>
        %parallel_loop3A_603 = arith.select %parallel_loop3A_590, %parallel_loop3A_599, %parallel_loop3A_602 : vector<16xi1>, vector<16xf32>
        %parallel_loop3A_604 = arith.constant 0 : i32
        %parallel_loop3A_605 = arith.addi %parallel_loop3A_604, %parallel_loop3A_582 : i32
        %parallel_loop3A_606 = arith.index_cast %parallel_loop3A_605 : i32 to index
        %parallel_loop3A_607 = tpu.vector_load %arg9[%parallel_loop3A_606] {strides = array<i32>} : memref<12544xf32, #tpu.memory_space<vmem>>, vector<16xf32>,
        tpu.vector_store %arg9[%parallel_loop3A_606], %parallel_loop3A_603 {strides = array<i32>} : memref<12544xf32, #tpu.memory_space<vmem>>, vector<16xf32>,
        %parallel_loop3A_608 = arith.select %parallel_loop3A_590, %parallel_loop3A_600, %parallel_loop3A_602 : vector<16xi1>, vector<16xf32>
        %parallel_loop3A_609 = arith.constant 0 : i32
        %parallel_loop3A_610 = arith.addi %parallel_loop3A_609, %parallel_loop3A_582 : i32
        %parallel_loop3A_611 = arith.index_cast %parallel_loop3A_610 : i32 to index
        %parallel_loop3A_612 = tpu.vector_load %arg10[%parallel_loop3A_611] {strides = array<i32>} : memref<12544xf32, #tpu.memory_space<vmem>>, vector<16xf32>,
        tpu.vector_store %arg10[%parallel_loop3A_611], %parallel_loop3A_608 {strides = array<i32>} : memref<12544xf32, #tpu.memory_space<vmem>>, vector<16xf32>,
      } {sc.loop_unroll_factor = 8 : i64, sc.parallel_access}
      %dma_start3A_103 = arith.constant 0 : i32
      %dma_start3A_104 = tpu.memref_slice %arg9[%dma_start3A_103] : memref<12544xf32, #tpu.memory_space<vmem>> -> memref<6272xf32, #tpu.memory_space<vmem>>
      %dma_start3A_105 = arith.constant 0 : i32
      %dma_start3A_106 = tpu.memref_slice %arg5[%add3A_32, %dma_start3A_105] : memref<768x50176xf32, #tpu.memory_space<hbm>> -> memref<1x6272xf32, #tpu.memory_space<hbm>>
      %dma_start3A_107 = tpu.memref_squeeze %dma_start3A_106 : memref<1x6272xf32, #tpu.memory_space<hbm>> -> memref<6272xf32, #tpu.memory_space<hbm>>
      %dma_start3A_108 = arith.constant 0 : i32
      %dma_start3A_109 = tpu.memref_slice %arg5[%add3A_32, %dma_start3A_108] : memref<768x50176xf32, #tpu.memory_space<hbm>> -> memref<1x6272xf32, #tpu.memory_space<hbm>>
      %dma_start3A_110 = tpu.memref_squeeze %dma_start3A_109 : memref<1x6272xf32, #tpu.memory_space<hbm>> -> memref<6272xf32, #tpu.memory_space<hbm>>
      %dma_start3A_111 = arith.constant 0 : i32
      %dma_start3A_112 = tpu.memref_slice %arg9[%dma_start3A_111] : memref<12544xf32, #tpu.memory_space<vmem>> -> memref<6272xf32, #tpu.memory_space<vmem>>
      tpu.enqueue_dma source(%dma_start3A_112 : memref<6272xf32, #tpu.memory_space<vmem>>) target(%dma_start3A_110 : memref<6272xf32, #tpu.memory_space<hbm>>) target_semaphore(%arg14 : memref<!tpu.dma_semaphore, #tpu.memory_space<semaphore_mem>>)
      %add3A_113 = arith.constant 384 : i32
      %add3A_114 = arith.addi %add3A_113, %add3A_32 : i32
      %dma_start3A_115 = arith.constant 0 : i32
      %dma_start3A_116 = tpu.memref_slice %arg10[%dma_start3A_115] : memref<12544xf32, #tpu.memory_space<vmem>> -> memref<6272xf32, #tpu.memory_space<vmem>>
      %dma_start3A_117 = arith.constant 0 : i32
      %dma_start3A_118 = tpu.memref_slice %arg5[%add3A_114, %dma_start3A_117] : memref<768x50176xf32, #tpu.memory_space<hbm>> -> memref<1x6272xf32, #tpu.memory_space<hbm>>
      %dma_start3A_119 = tpu.memref_squeeze %dma_start3A_118 : memref<1x6272xf32, #tpu.memory_space<hbm>> -> memref<6272xf32, #tpu.memory_space<hbm>>
      %dma_start3A_120 = arith.constant 0 : i32
      %dma_start3A_121 = tpu.memref_slice %arg5[%add3A_114, %dma_start3A_120] : memref<768x50176xf32, #tpu.memory_space<hbm>> -> memref<1x6272xf32, #tpu.memory_space<hbm>>
      %dma_start3A_122 = tpu.memref_squeeze %dma_start3A_121 : memref<1x6272xf32, #tpu.memory_space<hbm>> -> memref<6272xf32, #tpu.memory_space<hbm>>
      %dma_start3A_123 = arith.constant 0 : i32
      %dma_start3A_124 = tpu.memref_slice %arg10[%dma_start3A_123] : memref<12544xf32, #tpu.memory_space<vmem>> -> memref<6272xf32, #tpu.memory_space<vmem>>
      tpu.enqueue_dma source(%dma_start3A_124 : memref<6272xf32, #tpu.memory_space<vmem>>) target(%dma_start3A_122 : memref<6272xf32, #tpu.memory_space<hbm>>) target_semaphore(%arg14 : memref<!tpu.dma_semaphore, #tpu.memory_space<semaphore_mem>>)
      %dma_wait3A_125 = arith.constant 6272 : i32
      %dma_wait3A_126 = tpu.memref_slice %arg8[%dma_wait3A_125] : memref<18816xf32, #tpu.memory_space<vmem>> -> memref<6272xf32, #tpu.memory_space<vmem>>
      %dma_wait3A_127 = arith.constant 6272 : i32
      %dma_wait3A_128 = tpu.memref_slice %arg4[%add3A_32, %dma_wait3A_127] : memref<384x50176xf32, #tpu.memory_space<hbm>> -> memref<1x6272xf32, #tpu.memory_space<hbm>>
      %dma_wait3A_129 = tpu.memref_squeeze %dma_wait3A_128 : memref<1x6272xf32, #tpu.memory_space<hbm>> -> memref<6272xf32, #tpu.memory_space<hbm>>
      %dma_wait3A_130 = arith.constant 6272 : i32
      %dma_wait3A_131 = tpu.memref_slice %arg8[%dma_wait3A_130] : memref<18816xf32, #tpu.memory_space<vmem>> -> memref<6272xf32, #tpu.memory_space<vmem>>
      %dma_wait3A_132 = arith.constant 6272 : i32
      %dma_wait3A_133 = tpu.memref_slice %arg4[%add3A_32, %dma_wait3A_132] : memref<384x50176xf32, #tpu.memory_space<hbm>> -> memref<1x6272xf32, #tpu.memory_space<hbm>>
      %dma_wait3A_134 = tpu.memref_squeeze %dma_wait3A_133 : memref<1x6272xf32, #tpu.memory_space<hbm>> -> memref<6272xf32, #tpu.memory_space<hbm>>
      tpu.wait_dma2 semaphore(%arg12 : memref<!tpu.dma_semaphore, #tpu.memory_space<semaphore_mem>>) src(%dma_wait3A_134 : memref<6272xf32, #tpu.memory_space<hbm>>) dst(%dma_wait3A_131 : memref<6272xf32, #tpu.memory_space<vmem>>)
      %dma_start3A_135 = arith.constant 0 : i32
      %dma_start3A_136 = tpu.memref_slice %arg8[%dma_start3A_135] : memref<18816xf32, #tpu.memory_space<vmem>> -> memref<6272xf32, #tpu.memory_space<vmem>>
      %dma_start3A_137 = arith.constant 18816 : i32
      %dma_start3A_138 = tpu.memref_slice %arg4[%add3A_32, %dma_start3A_137] : memref<384x50176xf32, #tpu.memory_space<hbm>> -> memref<1x6272xf32, #tpu.memory_space<hbm>>
      %dma_start3A_139 = tpu.memref_squeeze %dma_start3A_138 : memref<1x6272xf32, #tpu.memory_space<hbm>> -> memref<6272xf32, #tpu.memory_space<hbm>>
      %dma_start3A_140 = arith.constant 0 : i32
      %dma_start3A_141 = tpu.memref_slice %arg8[%dma_start3A_140] : memref<18816xf32, #tpu.memory_space<vmem>> -> memref<6272xf32, #tpu.memory_space<vmem>>
      %dma_start3A_142 = arith.constant 18816 : i32
      %dma_start3A_143 = tpu.memref_slice %arg4[%add3A_32, %dma_start3A_142] : memref<384x50176xf32, #tpu.memory_space<hbm>> -> memref<1x6272xf32, #tpu.memory_space<hbm>>
      %dma_start3A_144 = tpu.memref_squeeze %dma_start3A_143 : memref<1x6272xf32, #tpu.memory_space<hbm>> -> memref<6272xf32, #tpu.memory_space<hbm>>
      tpu.enqueue_dma source(%dma_start3A_144 : memref<6272xf32, #tpu.memory_space<hbm>>) target(%dma_start3A_141 : memref<6272xf32, #tpu.memory_space<vmem>>) target_semaphore(%arg11 : memref<!tpu.dma_semaphore, #tpu.memory_space<semaphore_mem>>)
      %parallel_loop3A_145 = arith.constant 0 : i32
      %parallel_loop3A_146 = arith.constant 392 : i32
      %parallel_loop3A_147 = arith.constant 1 : i32
      scf.for %parallel_loop3A_580 = %parallel_loop3A_145 to %parallel_loop3A_146 step %parallel_loop3A_147  : i32 {
        %parallel_loop3A_581 = arith.constant 16 : i32
        %parallel_loop3A_582 = arith.muli %parallel_loop3A_580, %parallel_loop3A_581 : i32
        %parallel_loop3A_583 = arith.constant 6272 : i32
        %parallel_loop3A_584 = arith.addi %parallel_loop3A_583, %parallel_loop3A_582 : i32
        %parallel_loop3A_585 = arith.index_cast %parallel_loop3A_584 : i32 to index
        %parallel_loop3A_586 = tpu.vector_load %arg8[%parallel_loop3A_585] {strides = array<i32>} : memref<18816xf32, #tpu.memory_space<vmem>>, vector<16xf32>,
        %parallel_loop3A_587 = arith.fptosi %parallel_loop3A_586 : vector<16xf32> to vector<16xi32>
        %parallel_loop3A_588 = arith.constant 0 : i32
        %parallel_loop3A_589 = vector.broadcast %parallel_loop3A_588 : i32 to vector<16xi32>
        %parallel_loop3A_590 = arith.cmpi sgt, %parallel_loop3A_587, %parallel_loop3A_589 : vector<16xi32>
        %parallel_loop3A_591 = arith.constant 1 : i32
        %parallel_loop3A_592 = vector.broadcast %parallel_loop3A_591 : i32 to vector<16xi32>
        %parallel_loop3A_593 = arith.subi %parallel_loop3A_587, %parallel_loop3A_592 : vector<16xi32>
        %parallel_loop3A_594 = arith.constant 0 : i32
        %parallel_loop3A_595 = vector.broadcast %parallel_loop3A_594 : i32 to vector<16xi32>
        %parallel_loop3A_596 = arith.maxsi %parallel_loop3A_593, %parallel_loop3A_595 : vector<16xi32>
        %parallel_loop3A_597 = vector.broadcast %mul3A_35 : i32 to vector<16xi32>
        %parallel_loop3A_598 = arith.addi %parallel_loop3A_596, %parallel_loop3A_597 : vector<16xi32>
        %parallel_loop3A_599 = tpu.vector_load_idx %arg6[%parallel_loop3A_598] : memref<25088xf32, #tpu.memory_space<vmem>>[vector<16xi32>], vector<16xf32>,
        %parallel_loop3A_600 = tpu.vector_load_idx %arg7[%parallel_loop3A_598] : memref<25088xf32, #tpu.memory_space<vmem>>[vector<16xi32>], vector<16xf32>,
        %parallel_loop3A_601 = arith.constant 0.000000e+00 : f32
        %parallel_loop3A_602 = vector.broadcast %parallel_loop3A_601 : f32 to vector<16xf32>
        %parallel_loop3A_603 = arith.select %parallel_loop3A_590, %parallel_loop3A_599, %parallel_loop3A_602 : vector<16xi1>, vector<16xf32>
        %parallel_loop3A_604 = arith.constant 6272 : i32
        %parallel_loop3A_605 = arith.addi %parallel_loop3A_604, %parallel_loop3A_582 : i32
        %parallel_loop3A_606 = arith.index_cast %parallel_loop3A_605 : i32 to index
        %parallel_loop3A_607 = tpu.vector_load %arg9[%parallel_loop3A_606] {strides = array<i32>} : memref<12544xf32, #tpu.memory_space<vmem>>, vector<16xf32>,
        tpu.vector_store %arg9[%parallel_loop3A_606], %parallel_loop3A_603 {strides = array<i32>} : memref<12544xf32, #tpu.memory_space<vmem>>, vector<16xf32>,
        %parallel_loop3A_608 = arith.select %parallel_loop3A_590, %parallel_loop3A_600, %parallel_loop3A_602 : vector<16xi1>, vector<16xf32>
        %parallel_loop3A_609 = arith.constant 6272 : i32
        %parallel_loop3A_610 = arith.addi %parallel_loop3A_609, %parallel_loop3A_582 : i32
        %parallel_loop3A_611 = arith.index_cast %parallel_loop3A_610 : i32 to index
        %parallel_loop3A_612 = tpu.vector_load %arg10[%parallel_loop3A_611] {strides = array<i32>} : memref<12544xf32, #tpu.memory_space<vmem>>, vector<16xf32>,
        tpu.vector_store %arg10[%parallel_loop3A_611], %parallel_loop3A_608 {strides = array<i32>} : memref<12544xf32, #tpu.memory_space<vmem>>, vector<16xf32>,
      } {sc.loop_unroll_factor = 8 : i64, sc.parallel_access}
      %dma_start3A_148 = arith.constant 6272 : i32
      %dma_start3A_149 = tpu.memref_slice %arg9[%dma_start3A_148] : memref<12544xf32, #tpu.memory_space<vmem>> -> memref<6272xf32, #tpu.memory_space<vmem>>
      %dma_start3A_150 = arith.constant 6272 : i32
      %dma_start3A_151 = tpu.memref_slice %arg5[%add3A_32, %dma_start3A_150] : memref<768x50176xf32, #tpu.memory_space<hbm>> -> memref<1x6272xf32, #tpu.memory_space<hbm>>
      %dma_start3A_152 = tpu.memref_squeeze %dma_start3A_151 : memref<1x6272xf32, #tpu.memory_space<hbm>> -> memref<6272xf32, #tpu.memory_space<hbm>>
      %dma_start3A_153 = arith.constant 6272 : i32
      %dma_start3A_154 = tpu.memref_slice %arg5[%add3A_32, %dma_start3A_153] : memref<768x50176xf32, #tpu.memory_space<hbm>> -> memref<1x6272xf32, #tpu.memory_space<hbm>>
      %dma_start3A_155 = tpu.memref_squeeze %dma_start3A_154 : memref<1x6272xf32, #tpu.memory_space<hbm>> -> memref<6272xf32, #tpu.memory_space<hbm>>
      %dma_start3A_156 = arith.constant 6272 : i32
      %dma_start3A_157 = tpu.memref_slice %arg9[%dma_start3A_156] : memref<12544xf32, #tpu.memory_space<vmem>> -> memref<6272xf32, #tpu.memory_space<vmem>>
      tpu.enqueue_dma source(%dma_start3A_157 : memref<6272xf32, #tpu.memory_space<vmem>>) target(%dma_start3A_155 : memref<6272xf32, #tpu.memory_space<hbm>>) target_semaphore(%arg15 : memref<!tpu.dma_semaphore, #tpu.memory_space<semaphore_mem>>)
      %add3A_158 = arith.constant 384 : i32
      %add3A_159 = arith.addi %add3A_158, %add3A_32 : i32
      %dma_start3A_160 = arith.constant 6272 : i32
      %dma_start3A_161 = tpu.memref_slice %arg10[%dma_start3A_160] : memref<12544xf32, #tpu.memory_space<vmem>> -> memref<6272xf32, #tpu.memory_space<vmem>>
      %dma_start3A_162 = arith.constant 6272 : i32
      %dma_start3A_163 = tpu.memref_slice %arg5[%add3A_159, %dma_start3A_162] : memref<768x50176xf32, #tpu.memory_space<hbm>> -> memref<1x6272xf32, #tpu.memory_space<hbm>>
      %dma_start3A_164 = tpu.memref_squeeze %dma_start3A_163 : memref<1x6272xf32, #tpu.memory_space<hbm>> -> memref<6272xf32, #tpu.memory_space<hbm>>
      %dma_start3A_165 = arith.constant 6272 : i32
      %dma_start3A_166 = tpu.memref_slice %arg5[%add3A_159, %dma_start3A_165] : memref<768x50176xf32, #tpu.memory_space<hbm>> -> memref<1x6272xf32, #tpu.memory_space<hbm>>
      %dma_start3A_167 = tpu.memref_squeeze %dma_start3A_166 : memref<1x6272xf32, #tpu.memory_space<hbm>> -> memref<6272xf32, #tpu.memory_space<hbm>>
      %dma_start3A_168 = arith.constant 6272 : i32
      %dma_start3A_169 = tpu.memref_slice %arg10[%dma_start3A_168] : memref<12544xf32, #tpu.memory_space<vmem>> -> memref<6272xf32, #tpu.memory_space<vmem>>
      tpu.enqueue_dma source(%dma_start3A_169 : memref<6272xf32, #tpu.memory_space<vmem>>) target(%dma_start3A_167 : memref<6272xf32, #tpu.memory_space<hbm>>) target_semaphore(%arg15 : memref<!tpu.dma_semaphore, #tpu.memory_space<semaphore_mem>>)
      %dma_wait3A_170 = arith.constant 12544 : i32
      %dma_wait3A_171 = tpu.memref_slice %arg8[%dma_wait3A_170] : memref<18816xf32, #tpu.memory_space<vmem>> -> memref<6272xf32, #tpu.memory_space<vmem>>
      %dma_wait3A_172 = arith.constant 12544 : i32
      %dma_wait3A_173 = tpu.memref_slice %arg4[%add3A_32, %dma_wait3A_172] : memref<384x50176xf32, #tpu.memory_space<hbm>> -> memref<1x6272xf32, #tpu.memory_space<hbm>>
      %dma_wait3A_174 = tpu.memref_squeeze %dma_wait3A_173 : memref<1x6272xf32, #tpu.memory_space<hbm>> -> memref<6272xf32, #tpu.memory_space<hbm>>
      %dma_wait3A_175 = arith.constant 12544 : i32
      %dma_wait3A_176 = tpu.memref_slice %arg8[%dma_wait3A_175] : memref<18816xf32, #tpu.memory_space<vmem>> -> memref<6272xf32, #tpu.memory_space<vmem>>
      %dma_wait3A_177 = arith.constant 12544 : i32
      %dma_wait3A_178 = tpu.memref_slice %arg4[%add3A_32, %dma_wait3A_177] : memref<384x50176xf32, #tpu.memory_space<hbm>> -> memref<1x6272xf32, #tpu.memory_space<hbm>>
      %dma_wait3A_179 = tpu.memref_squeeze %dma_wait3A_178 : memref<1x6272xf32, #tpu.memory_space<hbm>> -> memref<6272xf32, #tpu.memory_space<hbm>>
      tpu.wait_dma2 semaphore(%arg13 : memref<!tpu.dma_semaphore, #tpu.memory_space<semaphore_mem>>) src(%dma_wait3A_179 : memref<6272xf32, #tpu.memory_space<hbm>>) dst(%dma_wait3A_176 : memref<6272xf32, #tpu.memory_space<vmem>>)
      %dma_start3A_180 = arith.constant 6272 : i32
      %dma_start3A_181 = tpu.memref_slice %arg8[%dma_start3A_180] : memref<18816xf32, #tpu.memory_space<vmem>> -> memref<6272xf32, #tpu.memory_space<vmem>>
      %dma_start3A_182 = arith.constant 25088 : i32
      %dma_start3A_183 = tpu.memref_slice %arg4[%add3A_32, %dma_start3A_182] : memref<384x50176xf32, #tpu.memory_space<hbm>> -> memref<1x6272xf32, #tpu.memory_space<hbm>>
      %dma_start3A_184 = tpu.memref_squeeze %dma_start3A_183 : memref<1x6272xf32, #tpu.memory_space<hbm>> -> memref<6272xf32, #tpu.memory_space<hbm>>
      %dma_start3A_185 = arith.constant 6272 : i32
      %dma_start3A_186 = tpu.memref_slice %arg8[%dma_start3A_185] : memref<18816xf32, #tpu.memory_space<vmem>> -> memref<6272xf32, #tpu.memory_space<vmem>>
      %dma_start3A_187 = arith.constant 25088 : i32
      %dma_start3A_188 = tpu.memref_slice %arg4[%add3A_32, %dma_start3A_187] : memref<384x50176xf32, #tpu.memory_space<hbm>> -> memref<1x6272xf32, #tpu.memory_space<hbm>>
      %dma_start3A_189 = tpu.memref_squeeze %dma_start3A_188 : memref<1x6272xf32, #tpu.memory_space<hbm>> -> memref<6272xf32, #tpu.memory_space<hbm>>
      tpu.enqueue_dma source(%dma_start3A_189 : memref<6272xf32, #tpu.memory_space<hbm>>) target(%dma_start3A_186 : memref<6272xf32, #tpu.memory_space<vmem>>) target_semaphore(%arg12 : memref<!tpu.dma_semaphore, #tpu.memory_space<semaphore_mem>>)
      %dma_wait3A_190 = arith.constant 0 : i32
      %dma_wait3A_191 = tpu.memref_slice %arg9[%dma_wait3A_190] : memref<12544xf32, #tpu.memory_space<vmem>> -> memref<6272xf32, #tpu.memory_space<vmem>>
      %dma_wait3A_192 = arith.constant 0 : i32
      %dma_wait3A_193 = tpu.memref_slice %arg5[%add3A_32, %dma_wait3A_192] : memref<768x50176xf32, #tpu.memory_space<hbm>> -> memref<1x6272xf32, #tpu.memory_space<hbm>>
      %dma_wait3A_194 = tpu.memref_squeeze %dma_wait3A_193 : memref<1x6272xf32, #tpu.memory_space<hbm>> -> memref<6272xf32, #tpu.memory_space<hbm>>
      %dma_wait3A_195 = arith.constant 0 : i32
      %dma_wait3A_196 = tpu.memref_slice %arg5[%add3A_32, %dma_wait3A_195] : memref<768x50176xf32, #tpu.memory_space<hbm>> -> memref<1x6272xf32, #tpu.memory_space<hbm>>
      %dma_wait3A_197 = tpu.memref_squeeze %dma_wait3A_196 : memref<1x6272xf32, #tpu.memory_space<hbm>> -> memref<6272xf32, #tpu.memory_space<hbm>>
      %dma_wait3A_198 = arith.constant 0 : i32
      %dma_wait3A_199 = tpu.memref_slice %arg9[%dma_wait3A_198] : memref<12544xf32, #tpu.memory_space<vmem>> -> memref<6272xf32, #tpu.memory_space<vmem>>
      tpu.wait_dma2 semaphore(%arg14 : memref<!tpu.dma_semaphore, #tpu.memory_space<semaphore_mem>>) src(%dma_wait3A_199 : memref<6272xf32, #tpu.memory_space<vmem>>) dst(%dma_wait3A_197 : memref<6272xf32, #tpu.memory_space<hbm>>)
      %dma_wait3A_200 = arith.constant 0 : i32
      %dma_wait3A_201 = tpu.memref_slice %arg10[%dma_wait3A_200] : memref<12544xf32, #tpu.memory_space<vmem>> -> memref<6272xf32, #tpu.memory_space<vmem>>
      %dma_wait3A_202 = arith.constant 0 : i32
      %dma_wait3A_203 = tpu.memref_slice %arg5[%add3A_114, %dma_wait3A_202] : memref<768x50176xf32, #tpu.memory_space<hbm>> -> memref<1x6272xf32, #tpu.memory_space<hbm>>
      %dma_wait3A_204 = tpu.memref_squeeze %dma_wait3A_203 : memref<1x6272xf32, #tpu.memory_space<hbm>> -> memref<6272xf32, #tpu.memory_space<hbm>>
      %dma_wait3A_205 = arith.constant 0 : i32
      %dma_wait3A_206 = tpu.memref_slice %arg5[%add3A_114, %dma_wait3A_205] : memref<768x50176xf32, #tpu.memory_space<hbm>> -> memref<1x6272xf32, #tpu.memory_space<hbm>>
      %dma_wait3A_207 = tpu.memref_squeeze %dma_wait3A_206 : memref<1x6272xf32, #tpu.memory_space<hbm>> -> memref<6272xf32, #tpu.memory_space<hbm>>
      %dma_wait3A_208 = arith.constant 0 : i32
      %dma_wait3A_209 = tpu.memref_slice %arg10[%dma_wait3A_208] : memref<12544xf32, #tpu.memory_space<vmem>> -> memref<6272xf32, #tpu.memory_space<vmem>>
      tpu.wait_dma2 semaphore(%arg14 : memref<!tpu.dma_semaphore, #tpu.memory_space<semaphore_mem>>) src(%dma_wait3A_209 : memref<6272xf32, #tpu.memory_space<vmem>>) dst(%dma_wait3A_207 : memref<6272xf32, #tpu.memory_space<hbm>>)
      %parallel_loop3A_210 = arith.constant 0 : i32
      %parallel_loop3A_211 = arith.constant 392 : i32
      %parallel_loop3A_212 = arith.constant 1 : i32
      scf.for %parallel_loop3A_580 = %parallel_loop3A_210 to %parallel_loop3A_211 step %parallel_loop3A_212  : i32 {
        %parallel_loop3A_581 = arith.constant 16 : i32
        %parallel_loop3A_582 = arith.muli %parallel_loop3A_580, %parallel_loop3A_581 : i32
        %parallel_loop3A_583 = arith.constant 12544 : i32
        %parallel_loop3A_584 = arith.addi %parallel_loop3A_583, %parallel_loop3A_582 : i32
        %parallel_loop3A_585 = arith.index_cast %parallel_loop3A_584 : i32 to index
        %parallel_loop3A_586 = tpu.vector_load %arg8[%parallel_loop3A_585] {strides = array<i32>} : memref<18816xf32, #tpu.memory_space<vmem>>, vector<16xf32>,
        %parallel_loop3A_587 = arith.fptosi %parallel_loop3A_586 : vector<16xf32> to vector<16xi32>
        %parallel_loop3A_588 = arith.constant 0 : i32
        %parallel_loop3A_589 = vector.broadcast %parallel_loop3A_588 : i32 to vector<16xi32>
        %parallel_loop3A_590 = arith.cmpi sgt, %parallel_loop3A_587, %parallel_loop3A_589 : vector<16xi32>
        %parallel_loop3A_591 = arith.constant 1 : i32
        %parallel_loop3A_592 = vector.broadcast %parallel_loop3A_591 : i32 to vector<16xi32>
        %parallel_loop3A_593 = arith.subi %parallel_loop3A_587, %parallel_loop3A_592 : vector<16xi32>
        %parallel_loop3A_594 = arith.constant 0 : i32
        %parallel_loop3A_595 = vector.broadcast %parallel_loop3A_594 : i32 to vector<16xi32>
        %parallel_loop3A_596 = arith.maxsi %parallel_loop3A_593, %parallel_loop3A_595 : vector<16xi32>
        %parallel_loop3A_597 = vector.broadcast %mul3A_35 : i32 to vector<16xi32>
        %parallel_loop3A_598 = arith.addi %parallel_loop3A_596, %parallel_loop3A_597 : vector<16xi32>
        %parallel_loop3A_599 = tpu.vector_load_idx %arg6[%parallel_loop3A_598] : memref<25088xf32, #tpu.memory_space<vmem>>[vector<16xi32>], vector<16xf32>,
        %parallel_loop3A_600 = tpu.vector_load_idx %arg7[%parallel_loop3A_598] : memref<25088xf32, #tpu.memory_space<vmem>>[vector<16xi32>], vector<16xf32>,
        %parallel_loop3A_601 = arith.constant 0.000000e+00 : f32
        %parallel_loop3A_602 = vector.broadcast %parallel_loop3A_601 : f32 to vector<16xf32>
        %parallel_loop3A_603 = arith.select %parallel_loop3A_590, %parallel_loop3A_599, %parallel_loop3A_602 : vector<16xi1>, vector<16xf32>
        %parallel_loop3A_604 = arith.constant 0 : i32
        %parallel_loop3A_605 = arith.addi %parallel_loop3A_604, %parallel_loop3A_582 : i32
        %parallel_loop3A_606 = arith.index_cast %parallel_loop3A_605 : i32 to index
        %parallel_loop3A_607 = tpu.vector_load %arg9[%parallel_loop3A_606] {strides = array<i32>} : memref<12544xf32, #tpu.memory_space<vmem>>, vector<16xf32>,
        tpu.vector_store %arg9[%parallel_loop3A_606], %parallel_loop3A_603 {strides = array<i32>} : memref<12544xf32, #tpu.memory_space<vmem>>, vector<16xf32>,
        %parallel_loop3A_608 = arith.select %parallel_loop3A_590, %parallel_loop3A_600, %parallel_loop3A_602 : vector<16xi1>, vector<16xf32>
        %parallel_loop3A_609 = arith.constant 0 : i32
        %parallel_loop3A_610 = arith.addi %parallel_loop3A_609, %parallel_loop3A_582 : i32
        %parallel_loop3A_611 = arith.index_cast %parallel_loop3A_610 : i32 to index
        %parallel_loop3A_612 = tpu.vector_load %arg10[%parallel_loop3A_611] {strides = array<i32>} : memref<12544xf32, #tpu.memory_space<vmem>>, vector<16xf32>,
        tpu.vector_store %arg10[%parallel_loop3A_611], %parallel_loop3A_608 {strides = array<i32>} : memref<12544xf32, #tpu.memory_space<vmem>>, vector<16xf32>,
      } {sc.loop_unroll_factor = 8 : i64, sc.parallel_access}
      %dma_start3A_213 = arith.constant 0 : i32
      %dma_start3A_214 = tpu.memref_slice %arg9[%dma_start3A_213] : memref<12544xf32, #tpu.memory_space<vmem>> -> memref<6272xf32, #tpu.memory_space<vmem>>
      %dma_start3A_215 = arith.constant 12544 : i32
      %dma_start3A_216 = tpu.memref_slice %arg5[%add3A_32, %dma_start3A_215] : memref<768x50176xf32, #tpu.memory_space<hbm>> -> memref<1x6272xf32, #tpu.memory_space<hbm>>
      %dma_start3A_217 = tpu.memref_squeeze %dma_start3A_216 : memref<1x6272xf32, #tpu.memory_space<hbm>> -> memref<6272xf32, #tpu.memory_space<hbm>>
      %dma_start3A_218 = arith.constant 12544 : i32
      %dma_start3A_219 = tpu.memref_slice %arg5[%add3A_32, %dma_start3A_218] : memref<768x50176xf32, #tpu.memory_space<hbm>> -> memref<1x6272xf32, #tpu.memory_space<hbm>>
      %dma_start3A_220 = tpu.memref_squeeze %dma_start3A_219 : memref<1x6272xf32, #tpu.memory_space<hbm>> -> memref<6272xf32, #tpu.memory_space<hbm>>
      %dma_start3A_221 = arith.constant 0 : i32
      %dma_start3A_222 = tpu.memref_slice %arg9[%dma_start3A_221] : memref<12544xf32, #tpu.memory_space<vmem>> -> memref<6272xf32, #tpu.memory_space<vmem>>
      tpu.enqueue_dma source(%dma_start3A_222 : memref<6272xf32, #tpu.memory_space<vmem>>) target(%dma_start3A_220 : memref<6272xf32, #tpu.memory_space<hbm>>) target_semaphore(%arg14 : memref<!tpu.dma_semaphore, #tpu.memory_space<semaphore_mem>>)
      %add3A_223 = arith.constant 384 : i32
      %add3A_224 = arith.addi %add3A_223, %add3A_32 : i32
      %dma_start3A_225 = arith.constant 0 : i32
      %dma_start3A_226 = tpu.memref_slice %arg10[%dma_start3A_225] : memref<12544xf32, #tpu.memory_space<vmem>> -> memref<6272xf32, #tpu.memory_space<vmem>>
      %dma_start3A_227 = arith.constant 12544 : i32
      %dma_start3A_228 = tpu.memref_slice %arg5[%add3A_224, %dma_start3A_227] : memref<768x50176xf32, #tpu.memory_space<hbm>> -> memref<1x6272xf32, #tpu.memory_space<hbm>>
      %dma_start3A_229 = tpu.memref_squeeze %dma_start3A_228 : memref<1x6272xf32, #tpu.memory_space<hbm>> -> memref<6272xf32, #tpu.memory_space<hbm>>
      %dma_start3A_230 = arith.constant 12544 : i32
      %dma_start3A_231 = tpu.memref_slice %arg5[%add3A_224, %dma_start3A_230] : memref<768x50176xf32, #tpu.memory_space<hbm>> -> memref<1x6272xf32, #tpu.memory_space<hbm>>
      %dma_start3A_232 = tpu.memref_squeeze %dma_start3A_231 : memref<1x6272xf32, #tpu.memory_space<hbm>> -> memref<6272xf32, #tpu.memory_space<hbm>>
      %dma_start3A_233 = arith.constant 0 : i32
      %dma_start3A_234 = tpu.memref_slice %arg10[%dma_start3A_233] : memref<12544xf32, #tpu.memory_space<vmem>> -> memref<6272xf32, #tpu.memory_space<vmem>>
      tpu.enqueue_dma source(%dma_start3A_234 : memref<6272xf32, #tpu.memory_space<vmem>>) target(%dma_start3A_232 : memref<6272xf32, #tpu.memory_space<hbm>>) target_semaphore(%arg14 : memref<!tpu.dma_semaphore, #tpu.memory_space<semaphore_mem>>)
      %dma_wait3A_235 = arith.constant 0 : i32
      %dma_wait3A_236 = tpu.memref_slice %arg8[%dma_wait3A_235] : memref<18816xf32, #tpu.memory_space<vmem>> -> memref<6272xf32, #tpu.memory_space<vmem>>
      %dma_wait3A_237 = arith.constant 18816 : i32
      %dma_wait3A_238 = tpu.memref_slice %arg4[%add3A_32, %dma_wait3A_237] : memref<384x50176xf32, #tpu.memory_space<hbm>> -> memref<1x6272xf32, #tpu.memory_space<hbm>>
      %dma_wait3A_239 = tpu.memref_squeeze %dma_wait3A_238 : memref<1x6272xf32, #tpu.memory_space<hbm>> -> memref<6272xf32, #tpu.memory_space<hbm>>
      %dma_wait3A_240 = arith.constant 0 : i32
      %dma_wait3A_241 = tpu.memref_slice %arg8[%dma_wait3A_240] : memref<18816xf32, #tpu.memory_space<vmem>> -> memref<6272xf32, #tpu.memory_space<vmem>>
      %dma_wait3A_242 = arith.constant 18816 : i32
      %dma_wait3A_243 = tpu.memref_slice %arg4[%add3A_32, %dma_wait3A_242] : memref<384x50176xf32, #tpu.memory_space<hbm>> -> memref<1x6272xf32, #tpu.memory_space<hbm>>
      %dma_wait3A_244 = tpu.memref_squeeze %dma_wait3A_243 : memref<1x6272xf32, #tpu.memory_space<hbm>> -> memref<6272xf32, #tpu.memory_space<hbm>>
      tpu.wait_dma2 semaphore(%arg11 : memref<!tpu.dma_semaphore, #tpu.memory_space<semaphore_mem>>) src(%dma_wait3A_244 : memref<6272xf32, #tpu.memory_space<hbm>>) dst(%dma_wait3A_241 : memref<6272xf32, #tpu.memory_space<vmem>>)
      %dma_start3A_245 = arith.constant 12544 : i32
      %dma_start3A_246 = tpu.memref_slice %arg8[%dma_start3A_245] : memref<18816xf32, #tpu.memory_space<vmem>> -> memref<6272xf32, #tpu.memory_space<vmem>>
      %dma_start3A_247 = arith.constant 31360 : i32
      %dma_start3A_248 = tpu.memref_slice %arg4[%add3A_32, %dma_start3A_247] : memref<384x50176xf32, #tpu.memory_space<hbm>> -> memref<1x6272xf32, #tpu.memory_space<hbm>>
      %dma_start3A_249 = tpu.memref_squeeze %dma_start3A_248 : memref<1x6272xf32, #tpu.memory_space<hbm>> -> memref<6272xf32, #tpu.memory_space<hbm>>
      %dma_start3A_250 = arith.constant 12544 : i32
      %dma_start3A_251 = tpu.memref_slice %arg8[%dma_start3A_250] : memref<18816xf32, #tpu.memory_space<vmem>> -> memref<6272xf32, #tpu.memory_space<vmem>>
      %dma_start3A_252 = arith.constant 31360 : i32
      %dma_start3A_253 = tpu.memref_slice %arg4[%add3A_32, %dma_start3A_252] : memref<384x50176xf32, #tpu.memory_space<hbm>> -> memref<1x6272xf32, #tpu.memory_space<hbm>>
      %dma_start3A_254 = tpu.memref_squeeze %dma_start3A_253 : memref<1x6272xf32, #tpu.memory_space<hbm>> -> memref<6272xf32, #tpu.memory_space<hbm>>
      tpu.enqueue_dma source(%dma_start3A_254 : memref<6272xf32, #tpu.memory_space<hbm>>) target(%dma_start3A_251 : memref<6272xf32, #tpu.memory_space<vmem>>) target_semaphore(%arg13 : memref<!tpu.dma_semaphore, #tpu.memory_space<semaphore_mem>>)
      %dma_wait3A_255 = arith.constant 6272 : i32
      %dma_wait3A_256 = tpu.memref_slice %arg9[%dma_wait3A_255] : memref<12544xf32, #tpu.memory_space<vmem>> -> memref<6272xf32, #tpu.memory_space<vmem>>
      %dma_wait3A_257 = arith.constant 6272 : i32
      %dma_wait3A_258 = tpu.memref_slice %arg5[%add3A_32, %dma_wait3A_257] : memref<768x50176xf32, #tpu.memory_space<hbm>> -> memref<1x6272xf32, #tpu.memory_space<hbm>>
      %dma_wait3A_259 = tpu.memref_squeeze %dma_wait3A_258 : memref<1x6272xf32, #tpu.memory_space<hbm>> -> memref<6272xf32, #tpu.memory_space<hbm>>
      %dma_wait3A_260 = arith.constant 6272 : i32
      %dma_wait3A_261 = tpu.memref_slice %arg5[%add3A_32, %dma_wait3A_260] : memref<768x50176xf32, #tpu.memory_space<hbm>> -> memref<1x6272xf32, #tpu.memory_space<hbm>>
      %dma_wait3A_262 = tpu.memref_squeeze %dma_wait3A_261 : memref<1x6272xf32, #tpu.memory_space<hbm>> -> memref<6272xf32, #tpu.memory_space<hbm>>
      %dma_wait3A_263 = arith.constant 6272 : i32
      %dma_wait3A_264 = tpu.memref_slice %arg9[%dma_wait3A_263] : memref<12544xf32, #tpu.memory_space<vmem>> -> memref<6272xf32, #tpu.memory_space<vmem>>
      tpu.wait_dma2 semaphore(%arg15 : memref<!tpu.dma_semaphore, #tpu.memory_space<semaphore_mem>>) src(%dma_wait3A_264 : memref<6272xf32, #tpu.memory_space<vmem>>) dst(%dma_wait3A_262 : memref<6272xf32, #tpu.memory_space<hbm>>)
      %dma_wait3A_265 = arith.constant 6272 : i32
      %dma_wait3A_266 = tpu.memref_slice %arg10[%dma_wait3A_265] : memref<12544xf32, #tpu.memory_space<vmem>> -> memref<6272xf32, #tpu.memory_space<vmem>>
      %dma_wait3A_267 = arith.constant 6272 : i32
      %dma_wait3A_268 = tpu.memref_slice %arg5[%add3A_159, %dma_wait3A_267] : memref<768x50176xf32, #tpu.memory_space<hbm>> -> memref<1x6272xf32, #tpu.memory_space<hbm>>
      %dma_wait3A_269 = tpu.memref_squeeze %dma_wait3A_268 : memref<1x6272xf32, #tpu.memory_space<hbm>> -> memref<6272xf32, #tpu.memory_space<hbm>>
      %dma_wait3A_270 = arith.constant 6272 : i32
      %dma_wait3A_271 = tpu.memref_slice %arg5[%add3A_159, %dma_wait3A_270] : memref<768x50176xf32, #tpu.memory_space<hbm>> -> memref<1x6272xf32, #tpu.memory_space<hbm>>
      %dma_wait3A_272 = tpu.memref_squeeze %dma_wait3A_271 : memref<1x6272xf32, #tpu.memory_space<hbm>> -> memref<6272xf32, #tpu.memory_space<hbm>>
      %dma_wait3A_273 = arith.constant 6272 : i32
      %dma_wait3A_274 = tpu.memref_slice %arg10[%dma_wait3A_273] : memref<12544xf32, #tpu.memory_space<vmem>> -> memref<6272xf32, #tpu.memory_space<vmem>>
      tpu.wait_dma2 semaphore(%arg15 : memref<!tpu.dma_semaphore, #tpu.memory_space<semaphore_mem>>) src(%dma_wait3A_274 : memref<6272xf32, #tpu.memory_space<vmem>>) dst(%dma_wait3A_272 : memref<6272xf32, #tpu.memory_space<hbm>>)
      %parallel_loop3A_275 = arith.constant 0 : i32
      %parallel_loop3A_276 = arith.constant 392 : i32
      %parallel_loop3A_277 = arith.constant 1 : i32
      scf.for %parallel_loop3A_580 = %parallel_loop3A_275 to %parallel_loop3A_276 step %parallel_loop3A_277  : i32 {
        %parallel_loop3A_581 = arith.constant 16 : i32
        %parallel_loop3A_582 = arith.muli %parallel_loop3A_580, %parallel_loop3A_581 : i32
        %parallel_loop3A_583 = arith.constant 0 : i32
        %parallel_loop3A_584 = arith.addi %parallel_loop3A_583, %parallel_loop3A_582 : i32
        %parallel_loop3A_585 = arith.index_cast %parallel_loop3A_584 : i32 to index
        %parallel_loop3A_586 = tpu.vector_load %arg8[%parallel_loop3A_585] {strides = array<i32>} : memref<18816xf32, #tpu.memory_space<vmem>>, vector<16xf32>,
        %parallel_loop3A_587 = arith.fptosi %parallel_loop3A_586 : vector<16xf32> to vector<16xi32>
        %parallel_loop3A_588 = arith.constant 0 : i32
        %parallel_loop3A_589 = vector.broadcast %parallel_loop3A_588 : i32 to vector<16xi32>
        %parallel_loop3A_590 = arith.cmpi sgt, %parallel_loop3A_587, %parallel_loop3A_589 : vector<16xi32>
        %parallel_loop3A_591 = arith.constant 1 : i32
        %parallel_loop3A_592 = vector.broadcast %parallel_loop3A_591 : i32 to vector<16xi32>
        %parallel_loop3A_593 = arith.subi %parallel_loop3A_587, %parallel_loop3A_592 : vector<16xi32>
        %parallel_loop3A_594 = arith.constant 0 : i32
        %parallel_loop3A_595 = vector.broadcast %parallel_loop3A_594 : i32 to vector<16xi32>
        %parallel_loop3A_596 = arith.maxsi %parallel_loop3A_593, %parallel_loop3A_595 : vector<16xi32>
        %parallel_loop3A_597 = vector.broadcast %mul3A_35 : i32 to vector<16xi32>
        %parallel_loop3A_598 = arith.addi %parallel_loop3A_596, %parallel_loop3A_597 : vector<16xi32>
        %parallel_loop3A_599 = tpu.vector_load_idx %arg6[%parallel_loop3A_598] : memref<25088xf32, #tpu.memory_space<vmem>>[vector<16xi32>], vector<16xf32>,
        %parallel_loop3A_600 = tpu.vector_load_idx %arg7[%parallel_loop3A_598] : memref<25088xf32, #tpu.memory_space<vmem>>[vector<16xi32>], vector<16xf32>,
        %parallel_loop3A_601 = arith.constant 0.000000e+00 : f32
        %parallel_loop3A_602 = vector.broadcast %parallel_loop3A_601 : f32 to vector<16xf32>
        %parallel_loop3A_603 = arith.select %parallel_loop3A_590, %parallel_loop3A_599, %parallel_loop3A_602 : vector<16xi1>, vector<16xf32>
        %parallel_loop3A_604 = arith.constant 6272 : i32
        %parallel_loop3A_605 = arith.addi %parallel_loop3A_604, %parallel_loop3A_582 : i32
        %parallel_loop3A_606 = arith.index_cast %parallel_loop3A_605 : i32 to index
        %parallel_loop3A_607 = tpu.vector_load %arg9[%parallel_loop3A_606] {strides = array<i32>} : memref<12544xf32, #tpu.memory_space<vmem>>, vector<16xf32>,
        tpu.vector_store %arg9[%parallel_loop3A_606], %parallel_loop3A_603 {strides = array<i32>} : memref<12544xf32, #tpu.memory_space<vmem>>, vector<16xf32>,
        %parallel_loop3A_608 = arith.select %parallel_loop3A_590, %parallel_loop3A_600, %parallel_loop3A_602 : vector<16xi1>, vector<16xf32>
        %parallel_loop3A_609 = arith.constant 6272 : i32
        %parallel_loop3A_610 = arith.addi %parallel_loop3A_609, %parallel_loop3A_582 : i32
        %parallel_loop3A_611 = arith.index_cast %parallel_loop3A_610 : i32 to index
        %parallel_loop3A_612 = tpu.vector_load %arg10[%parallel_loop3A_611] {strides = array<i32>} : memref<12544xf32, #tpu.memory_space<vmem>>, vector<16xf32>,
        tpu.vector_store %arg10[%parallel_loop3A_611], %parallel_loop3A_608 {strides = array<i32>} : memref<12544xf32, #tpu.memory_space<vmem>>, vector<16xf32>,
      } {sc.loop_unroll_factor = 8 : i64, sc.parallel_access}
      %dma_start3A_278 = arith.constant 6272 : i32
      %dma_start3A_279 = tpu.memref_slice %arg9[%dma_start3A_278] : memref<12544xf32, #tpu.memory_space<vmem>> -> memref<6272xf32, #tpu.memory_space<vmem>>
      %dma_start3A_280 = arith.constant 18816 : i32
      %dma_start3A_281 = tpu.memref_slice %arg5[%add3A_32, %dma_start3A_280] : memref<768x50176xf32, #tpu.memory_space<hbm>> -> memref<1x6272xf32, #tpu.memory_space<hbm>>
      %dma_start3A_282 = tpu.memref_squeeze %dma_start3A_281 : memref<1x6272xf32, #tpu.memory_space<hbm>> -> memref<6272xf32, #tpu.memory_space<hbm>>
      %dma_start3A_283 = arith.constant 18816 : i32
      %dma_start3A_284 = tpu.memref_slice %arg5[%add3A_32, %dma_start3A_283] : memref<768x50176xf32, #tpu.memory_space<hbm>> -> memref<1x6272xf32, #tpu.memory_space<hbm>>
      %dma_start3A_285 = tpu.memref_squeeze %dma_start3A_284 : memref<1x6272xf32, #tpu.memory_space<hbm>> -> memref<6272xf32, #tpu.memory_space<hbm>>
      %dma_start3A_286 = arith.constant 6272 : i32
      %dma_start3A_287 = tpu.memref_slice %arg9[%dma_start3A_286] : memref<12544xf32, #tpu.memory_space<vmem>> -> memref<6272xf32, #tpu.memory_space<vmem>>
      tpu.enqueue_dma source(%dma_start3A_287 : memref<6272xf32, #tpu.memory_space<vmem>>) target(%dma_start3A_285 : memref<6272xf32, #tpu.memory_space<hbm>>) target_semaphore(%arg15 : memref<!tpu.dma_semaphore, #tpu.memory_space<semaphore_mem>>)
      %add3A_288 = arith.constant 384 : i32
      %add3A_289 = arith.addi %add3A_288, %add3A_32 : i32
      %dma_start3A_290 = arith.constant 6272 : i32
      %dma_start3A_291 = tpu.memref_slice %arg10[%dma_start3A_290] : memref<12544xf32, #tpu.memory_space<vmem>> -> memref<6272xf32, #tpu.memory_space<vmem>>
      %dma_start3A_292 = arith.constant 18816 : i32
      %dma_start3A_293 = tpu.memref_slice %arg5[%add3A_289, %dma_start3A_292] : memref<768x50176xf32, #tpu.memory_space<hbm>> -> memref<1x6272xf32, #tpu.memory_space<hbm>>
      %dma_start3A_294 = tpu.memref_squeeze %dma_start3A_293 : memref<1x6272xf32, #tpu.memory_space<hbm>> -> memref<6272xf32, #tpu.memory_space<hbm>>
      %dma_start3A_295 = arith.constant 18816 : i32
      %dma_start3A_296 = tpu.memref_slice %arg5[%add3A_289, %dma_start3A_295] : memref<768x50176xf32, #tpu.memory_space<hbm>> -> memref<1x6272xf32, #tpu.memory_space<hbm>>
      %dma_start3A_297 = tpu.memref_squeeze %dma_start3A_296 : memref<1x6272xf32, #tpu.memory_space<hbm>> -> memref<6272xf32, #tpu.memory_space<hbm>>
      %dma_start3A_298 = arith.constant 6272 : i32
      %dma_start3A_299 = tpu.memref_slice %arg10[%dma_start3A_298] : memref<12544xf32, #tpu.memory_space<vmem>> -> memref<6272xf32, #tpu.memory_space<vmem>>
      tpu.enqueue_dma source(%dma_start3A_299 : memref<6272xf32, #tpu.memory_space<vmem>>) target(%dma_start3A_297 : memref<6272xf32, #tpu.memory_space<hbm>>) target_semaphore(%arg15 : memref<!tpu.dma_semaphore, #tpu.memory_space<semaphore_mem>>)
      %dma_wait3A_300 = arith.constant 6272 : i32
      %dma_wait3A_301 = tpu.memref_slice %arg8[%dma_wait3A_300] : memref<18816xf32, #tpu.memory_space<vmem>> -> memref<6272xf32, #tpu.memory_space<vmem>>
      %dma_wait3A_302 = arith.constant 25088 : i32
      %dma_wait3A_303 = tpu.memref_slice %arg4[%add3A_32, %dma_wait3A_302] : memref<384x50176xf32, #tpu.memory_space<hbm>> -> memref<1x6272xf32, #tpu.memory_space<hbm>>
      %dma_wait3A_304 = tpu.memref_squeeze %dma_wait3A_303 : memref<1x6272xf32, #tpu.memory_space<hbm>> -> memref<6272xf32, #tpu.memory_space<hbm>>
      %dma_wait3A_305 = arith.constant 6272 : i32
      %dma_wait3A_306 = tpu.memref_slice %arg8[%dma_wait3A_305] : memref<18816xf32, #tpu.memory_space<vmem>> -> memref<6272xf32, #tpu.memory_space<vmem>>
      %dma_wait3A_307 = arith.constant 25088 : i32
      %dma_wait3A_308 = tpu.memref_slice %arg4[%add3A_32, %dma_wait3A_307] : memref<384x50176xf32, #tpu.memory_space<hbm>> -> memref<1x6272xf32, #tpu.memory_space<hbm>>
      %dma_wait3A_309 = tpu.memref_squeeze %dma_wait3A_308 : memref<1x6272xf32, #tpu.memory_space<hbm>> -> memref<6272xf32, #tpu.memory_space<hbm>>
      tpu.wait_dma2 semaphore(%arg12 : memref<!tpu.dma_semaphore, #tpu.memory_space<semaphore_mem>>) src(%dma_wait3A_309 : memref<6272xf32, #tpu.memory_space<hbm>>) dst(%dma_wait3A_306 : memref<6272xf32, #tpu.memory_space<vmem>>)
      %dma_start3A_310 = arith.constant 0 : i32
      %dma_start3A_311 = tpu.memref_slice %arg8[%dma_start3A_310] : memref<18816xf32, #tpu.memory_space<vmem>> -> memref<6272xf32, #tpu.memory_space<vmem>>
      %dma_start3A_312 = arith.constant 37632 : i32
      %dma_start3A_313 = tpu.memref_slice %arg4[%add3A_32, %dma_start3A_312] : memref<384x50176xf32, #tpu.memory_space<hbm>> -> memref<1x6272xf32, #tpu.memory_space<hbm>>
      %dma_start3A_314 = tpu.memref_squeeze %dma_start3A_313 : memref<1x6272xf32, #tpu.memory_space<hbm>> -> memref<6272xf32, #tpu.memory_space<hbm>>
      %dma_start3A_315 = arith.constant 0 : i32
      %dma_start3A_316 = tpu.memref_slice %arg8[%dma_start3A_315] : memref<18816xf32, #tpu.memory_space<vmem>> -> memref<6272xf32, #tpu.memory_space<vmem>>
      %dma_start3A_317 = arith.constant 37632 : i32
      %dma_start3A_318 = tpu.memref_slice %arg4[%add3A_32, %dma_start3A_317] : memref<384x50176xf32, #tpu.memory_space<hbm>> -> memref<1x6272xf32, #tpu.memory_space<hbm>>
      %dma_start3A_319 = tpu.memref_squeeze %dma_start3A_318 : memref<1x6272xf32, #tpu.memory_space<hbm>> -> memref<6272xf32, #tpu.memory_space<hbm>>
      tpu.enqueue_dma source(%dma_start3A_319 : memref<6272xf32, #tpu.memory_space<hbm>>) target(%dma_start3A_316 : memref<6272xf32, #tpu.memory_space<vmem>>) target_semaphore(%arg11 : memref<!tpu.dma_semaphore, #tpu.memory_space<semaphore_mem>>)
      %dma_wait3A_320 = arith.constant 0 : i32
      %dma_wait3A_321 = tpu.memref_slice %arg9[%dma_wait3A_320] : memref<12544xf32, #tpu.memory_space<vmem>> -> memref<6272xf32, #tpu.memory_space<vmem>>
      %dma_wait3A_322 = arith.constant 12544 : i32
      %dma_wait3A_323 = tpu.memref_slice %arg5[%add3A_32, %dma_wait3A_322] : memref<768x50176xf32, #tpu.memory_space<hbm>> -> memref<1x6272xf32, #tpu.memory_space<hbm>>
      %dma_wait3A_324 = tpu.memref_squeeze %dma_wait3A_323 : memref<1x6272xf32, #tpu.memory_space<hbm>> -> memref<6272xf32, #tpu.memory_space<hbm>>
      %dma_wait3A_325 = arith.constant 12544 : i32
      %dma_wait3A_326 = tpu.memref_slice %arg5[%add3A_32, %dma_wait3A_325] : memref<768x50176xf32, #tpu.memory_space<hbm>> -> memref<1x6272xf32, #tpu.memory_space<hbm>>
      %dma_wait3A_327 = tpu.memref_squeeze %dma_wait3A_326 : memref<1x6272xf32, #tpu.memory_space<hbm>> -> memref<6272xf32, #tpu.memory_space<hbm>>
      %dma_wait3A_328 = arith.constant 0 : i32
      %dma_wait3A_329 = tpu.memref_slice %arg9[%dma_wait3A_328] : memref<12544xf32, #tpu.memory_space<vmem>> -> memref<6272xf32, #tpu.memory_space<vmem>>
      tpu.wait_dma2 semaphore(%arg14 : memref<!tpu.dma_semaphore, #tpu.memory_space<semaphore_mem>>) src(%dma_wait3A_329 : memref<6272xf32, #tpu.memory_space<vmem>>) dst(%dma_wait3A_327 : memref<6272xf32, #tpu.memory_space<hbm>>)
      %dma_wait3A_330 = arith.constant 0 : i32
      %dma_wait3A_331 = tpu.memref_slice %arg10[%dma_wait3A_330] : memref<12544xf32, #tpu.memory_space<vmem>> -> memref<6272xf32, #tpu.memory_space<vmem>>
      %dma_wait3A_332 = arith.constant 12544 : i32
      %dma_wait3A_333 = tpu.memref_slice %arg5[%add3A_224, %dma_wait3A_332] : memref<768x50176xf32, #tpu.memory_space<hbm>> -> memref<1x6272xf32, #tpu.memory_space<hbm>>
      %dma_wait3A_334 = tpu.memref_squeeze %dma_wait3A_333 : memref<1x6272xf32, #tpu.memory_space<hbm>> -> memref<6272xf32, #tpu.memory_space<hbm>>
      %dma_wait3A_335 = arith.constant 12544 : i32
      %dma_wait3A_336 = tpu.memref_slice %arg5[%add3A_224, %dma_wait3A_335] : memref<768x50176xf32, #tpu.memory_space<hbm>> -> memref<1x6272xf32, #tpu.memory_space<hbm>>
      %dma_wait3A_337 = tpu.memref_squeeze %dma_wait3A_336 : memref<1x6272xf32, #tpu.memory_space<hbm>> -> memref<6272xf32, #tpu.memory_space<hbm>>
      %dma_wait3A_338 = arith.constant 0 : i32
      %dma_wait3A_339 = tpu.memref_slice %arg10[%dma_wait3A_338] : memref<12544xf32, #tpu.memory_space<vmem>> -> memref<6272xf32, #tpu.memory_space<vmem>>
      tpu.wait_dma2 semaphore(%arg14 : memref<!tpu.dma_semaphore, #tpu.memory_space<semaphore_mem>>) src(%dma_wait3A_339 : memref<6272xf32, #tpu.memory_space<vmem>>) dst(%dma_wait3A_337 : memref<6272xf32, #tpu.memory_space<hbm>>)
      %parallel_loop3A_340 = arith.constant 0 : i32
      %parallel_loop3A_341 = arith.constant 392 : i32
      %parallel_loop3A_342 = arith.constant 1 : i32
      scf.for %parallel_loop3A_580 = %parallel_loop3A_340 to %parallel_loop3A_341 step %parallel_loop3A_342  : i32 {
        %parallel_loop3A_581 = arith.constant 16 : i32
        %parallel_loop3A_582 = arith.muli %parallel_loop3A_580, %parallel_loop3A_581 : i32
        %parallel_loop3A_583 = arith.constant 6272 : i32
        %parallel_loop3A_584 = arith.addi %parallel_loop3A_583, %parallel_loop3A_582 : i32
        %parallel_loop3A_585 = arith.index_cast %parallel_loop3A_584 : i32 to index
        %parallel_loop3A_586 = tpu.vector_load %arg8[%parallel_loop3A_585] {strides = array<i32>} : memref<18816xf32, #tpu.memory_space<vmem>>, vector<16xf32>,
        %parallel_loop3A_587 = arith.fptosi %parallel_loop3A_586 : vector<16xf32> to vector<16xi32>
        %parallel_loop3A_588 = arith.constant 0 : i32
        %parallel_loop3A_589 = vector.broadcast %parallel_loop3A_588 : i32 to vector<16xi32>
        %parallel_loop3A_590 = arith.cmpi sgt, %parallel_loop3A_587, %parallel_loop3A_589 : vector<16xi32>
        %parallel_loop3A_591 = arith.constant 1 : i32
        %parallel_loop3A_592 = vector.broadcast %parallel_loop3A_591 : i32 to vector<16xi32>
        %parallel_loop3A_593 = arith.subi %parallel_loop3A_587, %parallel_loop3A_592 : vector<16xi32>
        %parallel_loop3A_594 = arith.constant 0 : i32
        %parallel_loop3A_595 = vector.broadcast %parallel_loop3A_594 : i32 to vector<16xi32>
        %parallel_loop3A_596 = arith.maxsi %parallel_loop3A_593, %parallel_loop3A_595 : vector<16xi32>
        %parallel_loop3A_597 = vector.broadcast %mul3A_35 : i32 to vector<16xi32>
        %parallel_loop3A_598 = arith.addi %parallel_loop3A_596, %parallel_loop3A_597 : vector<16xi32>
        %parallel_loop3A_599 = tpu.vector_load_idx %arg6[%parallel_loop3A_598] : memref<25088xf32, #tpu.memory_space<vmem>>[vector<16xi32>], vector<16xf32>,
        %parallel_loop3A_600 = tpu.vector_load_idx %arg7[%parallel_loop3A_598] : memref<25088xf32, #tpu.memory_space<vmem>>[vector<16xi32>], vector<16xf32>,
        %parallel_loop3A_601 = arith.constant 0.000000e+00 : f32
        %parallel_loop3A_602 = vector.broadcast %parallel_loop3A_601 : f32 to vector<16xf32>
        %parallel_loop3A_603 = arith.select %parallel_loop3A_590, %parallel_loop3A_599, %parallel_loop3A_602 : vector<16xi1>, vector<16xf32>
        %parallel_loop3A_604 = arith.constant 0 : i32
        %parallel_loop3A_605 = arith.addi %parallel_loop3A_604, %parallel_loop3A_582 : i32
        %parallel_loop3A_606 = arith.index_cast %parallel_loop3A_605 : i32 to index
        %parallel_loop3A_607 = tpu.vector_load %arg9[%parallel_loop3A_606] {strides = array<i32>} : memref<12544xf32, #tpu.memory_space<vmem>>, vector<16xf32>,
        tpu.vector_store %arg9[%parallel_loop3A_606], %parallel_loop3A_603 {strides = array<i32>} : memref<12544xf32, #tpu.memory_space<vmem>>, vector<16xf32>,
        %parallel_loop3A_608 = arith.select %parallel_loop3A_590, %parallel_loop3A_600, %parallel_loop3A_602 : vector<16xi1>, vector<16xf32>
        %parallel_loop3A_609 = arith.constant 0 : i32
        %parallel_loop3A_610 = arith.addi %parallel_loop3A_609, %parallel_loop3A_582 : i32
        %parallel_loop3A_611 = arith.index_cast %parallel_loop3A_610 : i32 to index
        %parallel_loop3A_612 = tpu.vector_load %arg10[%parallel_loop3A_611] {strides = array<i32>} : memref<12544xf32, #tpu.memory_space<vmem>>, vector<16xf32>,
        tpu.vector_store %arg10[%parallel_loop3A_611], %parallel_loop3A_608 {strides = array<i32>} : memref<12544xf32, #tpu.memory_space<vmem>>, vector<16xf32>,
      } {sc.loop_unroll_factor = 8 : i64, sc.parallel_access}
      %dma_start3A_343 = arith.constant 0 : i32
      %dma_start3A_344 = tpu.memref_slice %arg9[%dma_start3A_343] : memref<12544xf32, #tpu.memory_space<vmem>> -> memref<6272xf32, #tpu.memory_space<vmem>>
      %dma_start3A_345 = arith.constant 25088 : i32
      %dma_start3A_346 = tpu.memref_slice %arg5[%add3A_32, %dma_start3A_345] : memref<768x50176xf32, #tpu.memory_space<hbm>> -> memref<1x6272xf32, #tpu.memory_space<hbm>>
      %dma_start3A_347 = tpu.memref_squeeze %dma_start3A_346 : memref<1x6272xf32, #tpu.memory_space<hbm>> -> memref<6272xf32, #tpu.memory_space<hbm>>
      %dma_start3A_348 = arith.constant 25088 : i32
      %dma_start3A_349 = tpu.memref_slice %arg5[%add3A_32, %dma_start3A_348] : memref<768x50176xf32, #tpu.memory_space<hbm>> -> memref<1x6272xf32, #tpu.memory_space<hbm>>
      %dma_start3A_350 = tpu.memref_squeeze %dma_start3A_349 : memref<1x6272xf32, #tpu.memory_space<hbm>> -> memref<6272xf32, #tpu.memory_space<hbm>>
      %dma_start3A_351 = arith.constant 0 : i32
      %dma_start3A_352 = tpu.memref_slice %arg9[%dma_start3A_351] : memref<12544xf32, #tpu.memory_space<vmem>> -> memref<6272xf32, #tpu.memory_space<vmem>>
      tpu.enqueue_dma source(%dma_start3A_352 : memref<6272xf32, #tpu.memory_space<vmem>>) target(%dma_start3A_350 : memref<6272xf32, #tpu.memory_space<hbm>>) target_semaphore(%arg14 : memref<!tpu.dma_semaphore, #tpu.memory_space<semaphore_mem>>)
      %add3A_353 = arith.constant 384 : i32
      %add3A_354 = arith.addi %add3A_353, %add3A_32 : i32
      %dma_start3A_355 = arith.constant 0 : i32
      %dma_start3A_356 = tpu.memref_slice %arg10[%dma_start3A_355] : memref<12544xf32, #tpu.memory_space<vmem>> -> memref<6272xf32, #tpu.memory_space<vmem>>
      %dma_start3A_357 = arith.constant 25088 : i32
      %dma_start3A_358 = tpu.memref_slice %arg5[%add3A_354, %dma_start3A_357] : memref<768x50176xf32, #tpu.memory_space<hbm>> -> memref<1x6272xf32, #tpu.memory_space<hbm>>
      %dma_start3A_359 = tpu.memref_squeeze %dma_start3A_358 : memref<1x6272xf32, #tpu.memory_space<hbm>> -> memref<6272xf32, #tpu.memory_space<hbm>>
      %dma_start3A_360 = arith.constant 25088 : i32
      %dma_start3A_361 = tpu.memref_slice %arg5[%add3A_354, %dma_start3A_360] : memref<768x50176xf32, #tpu.memory_space<hbm>> -> memref<1x6272xf32, #tpu.memory_space<hbm>>
      %dma_start3A_362 = tpu.memref_squeeze %dma_start3A_361 : memref<1x6272xf32, #tpu.memory_space<hbm>> -> memref<6272xf32, #tpu.memory_space<hbm>>
      %dma_start3A_363 = arith.constant 0 : i32
      %dma_start3A_364 = tpu.memref_slice %arg10[%dma_start3A_363] : memref<12544xf32, #tpu.memory_space<vmem>> -> memref<6272xf32, #tpu.memory_space<vmem>>
      tpu.enqueue_dma source(%dma_start3A_364 : memref<6272xf32, #tpu.memory_space<vmem>>) target(%dma_start3A_362 : memref<6272xf32, #tpu.memory_space<hbm>>) target_semaphore(%arg14 : memref<!tpu.dma_semaphore, #tpu.memory_space<semaphore_mem>>)
      %dma_wait3A_365 = arith.constant 12544 : i32
      %dma_wait3A_366 = tpu.memref_slice %arg8[%dma_wait3A_365] : memref<18816xf32, #tpu.memory_space<vmem>> -> memref<6272xf32, #tpu.memory_space<vmem>>
      %dma_wait3A_367 = arith.constant 31360 : i32
      %dma_wait3A_368 = tpu.memref_slice %arg4[%add3A_32, %dma_wait3A_367] : memref<384x50176xf32, #tpu.memory_space<hbm>> -> memref<1x6272xf32, #tpu.memory_space<hbm>>
      %dma_wait3A_369 = tpu.memref_squeeze %dma_wait3A_368 : memref<1x6272xf32, #tpu.memory_space<hbm>> -> memref<6272xf32, #tpu.memory_space<hbm>>
      %dma_wait3A_370 = arith.constant 12544 : i32
      %dma_wait3A_371 = tpu.memref_slice %arg8[%dma_wait3A_370] : memref<18816xf32, #tpu.memory_space<vmem>> -> memref<6272xf32, #tpu.memory_space<vmem>>
      %dma_wait3A_372 = arith.constant 31360 : i32
      %dma_wait3A_373 = tpu.memref_slice %arg4[%add3A_32, %dma_wait3A_372] : memref<384x50176xf32, #tpu.memory_space<hbm>> -> memref<1x6272xf32, #tpu.memory_space<hbm>>
      %dma_wait3A_374 = tpu.memref_squeeze %dma_wait3A_373 : memref<1x6272xf32, #tpu.memory_space<hbm>> -> memref<6272xf32, #tpu.memory_space<hbm>>
      tpu.wait_dma2 semaphore(%arg13 : memref<!tpu.dma_semaphore, #tpu.memory_space<semaphore_mem>>) src(%dma_wait3A_374 : memref<6272xf32, #tpu.memory_space<hbm>>) dst(%dma_wait3A_371 : memref<6272xf32, #tpu.memory_space<vmem>>)
      %dma_start3A_375 = arith.constant 6272 : i32
      %dma_start3A_376 = tpu.memref_slice %arg8[%dma_start3A_375] : memref<18816xf32, #tpu.memory_space<vmem>> -> memref<6272xf32, #tpu.memory_space<vmem>>
      %dma_start3A_377 = arith.constant 43904 : i32
      %dma_start3A_378 = tpu.memref_slice %arg4[%add3A_32, %dma_start3A_377] : memref<384x50176xf32, #tpu.memory_space<hbm>> -> memref<1x6272xf32, #tpu.memory_space<hbm>>
      %dma_start3A_379 = tpu.memref_squeeze %dma_start3A_378 : memref<1x6272xf32, #tpu.memory_space<hbm>> -> memref<6272xf32, #tpu.memory_space<hbm>>
      %dma_start3A_380 = arith.constant 6272 : i32
      %dma_start3A_381 = tpu.memref_slice %arg8[%dma_start3A_380] : memref<18816xf32, #tpu.memory_space<vmem>> -> memref<6272xf32, #tpu.memory_space<vmem>>
      %dma_start3A_382 = arith.constant 43904 : i32
      %dma_start3A_383 = tpu.memref_slice %arg4[%add3A_32, %dma_start3A_382] : memref<384x50176xf32, #tpu.memory_space<hbm>> -> memref<1x6272xf32, #tpu.memory_space<hbm>>
      %dma_start3A_384 = tpu.memref_squeeze %dma_start3A_383 : memref<1x6272xf32, #tpu.memory_space<hbm>> -> memref<6272xf32, #tpu.memory_space<hbm>>
      tpu.enqueue_dma source(%dma_start3A_384 : memref<6272xf32, #tpu.memory_space<hbm>>) target(%dma_start3A_381 : memref<6272xf32, #tpu.memory_space<vmem>>) target_semaphore(%arg12 : memref<!tpu.dma_semaphore, #tpu.memory_space<semaphore_mem>>)
      %dma_wait3A_385 = arith.constant 6272 : i32
      %dma_wait3A_386 = tpu.memref_slice %arg9[%dma_wait3A_385] : memref<12544xf32, #tpu.memory_space<vmem>> -> memref<6272xf32, #tpu.memory_space<vmem>>
      %dma_wait3A_387 = arith.constant 18816 : i32
      %dma_wait3A_388 = tpu.memref_slice %arg5[%add3A_32, %dma_wait3A_387] : memref<768x50176xf32, #tpu.memory_space<hbm>> -> memref<1x6272xf32, #tpu.memory_space<hbm>>
      %dma_wait3A_389 = tpu.memref_squeeze %dma_wait3A_388 : memref<1x6272xf32, #tpu.memory_space<hbm>> -> memref<6272xf32, #tpu.memory_space<hbm>>
      %dma_wait3A_390 = arith.constant 18816 : i32
      %dma_wait3A_391 = tpu.memref_slice %arg5[%add3A_32, %dma_wait3A_390] : memref<768x50176xf32, #tpu.memory_space<hbm>> -> memref<1x6272xf32, #tpu.memory_space<hbm>>
      %dma_wait3A_392 = tpu.memref_squeeze %dma_wait3A_391 : memref<1x6272xf32, #tpu.memory_space<hbm>> -> memref<6272xf32, #tpu.memory_space<hbm>>
      %dma_wait3A_393 = arith.constant 6272 : i32
      %dma_wait3A_394 = tpu.memref_slice %arg9[%dma_wait3A_393] : memref<12544xf32, #tpu.memory_space<vmem>> -> memref<6272xf32, #tpu.memory_space<vmem>>
      tpu.wait_dma2 semaphore(%arg15 : memref<!tpu.dma_semaphore, #tpu.memory_space<semaphore_mem>>) src(%dma_wait3A_394 : memref<6272xf32, #tpu.memory_space<vmem>>) dst(%dma_wait3A_392 : memref<6272xf32, #tpu.memory_space<hbm>>)
      %dma_wait3A_395 = arith.constant 6272 : i32
      %dma_wait3A_396 = tpu.memref_slice %arg10[%dma_wait3A_395] : memref<12544xf32, #tpu.memory_space<vmem>> -> memref<6272xf32, #tpu.memory_space<vmem>>
      %dma_wait3A_397 = arith.constant 18816 : i32
      %dma_wait3A_398 = tpu.memref_slice %arg5[%add3A_289, %dma_wait3A_397] : memref<768x50176xf32, #tpu.memory_space<hbm>> -> memref<1x6272xf32, #tpu.memory_space<hbm>>
      %dma_wait3A_399 = tpu.memref_squeeze %dma_wait3A_398 : memref<1x6272xf32, #tpu.memory_space<hbm>> -> memref<6272xf32, #tpu.memory_space<hbm>>
      %dma_wait3A_400 = arith.constant 18816 : i32
      %dma_wait3A_401 = tpu.memref_slice %arg5[%add3A_289, %dma_wait3A_400] : memref<768x50176xf32, #tpu.memory_space<hbm>> -> memref<1x6272xf32, #tpu.memory_space<hbm>>
      %dma_wait3A_402 = tpu.memref_squeeze %dma_wait3A_401 : memref<1x6272xf32, #tpu.memory_space<hbm>> -> memref<6272xf32, #tpu.memory_space<hbm>>
      %dma_wait3A_403 = arith.constant 6272 : i32
      %dma_wait3A_404 = tpu.memref_slice %arg10[%dma_wait3A_403] : memref<12544xf32, #tpu.memory_space<vmem>> -> memref<6272xf32, #tpu.memory_space<vmem>>
      tpu.wait_dma2 semaphore(%arg15 : memref<!tpu.dma_semaphore, #tpu.memory_space<semaphore_mem>>) src(%dma_wait3A_404 : memref<6272xf32, #tpu.memory_space<vmem>>) dst(%dma_wait3A_402 : memref<6272xf32, #tpu.memory_space<hbm>>)
      %parallel_loop3A_405 = arith.constant 0 : i32
      %parallel_loop3A_406 = arith.constant 392 : i32
      %parallel_loop3A_407 = arith.constant 1 : i32
      scf.for %parallel_loop3A_580 = %parallel_loop3A_405 to %parallel_loop3A_406 step %parallel_loop3A_407  : i32 {
        %parallel_loop3A_581 = arith.constant 16 : i32
        %parallel_loop3A_582 = arith.muli %parallel_loop3A_580, %parallel_loop3A_581 : i32
        %parallel_loop3A_583 = arith.constant 12544 : i32
        %parallel_loop3A_584 = arith.addi %parallel_loop3A_583, %parallel_loop3A_582 : i32
        %parallel_loop3A_585 = arith.index_cast %parallel_loop3A_584 : i32 to index
        %parallel_loop3A_586 = tpu.vector_load %arg8[%parallel_loop3A_585] {strides = array<i32>} : memref<18816xf32, #tpu.memory_space<vmem>>, vector<16xf32>,
        %parallel_loop3A_587 = arith.fptosi %parallel_loop3A_586 : vector<16xf32> to vector<16xi32>
        %parallel_loop3A_588 = arith.constant 0 : i32
        %parallel_loop3A_589 = vector.broadcast %parallel_loop3A_588 : i32 to vector<16xi32>
        %parallel_loop3A_590 = arith.cmpi sgt, %parallel_loop3A_587, %parallel_loop3A_589 : vector<16xi32>
        %parallel_loop3A_591 = arith.constant 1 : i32
        %parallel_loop3A_592 = vector.broadcast %parallel_loop3A_591 : i32 to vector<16xi32>
        %parallel_loop3A_593 = arith.subi %parallel_loop3A_587, %parallel_loop3A_592 : vector<16xi32>
        %parallel_loop3A_594 = arith.constant 0 : i32
        %parallel_loop3A_595 = vector.broadcast %parallel_loop3A_594 : i32 to vector<16xi32>
        %parallel_loop3A_596 = arith.maxsi %parallel_loop3A_593, %parallel_loop3A_595 : vector<16xi32>
        %parallel_loop3A_597 = vector.broadcast %mul3A_35 : i32 to vector<16xi32>
        %parallel_loop3A_598 = arith.addi %parallel_loop3A_596, %parallel_loop3A_597 : vector<16xi32>
        %parallel_loop3A_599 = tpu.vector_load_idx %arg6[%parallel_loop3A_598] : memref<25088xf32, #tpu.memory_space<vmem>>[vector<16xi32>], vector<16xf32>,
        %parallel_loop3A_600 = tpu.vector_load_idx %arg7[%parallel_loop3A_598] : memref<25088xf32, #tpu.memory_space<vmem>>[vector<16xi32>], vector<16xf32>,
        %parallel_loop3A_601 = arith.constant 0.000000e+00 : f32
        %parallel_loop3A_602 = vector.broadcast %parallel_loop3A_601 : f32 to vector<16xf32>
        %parallel_loop3A_603 = arith.select %parallel_loop3A_590, %parallel_loop3A_599, %parallel_loop3A_602 : vector<16xi1>, vector<16xf32>
        %parallel_loop3A_604 = arith.constant 6272 : i32
        %parallel_loop3A_605 = arith.addi %parallel_loop3A_604, %parallel_loop3A_582 : i32
        %parallel_loop3A_606 = arith.index_cast %parallel_loop3A_605 : i32 to index
        %parallel_loop3A_607 = tpu.vector_load %arg9[%parallel_loop3A_606] {strides = array<i32>} : memref<12544xf32, #tpu.memory_space<vmem>>, vector<16xf32>,
        tpu.vector_store %arg9[%parallel_loop3A_606], %parallel_loop3A_603 {strides = array<i32>} : memref<12544xf32, #tpu.memory_space<vmem>>, vector<16xf32>,
        %parallel_loop3A_608 = arith.select %parallel_loop3A_590, %parallel_loop3A_600, %parallel_loop3A_602 : vector<16xi1>, vector<16xf32>
        %parallel_loop3A_609 = arith.constant 6272 : i32
        %parallel_loop3A_610 = arith.addi %parallel_loop3A_609, %parallel_loop3A_582 : i32
        %parallel_loop3A_611 = arith.index_cast %parallel_loop3A_610 : i32 to index
        %parallel_loop3A_612 = tpu.vector_load %arg10[%parallel_loop3A_611] {strides = array<i32>} : memref<12544xf32, #tpu.memory_space<vmem>>, vector<16xf32>,
        tpu.vector_store %arg10[%parallel_loop3A_611], %parallel_loop3A_608 {strides = array<i32>} : memref<12544xf32, #tpu.memory_space<vmem>>, vector<16xf32>,
      } {sc.loop_unroll_factor = 8 : i64, sc.parallel_access}
      %dma_start3A_408 = arith.constant 6272 : i32
      %dma_start3A_409 = tpu.memref_slice %arg9[%dma_start3A_408] : memref<12544xf32, #tpu.memory_space<vmem>> -> memref<6272xf32, #tpu.memory_space<vmem>>
      %dma_start3A_410 = arith.constant 31360 : i32
      %dma_start3A_411 = tpu.memref_slice %arg5[%add3A_32, %dma_start3A_410] : memref<768x50176xf32, #tpu.memory_space<hbm>> -> memref<1x6272xf32, #tpu.memory_space<hbm>>
      %dma_start3A_412 = tpu.memref_squeeze %dma_start3A_411 : memref<1x6272xf32, #tpu.memory_space<hbm>> -> memref<6272xf32, #tpu.memory_space<hbm>>
      %dma_start3A_413 = arith.constant 31360 : i32
      %dma_start3A_414 = tpu.memref_slice %arg5[%add3A_32, %dma_start3A_413] : memref<768x50176xf32, #tpu.memory_space<hbm>> -> memref<1x6272xf32, #tpu.memory_space<hbm>>
      %dma_start3A_415 = tpu.memref_squeeze %dma_start3A_414 : memref<1x6272xf32, #tpu.memory_space<hbm>> -> memref<6272xf32, #tpu.memory_space<hbm>>
      %dma_start3A_416 = arith.constant 6272 : i32
      %dma_start3A_417 = tpu.memref_slice %arg9[%dma_start3A_416] : memref<12544xf32, #tpu.memory_space<vmem>> -> memref<6272xf32, #tpu.memory_space<vmem>>
      tpu.enqueue_dma source(%dma_start3A_417 : memref<6272xf32, #tpu.memory_space<vmem>>) target(%dma_start3A_415 : memref<6272xf32, #tpu.memory_space<hbm>>) target_semaphore(%arg15 : memref<!tpu.dma_semaphore, #tpu.memory_space<semaphore_mem>>)
      %add3A_418 = arith.constant 384 : i32
      %add3A_419 = arith.addi %add3A_418, %add3A_32 : i32
      %dma_start3A_420 = arith.constant 6272 : i32
      %dma_start3A_421 = tpu.memref_slice %arg10[%dma_start3A_420] : memref<12544xf32, #tpu.memory_space<vmem>> -> memref<6272xf32, #tpu.memory_space<vmem>>
      %dma_start3A_422 = arith.constant 31360 : i32
      %dma_start3A_423 = tpu.memref_slice %arg5[%add3A_419, %dma_start3A_422] : memref<768x50176xf32, #tpu.memory_space<hbm>> -> memref<1x6272xf32, #tpu.memory_space<hbm>>
      %dma_start3A_424 = tpu.memref_squeeze %dma_start3A_423 : memref<1x6272xf32, #tpu.memory_space<hbm>> -> memref<6272xf32, #tpu.memory_space<hbm>>
      %dma_start3A_425 = arith.constant 31360 : i32
      %dma_start3A_426 = tpu.memref_slice %arg5[%add3A_419, %dma_start3A_425] : memref<768x50176xf32, #tpu.memory_space<hbm>> -> memref<1x6272xf32, #tpu.memory_space<hbm>>
      %dma_start3A_427 = tpu.memref_squeeze %dma_start3A_426 : memref<1x6272xf32, #tpu.memory_space<hbm>> -> memref<6272xf32, #tpu.memory_space<hbm>>
      %dma_start3A_428 = arith.constant 6272 : i32
      %dma_start3A_429 = tpu.memref_slice %arg10[%dma_start3A_428] : memref<12544xf32, #tpu.memory_space<vmem>> -> memref<6272xf32, #tpu.memory_space<vmem>>
      tpu.enqueue_dma source(%dma_start3A_429 : memref<6272xf32, #tpu.memory_space<vmem>>) target(%dma_start3A_427 : memref<6272xf32, #tpu.memory_space<hbm>>) target_semaphore(%arg15 : memref<!tpu.dma_semaphore, #tpu.memory_space<semaphore_mem>>)
      %dma_wait3A_430 = arith.constant 0 : i32
      %dma_wait3A_431 = tpu.memref_slice %arg8[%dma_wait3A_430] : memref<18816xf32, #tpu.memory_space<vmem>> -> memref<6272xf32, #tpu.memory_space<vmem>>
      %dma_wait3A_432 = arith.constant 37632 : i32
      %dma_wait3A_433 = tpu.memref_slice %arg4[%add3A_32, %dma_wait3A_432] : memref<384x50176xf32, #tpu.memory_space<hbm>> -> memref<1x6272xf32, #tpu.memory_space<hbm>>
      %dma_wait3A_434 = tpu.memref_squeeze %dma_wait3A_433 : memref<1x6272xf32, #tpu.memory_space<hbm>> -> memref<6272xf32, #tpu.memory_space<hbm>>
      %dma_wait3A_435 = arith.constant 0 : i32
      %dma_wait3A_436 = tpu.memref_slice %arg8[%dma_wait3A_435] : memref<18816xf32, #tpu.memory_space<vmem>> -> memref<6272xf32, #tpu.memory_space<vmem>>
      %dma_wait3A_437 = arith.constant 37632 : i32
      %dma_wait3A_438 = tpu.memref_slice %arg4[%add3A_32, %dma_wait3A_437] : memref<384x50176xf32, #tpu.memory_space<hbm>> -> memref<1x6272xf32, #tpu.memory_space<hbm>>
      %dma_wait3A_439 = tpu.memref_squeeze %dma_wait3A_438 : memref<1x6272xf32, #tpu.memory_space<hbm>> -> memref<6272xf32, #tpu.memory_space<hbm>>
      tpu.wait_dma2 semaphore(%arg11 : memref<!tpu.dma_semaphore, #tpu.memory_space<semaphore_mem>>) src(%dma_wait3A_439 : memref<6272xf32, #tpu.memory_space<hbm>>) dst(%dma_wait3A_436 : memref<6272xf32, #tpu.memory_space<vmem>>)
      %dma_wait3A_440 = arith.constant 0 : i32
      %dma_wait3A_441 = tpu.memref_slice %arg9[%dma_wait3A_440] : memref<12544xf32, #tpu.memory_space<vmem>> -> memref<6272xf32, #tpu.memory_space<vmem>>
      %dma_wait3A_442 = arith.constant 25088 : i32
      %dma_wait3A_443 = tpu.memref_slice %arg5[%add3A_32, %dma_wait3A_442] : memref<768x50176xf32, #tpu.memory_space<hbm>> -> memref<1x6272xf32, #tpu.memory_space<hbm>>
      %dma_wait3A_444 = tpu.memref_squeeze %dma_wait3A_443 : memref<1x6272xf32, #tpu.memory_space<hbm>> -> memref<6272xf32, #tpu.memory_space<hbm>>
      %dma_wait3A_445 = arith.constant 25088 : i32
      %dma_wait3A_446 = tpu.memref_slice %arg5[%add3A_32, %dma_wait3A_445] : memref<768x50176xf32, #tpu.memory_space<hbm>> -> memref<1x6272xf32, #tpu.memory_space<hbm>>
      %dma_wait3A_447 = tpu.memref_squeeze %dma_wait3A_446 : memref<1x6272xf32, #tpu.memory_space<hbm>> -> memref<6272xf32, #tpu.memory_space<hbm>>
      %dma_wait3A_448 = arith.constant 0 : i32
      %dma_wait3A_449 = tpu.memref_slice %arg9[%dma_wait3A_448] : memref<12544xf32, #tpu.memory_space<vmem>> -> memref<6272xf32, #tpu.memory_space<vmem>>
      tpu.wait_dma2 semaphore(%arg14 : memref<!tpu.dma_semaphore, #tpu.memory_space<semaphore_mem>>) src(%dma_wait3A_449 : memref<6272xf32, #tpu.memory_space<vmem>>) dst(%dma_wait3A_447 : memref<6272xf32, #tpu.memory_space<hbm>>)
      %dma_wait3A_450 = arith.constant 0 : i32
      %dma_wait3A_451 = tpu.memref_slice %arg10[%dma_wait3A_450] : memref<12544xf32, #tpu.memory_space<vmem>> -> memref<6272xf32, #tpu.memory_space<vmem>>
      %dma_wait3A_452 = arith.constant 25088 : i32
      %dma_wait3A_453 = tpu.memref_slice %arg5[%add3A_354, %dma_wait3A_452] : memref<768x50176xf32, #tpu.memory_space<hbm>> -> memref<1x6272xf32, #tpu.memory_space<hbm>>
      %dma_wait3A_454 = tpu.memref_squeeze %dma_wait3A_453 : memref<1x6272xf32, #tpu.memory_space<hbm>> -> memref<6272xf32, #tpu.memory_space<hbm>>
      %dma_wait3A_455 = arith.constant 25088 : i32
      %dma_wait3A_456 = tpu.memref_slice %arg5[%add3A_354, %dma_wait3A_455] : memref<768x50176xf32, #tpu.memory_space<hbm>> -> memref<1x6272xf32, #tpu.memory_space<hbm>>
      %dma_wait3A_457 = tpu.memref_squeeze %dma_wait3A_456 : memref<1x6272xf32, #tpu.memory_space<hbm>> -> memref<6272xf32, #tpu.memory_space<hbm>>
      %dma_wait3A_458 = arith.constant 0 : i32
      %dma_wait3A_459 = tpu.memref_slice %arg10[%dma_wait3A_458] : memref<12544xf32, #tpu.memory_space<vmem>> -> memref<6272xf32, #tpu.memory_space<vmem>>
      tpu.wait_dma2 semaphore(%arg14 : memref<!tpu.dma_semaphore, #tpu.memory_space<semaphore_mem>>) src(%dma_wait3A_459 : memref<6272xf32, #tpu.memory_space<vmem>>) dst(%dma_wait3A_457 : memref<6272xf32, #tpu.memory_space<hbm>>)
      %parallel_loop3A_460 = arith.constant 0 : i32
      %parallel_loop3A_461 = arith.constant 392 : i32
      %parallel_loop3A_462 = arith.constant 1 : i32
      scf.for %parallel_loop3A_580 = %parallel_loop3A_460 to %parallel_loop3A_461 step %parallel_loop3A_462  : i32 {
        %parallel_loop3A_581 = arith.constant 16 : i32
        %parallel_loop3A_582 = arith.muli %parallel_loop3A_580, %parallel_loop3A_581 : i32
        %parallel_loop3A_583 = arith.constant 0 : i32
        %parallel_loop3A_584 = arith.addi %parallel_loop3A_583, %parallel_loop3A_582 : i32
        %parallel_loop3A_585 = arith.index_cast %parallel_loop3A_584 : i32 to index
        %parallel_loop3A_586 = tpu.vector_load %arg8[%parallel_loop3A_585] {strides = array<i32>} : memref<18816xf32, #tpu.memory_space<vmem>>, vector<16xf32>,
        %parallel_loop3A_587 = arith.fptosi %parallel_loop3A_586 : vector<16xf32> to vector<16xi32>
        %parallel_loop3A_588 = arith.constant 0 : i32
        %parallel_loop3A_589 = vector.broadcast %parallel_loop3A_588 : i32 to vector<16xi32>
        %parallel_loop3A_590 = arith.cmpi sgt, %parallel_loop3A_587, %parallel_loop3A_589 : vector<16xi32>
        %parallel_loop3A_591 = arith.constant 1 : i32
        %parallel_loop3A_592 = vector.broadcast %parallel_loop3A_591 : i32 to vector<16xi32>
        %parallel_loop3A_593 = arith.subi %parallel_loop3A_587, %parallel_loop3A_592 : vector<16xi32>
        %parallel_loop3A_594 = arith.constant 0 : i32
        %parallel_loop3A_595 = vector.broadcast %parallel_loop3A_594 : i32 to vector<16xi32>
        %parallel_loop3A_596 = arith.maxsi %parallel_loop3A_593, %parallel_loop3A_595 : vector<16xi32>
        %parallel_loop3A_597 = vector.broadcast %mul3A_35 : i32 to vector<16xi32>
        %parallel_loop3A_598 = arith.addi %parallel_loop3A_596, %parallel_loop3A_597 : vector<16xi32>
        %parallel_loop3A_599 = tpu.vector_load_idx %arg6[%parallel_loop3A_598] : memref<25088xf32, #tpu.memory_space<vmem>>[vector<16xi32>], vector<16xf32>,
        %parallel_loop3A_600 = tpu.vector_load_idx %arg7[%parallel_loop3A_598] : memref<25088xf32, #tpu.memory_space<vmem>>[vector<16xi32>], vector<16xf32>,
        %parallel_loop3A_601 = arith.constant 0.000000e+00 : f32
        %parallel_loop3A_602 = vector.broadcast %parallel_loop3A_601 : f32 to vector<16xf32>
        %parallel_loop3A_603 = arith.select %parallel_loop3A_590, %parallel_loop3A_599, %parallel_loop3A_602 : vector<16xi1>, vector<16xf32>
        %parallel_loop3A_604 = arith.constant 0 : i32
        %parallel_loop3A_605 = arith.addi %parallel_loop3A_604, %parallel_loop3A_582 : i32
        %parallel_loop3A_606 = arith.index_cast %parallel_loop3A_605 : i32 to index
        %parallel_loop3A_607 = tpu.vector_load %arg9[%parallel_loop3A_606] {strides = array<i32>} : memref<12544xf32, #tpu.memory_space<vmem>>, vector<16xf32>,
        tpu.vector_store %arg9[%parallel_loop3A_606], %parallel_loop3A_603 {strides = array<i32>} : memref<12544xf32, #tpu.memory_space<vmem>>, vector<16xf32>,
        %parallel_loop3A_608 = arith.select %parallel_loop3A_590, %parallel_loop3A_600, %parallel_loop3A_602 : vector<16xi1>, vector<16xf32>
        %parallel_loop3A_609 = arith.constant 0 : i32
        %parallel_loop3A_610 = arith.addi %parallel_loop3A_609, %parallel_loop3A_582 : i32
        %parallel_loop3A_611 = arith.index_cast %parallel_loop3A_610 : i32 to index
        %parallel_loop3A_612 = tpu.vector_load %arg10[%parallel_loop3A_611] {strides = array<i32>} : memref<12544xf32, #tpu.memory_space<vmem>>, vector<16xf32>,
        tpu.vector_store %arg10[%parallel_loop3A_611], %parallel_loop3A_608 {strides = array<i32>} : memref<12544xf32, #tpu.memory_space<vmem>>, vector<16xf32>,
      } {sc.loop_unroll_factor = 8 : i64, sc.parallel_access}
      %dma_start3A_463 = arith.constant 0 : i32
      %dma_start3A_464 = tpu.memref_slice %arg9[%dma_start3A_463] : memref<12544xf32, #tpu.memory_space<vmem>> -> memref<6272xf32, #tpu.memory_space<vmem>>
      %dma_start3A_465 = arith.constant 37632 : i32
      %dma_start3A_466 = tpu.memref_slice %arg5[%add3A_32, %dma_start3A_465] : memref<768x50176xf32, #tpu.memory_space<hbm>> -> memref<1x6272xf32, #tpu.memory_space<hbm>>
      %dma_start3A_467 = tpu.memref_squeeze %dma_start3A_466 : memref<1x6272xf32, #tpu.memory_space<hbm>> -> memref<6272xf32, #tpu.memory_space<hbm>>
      %dma_start3A_468 = arith.constant 37632 : i32
      %dma_start3A_469 = tpu.memref_slice %arg5[%add3A_32, %dma_start3A_468] : memref<768x50176xf32, #tpu.memory_space<hbm>> -> memref<1x6272xf32, #tpu.memory_space<hbm>>
      %dma_start3A_470 = tpu.memref_squeeze %dma_start3A_469 : memref<1x6272xf32, #tpu.memory_space<hbm>> -> memref<6272xf32, #tpu.memory_space<hbm>>
      %dma_start3A_471 = arith.constant 0 : i32
      %dma_start3A_472 = tpu.memref_slice %arg9[%dma_start3A_471] : memref<12544xf32, #tpu.memory_space<vmem>> -> memref<6272xf32, #tpu.memory_space<vmem>>
      tpu.enqueue_dma source(%dma_start3A_472 : memref<6272xf32, #tpu.memory_space<vmem>>) target(%dma_start3A_470 : memref<6272xf32, #tpu.memory_space<hbm>>) target_semaphore(%arg14 : memref<!tpu.dma_semaphore, #tpu.memory_space<semaphore_mem>>)
      %add3A_473 = arith.constant 384 : i32
      %add3A_474 = arith.addi %add3A_473, %add3A_32 : i32
      %dma_start3A_475 = arith.constant 0 : i32
      %dma_start3A_476 = tpu.memref_slice %arg10[%dma_start3A_475] : memref<12544xf32, #tpu.memory_space<vmem>> -> memref<6272xf32, #tpu.memory_space<vmem>>
      %dma_start3A_477 = arith.constant 37632 : i32
      %dma_start3A_478 = tpu.memref_slice %arg5[%add3A_474, %dma_start3A_477] : memref<768x50176xf32, #tpu.memory_space<hbm>> -> memref<1x6272xf32, #tpu.memory_space<hbm>>
      %dma_start3A_479 = tpu.memref_squeeze %dma_start3A_478 : memref<1x6272xf32, #tpu.memory_space<hbm>> -> memref<6272xf32, #tpu.memory_space<hbm>>
      %dma_start3A_480 = arith.constant 37632 : i32
      %dma_start3A_481 = tpu.memref_slice %arg5[%add3A_474, %dma_start3A_480] : memref<768x50176xf32, #tpu.memory_space<hbm>> -> memref<1x6272xf32, #tpu.memory_space<hbm>>
      %dma_start3A_482 = tpu.memref_squeeze %dma_start3A_481 : memref<1x6272xf32, #tpu.memory_space<hbm>> -> memref<6272xf32, #tpu.memory_space<hbm>>
      %dma_start3A_483 = arith.constant 0 : i32
      %dma_start3A_484 = tpu.memref_slice %arg10[%dma_start3A_483] : memref<12544xf32, #tpu.memory_space<vmem>> -> memref<6272xf32, #tpu.memory_space<vmem>>
      tpu.enqueue_dma source(%dma_start3A_484 : memref<6272xf32, #tpu.memory_space<vmem>>) target(%dma_start3A_482 : memref<6272xf32, #tpu.memory_space<hbm>>) target_semaphore(%arg14 : memref<!tpu.dma_semaphore, #tpu.memory_space<semaphore_mem>>)
      %dma_wait3A_485 = arith.constant 6272 : i32
      %dma_wait3A_486 = tpu.memref_slice %arg8[%dma_wait3A_485] : memref<18816xf32, #tpu.memory_space<vmem>> -> memref<6272xf32, #tpu.memory_space<vmem>>
      %dma_wait3A_487 = arith.constant 43904 : i32
      %dma_wait3A_488 = tpu.memref_slice %arg4[%add3A_32, %dma_wait3A_487] : memref<384x50176xf32, #tpu.memory_space<hbm>> -> memref<1x6272xf32, #tpu.memory_space<hbm>>
      %dma_wait3A_489 = tpu.memref_squeeze %dma_wait3A_488 : memref<1x6272xf32, #tpu.memory_space<hbm>> -> memref<6272xf32, #tpu.memory_space<hbm>>
      %dma_wait3A_490 = arith.constant 6272 : i32
      %dma_wait3A_491 = tpu.memref_slice %arg8[%dma_wait3A_490] : memref<18816xf32, #tpu.memory_space<vmem>> -> memref<6272xf32, #tpu.memory_space<vmem>>
      %dma_wait3A_492 = arith.constant 43904 : i32
      %dma_wait3A_493 = tpu.memref_slice %arg4[%add3A_32, %dma_wait3A_492] : memref<384x50176xf32, #tpu.memory_space<hbm>> -> memref<1x6272xf32, #tpu.memory_space<hbm>>
      %dma_wait3A_494 = tpu.memref_squeeze %dma_wait3A_493 : memref<1x6272xf32, #tpu.memory_space<hbm>> -> memref<6272xf32, #tpu.memory_space<hbm>>
      tpu.wait_dma2 semaphore(%arg12 : memref<!tpu.dma_semaphore, #tpu.memory_space<semaphore_mem>>) src(%dma_wait3A_494 : memref<6272xf32, #tpu.memory_space<hbm>>) dst(%dma_wait3A_491 : memref<6272xf32, #tpu.memory_space<vmem>>)
      %dma_wait3A_495 = arith.constant 6272 : i32
      %dma_wait3A_496 = tpu.memref_slice %arg9[%dma_wait3A_495] : memref<12544xf32, #tpu.memory_space<vmem>> -> memref<6272xf32, #tpu.memory_space<vmem>>
      %dma_wait3A_497 = arith.constant 31360 : i32
      %dma_wait3A_498 = tpu.memref_slice %arg5[%add3A_32, %dma_wait3A_497] : memref<768x50176xf32, #tpu.memory_space<hbm>> -> memref<1x6272xf32, #tpu.memory_space<hbm>>
      %dma_wait3A_499 = tpu.memref_squeeze %dma_wait3A_498 : memref<1x6272xf32, #tpu.memory_space<hbm>> -> memref<6272xf32, #tpu.memory_space<hbm>>
      %dma_wait3A_500 = arith.constant 31360 : i32
      %dma_wait3A_501 = tpu.memref_slice %arg5[%add3A_32, %dma_wait3A_500] : memref<768x50176xf32, #tpu.memory_space<hbm>> -> memref<1x6272xf32, #tpu.memory_space<hbm>>
      %dma_wait3A_502 = tpu.memref_squeeze %dma_wait3A_501 : memref<1x6272xf32, #tpu.memory_space<hbm>> -> memref<6272xf32, #tpu.memory_space<hbm>>
      %dma_wait3A_503 = arith.constant 6272 : i32
      %dma_wait3A_504 = tpu.memref_slice %arg9[%dma_wait3A_503] : memref<12544xf32, #tpu.memory_space<vmem>> -> memref<6272xf32, #tpu.memory_space<vmem>>
      tpu.wait_dma2 semaphore(%arg15 : memref<!tpu.dma_semaphore, #tpu.memory_space<semaphore_mem>>) src(%dma_wait3A_504 : memref<6272xf32, #tpu.memory_space<vmem>>) dst(%dma_wait3A_502 : memref<6272xf32, #tpu.memory_space<hbm>>)
      %dma_wait3A_505 = arith.constant 6272 : i32
      %dma_wait3A_506 = tpu.memref_slice %arg10[%dma_wait3A_505] : memref<12544xf32, #tpu.memory_space<vmem>> -> memref<6272xf32, #tpu.memory_space<vmem>>
      %dma_wait3A_507 = arith.constant 31360 : i32
      %dma_wait3A_508 = tpu.memref_slice %arg5[%add3A_419, %dma_wait3A_507] : memref<768x50176xf32, #tpu.memory_space<hbm>> -> memref<1x6272xf32, #tpu.memory_space<hbm>>
      %dma_wait3A_509 = tpu.memref_squeeze %dma_wait3A_508 : memref<1x6272xf32, #tpu.memory_space<hbm>> -> memref<6272xf32, #tpu.memory_space<hbm>>
      %dma_wait3A_510 = arith.constant 31360 : i32
      %dma_wait3A_511 = tpu.memref_slice %arg5[%add3A_419, %dma_wait3A_510] : memref<768x50176xf32, #tpu.memory_space<hbm>> -> memref<1x6272xf32, #tpu.memory_space<hbm>>
      %dma_wait3A_512 = tpu.memref_squeeze %dma_wait3A_511 : memref<1x6272xf32, #tpu.memory_space<hbm>> -> memref<6272xf32, #tpu.memory_space<hbm>>
      %dma_wait3A_513 = arith.constant 6272 : i32
      %dma_wait3A_514 = tpu.memref_slice %arg10[%dma_wait3A_513] : memref<12544xf32, #tpu.memory_space<vmem>> -> memref<6272xf32, #tpu.memory_space<vmem>>
      tpu.wait_dma2 semaphore(%arg15 : memref<!tpu.dma_semaphore, #tpu.memory_space<semaphore_mem>>) src(%dma_wait3A_514 : memref<6272xf32, #tpu.memory_space<vmem>>) dst(%dma_wait3A_512 : memref<6272xf32, #tpu.memory_space<hbm>>)
      %parallel_loop3A_515 = arith.constant 0 : i32
      %parallel_loop3A_516 = arith.constant 392 : i32
      %parallel_loop3A_517 = arith.constant 1 : i32
      scf.for %parallel_loop3A_580 = %parallel_loop3A_515 to %parallel_loop3A_516 step %parallel_loop3A_517  : i32 {
        %parallel_loop3A_581 = arith.constant 16 : i32
        %parallel_loop3A_582 = arith.muli %parallel_loop3A_580, %parallel_loop3A_581 : i32
        %parallel_loop3A_583 = arith.constant 6272 : i32
        %parallel_loop3A_584 = arith.addi %parallel_loop3A_583, %parallel_loop3A_582 : i32
        %parallel_loop3A_585 = arith.index_cast %parallel_loop3A_584 : i32 to index
        %parallel_loop3A_586 = tpu.vector_load %arg8[%parallel_loop3A_585] {strides = array<i32>} : memref<18816xf32, #tpu.memory_space<vmem>>, vector<16xf32>,
        %parallel_loop3A_587 = arith.fptosi %parallel_loop3A_586 : vector<16xf32> to vector<16xi32>
        %parallel_loop3A_588 = arith.constant 0 : i32
        %parallel_loop3A_589 = vector.broadcast %parallel_loop3A_588 : i32 to vector<16xi32>
        %parallel_loop3A_590 = arith.cmpi sgt, %parallel_loop3A_587, %parallel_loop3A_589 : vector<16xi32>
        %parallel_loop3A_591 = arith.constant 1 : i32
        %parallel_loop3A_592 = vector.broadcast %parallel_loop3A_591 : i32 to vector<16xi32>
        %parallel_loop3A_593 = arith.subi %parallel_loop3A_587, %parallel_loop3A_592 : vector<16xi32>
        %parallel_loop3A_594 = arith.constant 0 : i32
        %parallel_loop3A_595 = vector.broadcast %parallel_loop3A_594 : i32 to vector<16xi32>
        %parallel_loop3A_596 = arith.maxsi %parallel_loop3A_593, %parallel_loop3A_595 : vector<16xi32>
        %parallel_loop3A_597 = vector.broadcast %mul3A_35 : i32 to vector<16xi32>
        %parallel_loop3A_598 = arith.addi %parallel_loop3A_596, %parallel_loop3A_597 : vector<16xi32>
        %parallel_loop3A_599 = tpu.vector_load_idx %arg6[%parallel_loop3A_598] : memref<25088xf32, #tpu.memory_space<vmem>>[vector<16xi32>], vector<16xf32>,
        %parallel_loop3A_600 = tpu.vector_load_idx %arg7[%parallel_loop3A_598] : memref<25088xf32, #tpu.memory_space<vmem>>[vector<16xi32>], vector<16xf32>,
        %parallel_loop3A_601 = arith.constant 0.000000e+00 : f32
        %parallel_loop3A_602 = vector.broadcast %parallel_loop3A_601 : f32 to vector<16xf32>
        %parallel_loop3A_603 = arith.select %parallel_loop3A_590, %parallel_loop3A_599, %parallel_loop3A_602 : vector<16xi1>, vector<16xf32>
        %parallel_loop3A_604 = arith.constant 6272 : i32
        %parallel_loop3A_605 = arith.addi %parallel_loop3A_604, %parallel_loop3A_582 : i32
        %parallel_loop3A_606 = arith.index_cast %parallel_loop3A_605 : i32 to index
        %parallel_loop3A_607 = tpu.vector_load %arg9[%parallel_loop3A_606] {strides = array<i32>} : memref<12544xf32, #tpu.memory_space<vmem>>, vector<16xf32>,
        tpu.vector_store %arg9[%parallel_loop3A_606], %parallel_loop3A_603 {strides = array<i32>} : memref<12544xf32, #tpu.memory_space<vmem>>, vector<16xf32>,
        %parallel_loop3A_608 = arith.select %parallel_loop3A_590, %parallel_loop3A_600, %parallel_loop3A_602 : vector<16xi1>, vector<16xf32>
        %parallel_loop3A_609 = arith.constant 6272 : i32
        %parallel_loop3A_610 = arith.addi %parallel_loop3A_609, %parallel_loop3A_582 : i32
        %parallel_loop3A_611 = arith.index_cast %parallel_loop3A_610 : i32 to index
        %parallel_loop3A_612 = tpu.vector_load %arg10[%parallel_loop3A_611] {strides = array<i32>} : memref<12544xf32, #tpu.memory_space<vmem>>, vector<16xf32>,
        tpu.vector_store %arg10[%parallel_loop3A_611], %parallel_loop3A_608 {strides = array<i32>} : memref<12544xf32, #tpu.memory_space<vmem>>, vector<16xf32>,
      } {sc.loop_unroll_factor = 8 : i64, sc.parallel_access}
      %dma_start3A_518 = arith.constant 6272 : i32
      %dma_start3A_519 = tpu.memref_slice %arg9[%dma_start3A_518] : memref<12544xf32, #tpu.memory_space<vmem>> -> memref<6272xf32, #tpu.memory_space<vmem>>
      %dma_start3A_520 = arith.constant 43904 : i32
      %dma_start3A_521 = tpu.memref_slice %arg5[%add3A_32, %dma_start3A_520] : memref<768x50176xf32, #tpu.memory_space<hbm>> -> memref<1x6272xf32, #tpu.memory_space<hbm>>
      %dma_start3A_522 = tpu.memref_squeeze %dma_start3A_521 : memref<1x6272xf32, #tpu.memory_space<hbm>> -> memref<6272xf32, #tpu.memory_space<hbm>>
      %dma_start3A_523 = arith.constant 43904 : i32
      %dma_start3A_524 = tpu.memref_slice %arg5[%add3A_32, %dma_start3A_523] : memref<768x50176xf32, #tpu.memory_space<hbm>> -> memref<1x6272xf32, #tpu.memory_space<hbm>>
      %dma_start3A_525 = tpu.memref_squeeze %dma_start3A_524 : memref<1x6272xf32, #tpu.memory_space<hbm>> -> memref<6272xf32, #tpu.memory_space<hbm>>
      %dma_start3A_526 = arith.constant 6272 : i32
      %dma_start3A_527 = tpu.memref_slice %arg9[%dma_start3A_526] : memref<12544xf32, #tpu.memory_space<vmem>> -> memref<6272xf32, #tpu.memory_space<vmem>>
      tpu.enqueue_dma source(%dma_start3A_527 : memref<6272xf32, #tpu.memory_space<vmem>>) target(%dma_start3A_525 : memref<6272xf32, #tpu.memory_space<hbm>>) target_semaphore(%arg15 : memref<!tpu.dma_semaphore, #tpu.memory_space<semaphore_mem>>)
      %add3A_528 = arith.constant 384 : i32
      %add3A_529 = arith.addi %add3A_528, %add3A_32 : i32
      %dma_start3A_530 = arith.constant 6272 : i32
      %dma_start3A_531 = tpu.memref_slice %arg10[%dma_start3A_530] : memref<12544xf32, #tpu.memory_space<vmem>> -> memref<6272xf32, #tpu.memory_space<vmem>>
      %dma_start3A_532 = arith.constant 43904 : i32
      %dma_start3A_533 = tpu.memref_slice %arg5[%add3A_529, %dma_start3A_532] : memref<768x50176xf32, #tpu.memory_space<hbm>> -> memref<1x6272xf32, #tpu.memory_space<hbm>>
      %dma_start3A_534 = tpu.memref_squeeze %dma_start3A_533 : memref<1x6272xf32, #tpu.memory_space<hbm>> -> memref<6272xf32, #tpu.memory_space<hbm>>
      %dma_start3A_535 = arith.constant 43904 : i32
      %dma_start3A_536 = tpu.memref_slice %arg5[%add3A_529, %dma_start3A_535] : memref<768x50176xf32, #tpu.memory_space<hbm>> -> memref<1x6272xf32, #tpu.memory_space<hbm>>
      %dma_start3A_537 = tpu.memref_squeeze %dma_start3A_536 : memref<1x6272xf32, #tpu.memory_space<hbm>> -> memref<6272xf32, #tpu.memory_space<hbm>>
      %dma_start3A_538 = arith.constant 6272 : i32
      %dma_start3A_539 = tpu.memref_slice %arg10[%dma_start3A_538] : memref<12544xf32, #tpu.memory_space<vmem>> -> memref<6272xf32, #tpu.memory_space<vmem>>
      tpu.enqueue_dma source(%dma_start3A_539 : memref<6272xf32, #tpu.memory_space<vmem>>) target(%dma_start3A_537 : memref<6272xf32, #tpu.memory_space<hbm>>) target_semaphore(%arg15 : memref<!tpu.dma_semaphore, #tpu.memory_space<semaphore_mem>>)
      %dma_wait3A_540 = arith.constant 0 : i32
      %dma_wait3A_541 = tpu.memref_slice %arg9[%dma_wait3A_540] : memref<12544xf32, #tpu.memory_space<vmem>> -> memref<6272xf32, #tpu.memory_space<vmem>>
      %dma_wait3A_542 = arith.constant 37632 : i32
      %dma_wait3A_543 = tpu.memref_slice %arg5[%add3A_32, %dma_wait3A_542] : memref<768x50176xf32, #tpu.memory_space<hbm>> -> memref<1x6272xf32, #tpu.memory_space<hbm>>
      %dma_wait3A_544 = tpu.memref_squeeze %dma_wait3A_543 : memref<1x6272xf32, #tpu.memory_space<hbm>> -> memref<6272xf32, #tpu.memory_space<hbm>>
      %dma_wait3A_545 = arith.constant 37632 : i32
      %dma_wait3A_546 = tpu.memref_slice %arg5[%add3A_32, %dma_wait3A_545] : memref<768x50176xf32, #tpu.memory_space<hbm>> -> memref<1x6272xf32, #tpu.memory_space<hbm>>
      %dma_wait3A_547 = tpu.memref_squeeze %dma_wait3A_546 : memref<1x6272xf32, #tpu.memory_space<hbm>> -> memref<6272xf32, #tpu.memory_space<hbm>>
      %dma_wait3A_548 = arith.constant 0 : i32
      %dma_wait3A_549 = tpu.memref_slice %arg9[%dma_wait3A_548] : memref<12544xf32, #tpu.memory_space<vmem>> -> memref<6272xf32, #tpu.memory_space<vmem>>
      tpu.wait_dma2 semaphore(%arg14 : memref<!tpu.dma_semaphore, #tpu.memory_space<semaphore_mem>>) src(%dma_wait3A_549 : memref<6272xf32, #tpu.memory_space<vmem>>) dst(%dma_wait3A_547 : memref<6272xf32, #tpu.memory_space<hbm>>)
      %dma_wait3A_550 = arith.constant 0 : i32
      %dma_wait3A_551 = tpu.memref_slice %arg10[%dma_wait3A_550] : memref<12544xf32, #tpu.memory_space<vmem>> -> memref<6272xf32, #tpu.memory_space<vmem>>
      %dma_wait3A_552 = arith.constant 37632 : i32
      %dma_wait3A_553 = tpu.memref_slice %arg5[%add3A_474, %dma_wait3A_552] : memref<768x50176xf32, #tpu.memory_space<hbm>> -> memref<1x6272xf32, #tpu.memory_space<hbm>>
      %dma_wait3A_554 = tpu.memref_squeeze %dma_wait3A_553 : memref<1x6272xf32, #tpu.memory_space<hbm>> -> memref<6272xf32, #tpu.memory_space<hbm>>
      %dma_wait3A_555 = arith.constant 37632 : i32
      %dma_wait3A_556 = tpu.memref_slice %arg5[%add3A_474, %dma_wait3A_555] : memref<768x50176xf32, #tpu.memory_space<hbm>> -> memref<1x6272xf32, #tpu.memory_space<hbm>>
      %dma_wait3A_557 = tpu.memref_squeeze %dma_wait3A_556 : memref<1x6272xf32, #tpu.memory_space<hbm>> -> memref<6272xf32, #tpu.memory_space<hbm>>
      %dma_wait3A_558 = arith.constant 0 : i32
      %dma_wait3A_559 = tpu.memref_slice %arg10[%dma_wait3A_558] : memref<12544xf32, #tpu.memory_space<vmem>> -> memref<6272xf32, #tpu.memory_space<vmem>>
      tpu.wait_dma2 semaphore(%arg14 : memref<!tpu.dma_semaphore, #tpu.memory_space<semaphore_mem>>) src(%dma_wait3A_559 : memref<6272xf32, #tpu.memory_space<vmem>>) dst(%dma_wait3A_557 : memref<6272xf32, #tpu.memory_space<hbm>>)
      %dma_wait3A_560 = arith.constant 6272 : i32
      %dma_wait3A_561 = tpu.memref_slice %arg9[%dma_wait3A_560] : memref<12544xf32, #tpu.memory_space<vmem>> -> memref<6272xf32, #tpu.memory_space<vmem>>
      %dma_wait3A_562 = arith.constant 43904 : i32
      %dma_wait3A_563 = tpu.memref_slice %arg5[%add3A_32, %dma_wait3A_562] : memref<768x50176xf32, #tpu.memory_space<hbm>> -> memref<1x6272xf32, #tpu.memory_space<hbm>>
      %dma_wait3A_564 = tpu.memref_squeeze %dma_wait3A_563 : memref<1x6272xf32, #tpu.memory_space<hbm>> -> memref<6272xf32, #tpu.memory_space<hbm>>
      %dma_wait3A_565 = arith.constant 43904 : i32
      %dma_wait3A_566 = tpu.memref_slice %arg5[%add3A_32, %dma_wait3A_565] : memref<768x50176xf32, #tpu.memory_space<hbm>> -> memref<1x6272xf32, #tpu.memory_space<hbm>>
      %dma_wait3A_567 = tpu.memref_squeeze %dma_wait3A_566 : memref<1x6272xf32, #tpu.memory_space<hbm>> -> memref<6272xf32, #tpu.memory_space<hbm>>
      %dma_wait3A_568 = arith.constant 6272 : i32
      %dma_wait3A_569 = tpu.memref_slice %arg9[%dma_wait3A_568] : memref<12544xf32, #tpu.memory_space<vmem>> -> memref<6272xf32, #tpu.memory_space<vmem>>
      tpu.wait_dma2 semaphore(%arg15 : memref<!tpu.dma_semaphore, #tpu.memory_space<semaphore_mem>>) src(%dma_wait3A_569 : memref<6272xf32, #tpu.memory_space<vmem>>) dst(%dma_wait3A_567 : memref<6272xf32, #tpu.memory_space<hbm>>)
      %dma_wait3A_570 = arith.constant 6272 : i32
      %dma_wait3A_571 = tpu.memref_slice %arg10[%dma_wait3A_570] : memref<12544xf32, #tpu.memory_space<vmem>> -> memref<6272xf32, #tpu.memory_space<vmem>>
      %dma_wait3A_572 = arith.constant 43904 : i32
      %dma_wait3A_573 = tpu.memref_slice %arg5[%add3A_529, %dma_wait3A_572] : memref<768x50176xf32, #tpu.memory_space<hbm>> -> memref<1x6272xf32, #tpu.memory_space<hbm>>
      %dma_wait3A_574 = tpu.memref_squeeze %dma_wait3A_573 : memref<1x6272xf32, #tpu.memory_space<hbm>> -> memref<6272xf32, #tpu.memory_space<hbm>>
      %dma_wait3A_575 = arith.constant 43904 : i32
      %dma_wait3A_576 = tpu.memref_slice %arg5[%add3A_529, %dma_wait3A_575] : memref<768x50176xf32, #tpu.memory_space<hbm>> -> memref<1x6272xf32, #tpu.memory_space<hbm>>
      %dma_wait3A_577 = tpu.memref_squeeze %dma_wait3A_576 : memref<1x6272xf32, #tpu.memory_space<hbm>> -> memref<6272xf32, #tpu.memory_space<hbm>>
      %dma_wait3A_578 = arith.constant 6272 : i32
      %dma_wait3A_579 = tpu.memref_slice %arg10[%dma_wait3A_578] : memref<12544xf32, #tpu.memory_space<vmem>> -> memref<6272xf32, #tpu.memory_space<vmem>>
      tpu.wait_dma2 semaphore(%arg15 : memref<!tpu.dma_semaphore, #tpu.memory_space<semaphore_mem>>) src(%dma_wait3A_579 : memref<6272xf32, #tpu.memory_space<vmem>>) dst(%dma_wait3A_577 : memref<6272xf32, #tpu.memory_space<hbm>>)
    }
    %scan3A_28 = arith.constant 12 : i32
    return
  }
}

</mosaic_0001>

<sc_bundles>
// kernel: kernel.3.cloned.1.call-start
scs
__scs_entry_jumppad:
0x0: {  	(pc) =	sbr.rel $0x88, $3  }
0x1: {  	(tag) =	ssettag $0x0;
	lr =	simm.s32 $0x1  }
0x2: {  	[smem:$0x3F9E] =	sst lr;
	_ =	strace $0xD0000000  }
0x3: {  	_ = 	snop  }
0x4: {  	_ = 	snop  }
0x5: {  	_ = 	snop  }
0x6: {  	_ = 	snop  }
0x7: {  	_ = 	snop  }
__scs_overlays_trampoline_lowered:
0x8: {  	[smem:$0x3FAD] =	sst s0  }
0x9: {  	[smem:$0x3FAE] =	sst s1  }
0xa: {  	[smem:$0x3FAF] =	sst s2  }
0xb: {  	[smem:$0x3FB0] =	sst s3  }
0xc: {  	[smem:$0x3FB1] =	sst s4  }
0xd: {  	[smem:$0x3FB2] =	sst s5  }
0xe: {  	[smem:$0x3FB3] =	sst s6  }
0xf: {  	[smem:$0x3FB4] =	sst s7  }
0x10: {  	[smem:$0x3FB5] =	sst s8  }
0x11: {  	[smem:$0x3FB6] =	sst s9;
	s0 =	simm.s32 @!p0 $0x0  }
0x12: {  	s1 =	sld [smem:$0x3F9C];
	s0 =	simm.s32 @p0 $0x1  }
0x13: {  	[smem:$0x3FB7] =	sst s0;
	s0 =	simm.s32 @!p1 $0x0  }
0x14: {  	s2 =	sld [smem:$0x3F9B];
	s0 =	simm.s32 @p1 $0x1  }
0x15: {  	[smem:$0x3FB8] =	sst s0;
	s0 =	simm.s32 @!p2 $0x0  }
0x16: {  	s3 =	sld [smem:$0x3FDB];
	s0 =	simm.s32 @p2 $0x1  }
0x17: {  	s4 =	simm.s32 $0x1BF5;
	[smem:$0x3FBA] =	sst s0  }
0x18: {  	s0 =	sld [smem:$0x3F9D];
	_ =	swait.ge [sflag:s4], $0x0  }
0x19: {  	s7 =	sld [smem:$0x3F9E]  }
0x1a: {  	s8 =	sadd.s32 $0xFFFFE003, lr  }
0x1b: {  	s9 =	sadd.s32 $0xFFFFFEF7, lr;
	s5 =	simm.s32 $0xFFFFFFFF;
	p2 =	slt.u32 s8, $0xFFFFF086  }
0x1c: {  	p1 =	slt.u32 s9, $0xF7A;
	s5 =	simm.s32 @!p2 $0x0  }
0x1d: {  	s5 =	simm.s32 @p1 $0x1;
	p0 =	seq.s32 s7, s2  }
0x1e: {  	s7 =	smul.u32 @!p0 $0xF7A, s2;
	p2 =	seq.s32 @!p0 s5, $0x0  }
0x1f: {  	s9 =	smul.u32 $0xF7A, s1;
	s8 =	simm.s32 @!p0 $0x1BF5;
	p2 =	por !p2, p0  }
0x20: {  	[sflag:s8] =	ssyncset.s32 @!p0 $0xFFFFF086;
	s6 =	sadd.s32 @!p0 s3, s7;
	s7 =	simm.s32 @!p0 $0x108  }
0x21: {  	s3 =	sadd.s32 s3, s9;
	s6 =	sadd.s32 @!p0 $0x88, s6;
	s7 =	simm.s32 @p2 $0x1082  }
0x22: {  	[simem:s7], [sflag:s8] =	dma.local @!p0 [hbm:s6], $0xF7A  }
0x23: {  	s9 =	sor.u32 $0xD0000000, s2;
	s6 =	simm.s32 $0x108;
	_ =	swait.ge @!p0 [sflag:s8], $0x0  }
0x24: {  	s3 =	sadd.s32 $0x88, s3;
	s6 =	simm.s32 @!p1 $0x1082;
	[sflag:s4] =	ssyncset.s32 $0xFFFFF086  }
0x25: {  	[simem:s6], [sflag:s4] =	dma.local [hbm:s3], $0xF7A  }
0x26: {  	[smem:$0x3F9E] =	sst s1;
	(tag) =	ssettag s2;
	_ =	strace s9  }
0x27: {  	s1 =	sld [smem:$0x3FAE]  }
0x28: {  	s2 =	sld [smem:$0x3FAF]  }
0x29: {  	s4 =	sld [smem:$0x3FB1]  }
0x2a: {  	p0 =	seq.s32 s5, $0x0;
	s5 =	sld [smem:$0x3FB2]  }
0x2b: {  	s6 =	sld [smem:$0x3FB3]  }
0x2c: {  	s7 =	sld [smem:$0x3FB4]  }
0x2d: {  	s3 =	simm.s32 $0x108;
	s8 =	sld [smem:$0x3FB5]  }
0x2e: {  	s3 =	simm.s32 @!p0 $0x1082;
	s9 =	sld [smem:$0x3FB6]  }
0x2f: {  	lr =	sadd.s32 s0, s3;
	s0 =	sld [smem:$0x3FAD]  }
0x30: {  	s3 =	sld [smem:$0x3FB0]  }
0x31: {  	[smem:$0x3FB9] =	sst s10  }
0x32: {  	s10 =	sld [smem:$0x3FB7];
	_ =	sdelay $0x3  }
0x33: {  	p0 =	seq.s32 s10, $0x1;
	s10 =	sld [smem:$0x3FB9];
	_ =	sdelay $0x3  }
0x34: {  	[smem:$0x3FB9] =	sst s10  }
0x35: {  	s10 =	sld [smem:$0x3FB8];
	_ =	sdelay $0x3  }
0x36: {  	p1 =	seq.s32 s10, $0x1;
	s10 =	sld [smem:$0x3FB9];
	_ =	sdelay $0x3  }
0x37: {  	[smem:$0x3FB9] =	sst s10  }
0x38: {  	s10 =	sld [smem:$0x3FBA]  }
0x39: {  	_ = 	snop;
	(pc) =	sbr.ind lr, $3  }
0x3a: {  	_ = 	snop  }
0x3b: {  	_ = 	snop  }
0x3c: {  	p2 =	seq.s32 s10, $0x1;
	s10 =	sld [smem:$0x3FB9]  }
0x3d: {  	_ =	shalt  }
0x3e: {  	_ =	shalt  }
0x3f: {  	_ =	shalt  }
0x40: {  	_ =	shalt  }
0x41: {  	_ =	shalt  }
0x42: {  	_ =	shalt  }
0x43: {  	_ =	shalt  }
0x44: {  	_ =	shalt  }
0x45: {  	_ =	shalt  }
0x46: {  	_ =	shalt  }
0x47: {  	_ =	shalt  }
0x48: {  	_ =	shalt  }
0x49: {  	_ =	shalt  }
0x4a: {  	_ =	shalt  }
0x4b: {  	_ =	shalt  }
0x4c: {  	_ =	shalt  }
0x4d: {  	_ =	shalt  }
0x4e: {  	_ =	shalt  }
0x4f: {  	_ =	shalt  }
0x50: {  	_ =	shalt  }
0x51: {  	_ =	shalt  }
0x52: {  	_ =	shalt  }
0x53: {  	_ =	shalt  }
0x54: {  	_ =	shalt  }
0x55: {  	_ =	shalt  }
0x56: {  	_ =	shalt  }
0x57: {  	_ =	shalt  }
0x58: {  	_ =	shalt  }
0x59: {  	_ =	shalt  }
0x5a: {  	_ =	shalt  }
0x5b: {  	_ =	shalt  }
0x5c: {  	_ =	shalt  }
0x5d: {  	_ =	shalt  }
0x5e: {  	_ =	shalt  }
0x5f: {  	_ =	shalt  }
0x60: {  	_ =	shalt  }
0x61: {  	_ =	shalt  }
0x62: {  	_ =	shalt  }
0x63: {  	_ =	shalt  }
0x64: {  	_ =	shalt  }
0x65: {  	_ =	shalt  }
0x66: {  	_ =	shalt  }
0x67: {  	_ =	shalt  }
0x68: {  	_ =	shalt  }
0x69: {  	_ =	shalt  }
0x6a: {  	_ =	shalt  }
0x6b: {  	_ =	shalt  }
0x6c: {  	_ =	shalt  }
0x6d: {  	_ =	shalt  }
0x6e: {  	_ =	shalt  }
0x6f: {  	_ =	shalt  }
0x70: {  	_ =	shalt  }
0x71: {  	_ =	shalt  }
0x72: {  	_ =	shalt  }
0x73: {  	_ =	shalt  }
0x74: {  	_ =	shalt  }
0x75: {  	_ =	shalt  }
0x76: {  	_ =	shalt  }
0x77: {  	_ =	shalt  }
0x78: {  	_ =	shalt  }
0x79: {  	_ =	shalt  }
0x7a: {  	_ =	shalt  }
0x7b: {  	_ =	shalt  }
0x7c: {  	_ =	shalt  }
0x7d: {  	_ =	shalt  }
0x7e: {  	_ =	shalt  }
0x7f: {  	_ =	shalt  }
0x80: {  	_ =	shalt  }
0x81: {  	_ =	shalt  }
0x82: {  	_ =	shalt  }
0x83: {  	_ =	shalt  }
0x84: {  	_ =	shalt  }
0x85: {  	_ =	shalt  }
0x86: {  	_ =	shalt  }
0x87: {  	_ =	shalt  }
.Lfunc_end0:
.L_simem_size_0:
called_computation_lowered:
.L_overlay_start_0:
0x88: {  	s2 =	sld [smem:$0x3FD9]  }
0x89: {  	s3 =	sld [smem:$0x3FFE];
	_ =	sdelay $0x1  }
0x8a: {  	s1 =	srdreg.scid  }
0x8b: {  	s0 =	sand.u32 $0x1, s1  }
0x8c: {  	s16 =	sshll.u32 s0, $0xA;
	s2 =	sadd.s32 s3, s2  }
0x8d: {  	s2 =	sadd.s32 s2, s16  }
0x8e: {  	[smem:$0x3FC5] =	sst s2  }
0x8f: {  	_ = 	snop  }
0x90: {  	(tm) =	ssettm $0x1  }
0x91: {  	s17 =	sld [smem:$0x3FFB];
	_ =	sdelay $0x3  }
0x92: {  	_ =	strace s17  }
0x93: {  	s2 =	sld [smem:$0x3FFC];
	_ =	sdelay $0x3  }
0x94: {  	_ =	strace s2  }
0x95: {  	s2 =	sld [smem:$0x3FFD];
	_ =	sdelay $0x3  }
0x96: {  	_ =	strace s2  }
0x97: {  	_ =	strace $0x8FFFFFFF  }
0x98: {  	s18 =	sld [smem:$0x3FDB];
	_ =	sdelay $0x1  }
0x99: {  	s19 =	simm.s32 $_scs_section_size  }
0x9a: {  	s4 =	simm.s32 $_size__tile_overlayer_lowered;
	s5 =	simm.s32 $_tile_overlayer_lowered  }
0x9b: {  	s22 =	simm.s32 $0x1BFF;
	s21 =	sshll.u32 s5, $0x1;
	s2 =	sadd.s32 s19, s18  }
0x9c: {  	s6 =	simm.s32 $0x0;
	s20 =	sshll.u32 s4, $0x1;
	s4 =	sadd.s32 s21, s2  }
0x9d: {  	[timem:s6], [sflag:s22] =	dma.local [hbm:s4], s20  }
0x9e: {  	_ =	swait.ge [sflag:s22], s20  }
0x9f: {  	s3 =	ssub.s32 $0x0, s20;
	[sflag:s22] =	ssyncset.done $0x0  }
0xa0: {  	[sflag:s22] =	ssyncadd.s32 s3;
	_ =	sdelay $0x1  }
0xa1: {  	s23 =	simm.s32 $0x1B8B  }
0xa2: {  	_ =	swait.ge [sflag:s23], $0x1  }
0xa3: {  	[sflag:s23] =	ssyncset.done $0x0  }
0xa4: {  	s25 =	simm.s32 $0x1B8E;
	s24 =	sld [smem:$0x3FFE];
	[sflag:s23] =	ssyncadd.s32 $0xFFFFFFFF  }
0xa5: {  	s26 =	simm.s32 $execute0_lowered;
	[smem:$0x3FD2] =	sst s25  }
0xa6: {  	s4 =	sshll.u32 s26, $0x1;
	_ =	strace $0x80000046;
	[dreg:$0x1] =	wrdreg $0xFFFFFFFF  }
0xa7: {  	s28 =	simm.s32 $_size_execute0_lowered;
	s2 =	sadd.s32 s2, s4;
	[dreg:$0x0] =	wrdreg $0x0  }
0xa8: {  	s4 =	sshll.u32 s28, $0x1;
	[dreg:$0x2] =	wrdreg s2  }
0xa9: {  	[dreg:$0x3] =	wrdreg s4  }
0xaa: {  	[dreg:$0x4] =	wrdreg $0xC0  }
0xab: {  	_ =	task [dreg:s6], $0x5FFFF  }
0xac: {  	[dreg:$0x1] =	wrdreg $0xFFFFFFFF  }
0xad: {  	[dreg:$0x0] =	wrdreg $0x60  }
0xae: {  	[dreg:$0x2] =	wrdreg s24  }
0xaf: {  	[dreg:$0x3] =	wrdreg $0x9  }
0xb0: {  	_ =	task.clear_ibuf [dreg:s6], $0x4FFFF;
	_ =	strace $0x90000046  }
0xb1: {  	s29 =	simm.s32 $0x9;
	_ =	strace $0x80000048  }
0xb2: {  	_ =	swait.ge [sflag:s29], $0x1  }
0xb3: {  	[sflag:s29] =	ssyncadd.s32 $0xFFFFFFFF  }
0xb4: {  	_ =	strace $0x90000048  }
0xb5: {  	_ =	sfence  }
0xb6: {  	s30 =	sld [smem:$0x0];
	_ =	sdelay $0x2  }
0xb7: {  	s31 =	sshll.u32 s1, $0xD;
	s1 =	sshrl.u32 s1, $0x2  }
0xb8: {  	s3 =	sand.u32 $0x4000, s31;
	s1 =	sadd.s32 s1, s30  }
0xb9: {  	s0 =	sor.u32 s3, s0;
	s1 =	sshll.u32 s1, $0x11  }
0xba: {  	s0 =	sor.u32 s1, s0  }
0xbb: {  	s0 =	sadd.s32 $0x8F2B, s0  }
0xbc: {  	[sflag:s0] =	ssyncadd.remote.s32 $0x1  }
0xbd: {  	_ =	sfence.sel $0xFFFF  }
0xbe: {  	[dreg:$0x0] =	wrdreg $0xFFFFFFFF;
	(pc) =	sbr.abs _section_cstart, $3  }
0xbf: {  	[dreg:$0x1] =	wrdreg $0xFFFFFFFF  }
0xc0: {  	_ =	task.clear_ibuf [dreg:s6], $0x2FFFF;
	_ =	strace $0x9FFFFFFF  }
0xc1: {  	(tm) =	ssettm $0x7FFFFFFF  }
tec
execute0_lowered:
.L_overlay_start_1:
0x0: {  	(tag) =	ssettag $0x1  }
0x1: {  	s0 =	srdreg.scid  }
0x2: {  	s1 =	stileid.u32;
	s4 =	rddreg [dreg:$0x0];
	s3 =	simm.s32 $0x0  }
0x3: {  	s11 =	simm.s32 $0x80;
	s12 =	simm.s32 $0x400;
	s13 =	simm.s32 $0x6200  }
0x4: {  	s14 =	simm.s32 $0x6;
	s16 =	simm.s32 $0xDC80;
	s17 =	simm.s32 $0x1  }
0x5: {  	s28 =	simm.s32 $0xF500;
	s0 =	sand.u32 $0x1, s0;
	s1 =	sshll.u32 s1, $0x1  }
0x6: {  	s19 =	simm.s32 $0x10D80;
	s20 =	simm.s32 $0x13E80;
	s1 =	sor.u32 s0, s1  }
0x7: {  	s21 =	simm.s32 $0x2;
	s22 =	simm.s32 $0x12600;
	s2 =	smul.u32 $0xC, s1  }
0x8: {  	s23 =	simm.s32 $0x15700;
	s24 =	simm.s32 $0x3;
	s25 =	simm.s32 $0x4  }
0x9: {  	[smem:$0x7FF] =	sst s3;
	s8 =	sadd.s32 $0x93200, s4;
	s1 =	sshrl.u32 s2, $0x3  }
0xa: {  	s5 =	sshll.u32 s0, $0x9;
	s0 =	ssub.s32 $0x2, s0;
	s1 =	smul.u32 $0x18800, s1  }
0xb: {  	s9 =	sadd.s32 $0x126200, s4;
	_ =	strace $0x80000047;
	s30 =	sshrl.u32 s0, $0x1  }
0xc: {  	[dreg:$0x2] =	wrdreg s8;
	s0 =	ssub.s32 s0, s30;
	s1 =	sor.u32 s5, s1  }
0xd: {  	[dreg:$0x3] =	wrdreg s9;
	s0 =	smax.u32 s0, $0x1;
	s1 =	sshrl.u32 s1, $0x3  }
0xe: {  	s26 =	simm.s32 $0x5;
	[dreg:$0x6] =	wrdreg s0;
	s31 =	sadd.s32 s8, s1  }
0xf: {  	s6 =	sadd.s32 $0x1B9200, s4;
	s1 =	sadd.s32 s9, s1;
	[dreg:$0x4] =	wrdreg s31  }
0x10: {  	s7 =	sadd.s32 $0x405200, s4;
	[dreg:$0x5] =	wrdreg s1;
	s1 =	simm.s32 $0x0  }
.LBB2_1:
0x11: {  	[dreg:$0x7] =	wrdreg s1  }
0x12: {  	s0 =	rddreg [dreg:$0x4]  }
0x13: {  	[tilespmem:s3], [sflag:$0x6] =	stream.strided.gather [hbm4b:s0+s11], $0x3100, s12, s11, $0x38;
	[tilespmem:$0x16F80] =	vst v63  }
0x14: {  	s31 =	rddreg [dreg:$0x5];
	s29 =	simm.s32 $0x0  }
0x15: {  	[tilespmem:s13], [sflag:$0x6] =	stream.strided.gather [hbm4b:s31+s11], $0x3100, s12, s11, $0x38;
	[tilespmem:$0x16F80] =	vst v63  }
.LBB2_2:
0x16: {  	s4 =	smov.u32 s29;
	_ =	swait.ge [sflag:s14], $0x3100  }
0x17: {  	s29 =	sadd.s32 $0x1, s29;
	[sflag:s14] =	ssyncset.done $0x0;
	p0 =	seq.s32 s4, $0xB  }
0x18: {  	[sflag:s14] =	ssyncadd.s32 $0xFFFFCF00;
	s0 =	sadd.s32 @!p0 s2, s29;
	s5 =	sand.u32 @!p0 $0x1, s29  }
0x19: {  	s8 =	simm.s32 @!p0 $0x80;
	s9 =	simm.s32 @!p0 $0x400;
	s1 =	sshrl.u32 @!p0 s0, $0x3  }
0x1a: {  	_ =	swait.ge [sflag:s14], $0x3100;
	s0 =	sshll.u32 @!p0 s0, $0x7;
	s1 =	smul.u32 @!p0 $0x18800, s1  }
0x1b: {  	p1 =	seq.s32 @!p0 s5, $0x1;
	[sflag:s14] =	ssyncset.done $0x0;
	s0 =	sand.u32 @!p0 $0x380, s0  }
0x1c: {  	p1 =	por !p1, p0;
	s5 =	rddreg [dreg:$0x2];
	s0 =	sor.u32 @!p0 s0, s1  }
0x1d: {  	s10 =	rddreg [dreg:$0x3];
	s1 =	simm.s32 @!p0 $0x3100;
	s0 =	sshrl.u32 @!p0 s0, $0x3  }
0x1e: {  	[sflag:s14] =	ssyncadd.s32 $0xFFFFCF00;
	s1 =	simm.s32 @p1 $0x0;
	s5 =	sadd.s32 @!p0 s5, s0  }
0x1f: {  	[tilespmem:s1], [sflag:$0x6] =	stream.strided.gather @!p0 [hbm4b:s5+s8], $0x3100, s9, s8, $0x38;
	[tilespmem:$0x16F80] =	vst v63  }
0x20: {  	s18 =	sadd.s32 s2, s4;
	s0 =	sadd.s32 @!p0 s10, s0;
	s1 =	sadd.s32 @!p0 $0x6200, s1  }
0x21: {  	[tilespmem:s1], [sflag:$0x6] =	stream.strided.gather @!p0 [hbm4b:s0+s8], $0x3100, s9, s8, $0x38;
	[tilespmem:$0x16F80] =	vst v63  }
0x22: {  	s9 =	sshrl.u32 s18, $0x3  }
0x23: {  	s10 =	sshll.u32 s18, $0x7;
	s8 =	smul.u32 $0x62000, s9  }
0x24: {  	s1 =	sand.u32 $0x380, s10  }
0x25: {  	s0 =	sor.u32 s1, s8  }
0x26: {  	s31 =	sshrl.u32 s0, $0x3;
	s10 =	sadd.s32 $0xC400, s0  }
0x27: {  	s18 =	simm.s32 $0xC400;
	s15 =	sadd.s32 s6, s31;
	s30 =	sshrl.u32 s10, $0x3  }
0x28: {  	[tilespmem:s18], [sflag:$0x1] =	stream.strided.gather [hbm4b:s15+s11], $0x1880, s12, s11, $0x38;
	[tilespmem:$0x16F80] =	vst v63  }
0x29: {  	s5 =	sadd.s32 s6, s30  }
0x2a: {  	[tilespmem:s16], [sflag:$0x2] =	stream.strided.gather [hbm4b:s5+s11], $0x1880, s12, s11, $0x38;
	[tilespmem:$0x16F80] =	vst v63  }
0x2b: {  	s0 =	sadd.s32 $0x18800, s0;
	_ =	swait.ge [sflag:s17], $0x1880  }
0x2c: {  	s0 =	sshrl.u32 s0, $0x3;
	[sflag:s17] =	ssyncset.done $0x0  }
0x2d: {  	s15 =	sadd.s32 s6, s0;
	s18 =	simm.s32 $0xC440;
	[sflag:s17] =	ssyncadd.s32 $0xFFFFE780  }
0x2e: {  	[tilespmem:s28], [sflag:$0x3] =	stream.strided.gather [hbm4b:s15+s11], $0x1880, s12, s11, $0x38;
	[tilespmem:$0x16F80] =	vst v63  }
0x2f: {  	v0 =	vld [tilespmem:s18+$0x20]  }
0x30: {  	v1 =	vld [tilespmem:s18+$0xFFFFFFC0]  }
0x31: {  	v2 =	vld [tilespmem:s18+$0x30];
	_ =	sdelay $0x2  }
0x32: {  	s4 =	sand.u32 $0x1, s4;
	v0 =	vtrunc.f32 v0  }
0x33: {  	p0 =	seq.s32 s4, $0x1;
	s4 =	simm.s32 $0x3100;
	v1 =	vtrunc.f32 v1;
	v3 =	vcvt.f32.s32 v0  }
0x34: {  	s4 =	simm.s32 @!p0 $0x0;
	v7 =	vld [tilespmem:s18+$0x10];
	v1 =	vcvt.f32.s32 v1;
	v0 =	vtrunc.f32 v2  }
0x35: {  	v2 =	vcvt.f32.s32 v0;
	v0 =	vmov s4;
	v4 =	vadd.s32 $0xFFFFFFFF, v3  }
0x36: {  	v9 =	vld [tilespmem:s18+$0xFFFFFFF0];
	v5 =	vadd.s32 $0xFFFFFFFF, v1;
	vm2 =	vgt.s32 v3, $0x0;
	vm0 =	vgt.s32 v4, $0x0  }
0x37: {  	vm1 =	vgt.s32 v5, $0x0;
	v6 =	vadd.s32 $0xFFFFFFFF, v2;
	v4 =	vnsel vm0, $0x0, v4  }
0x38: {  	v8 =	vld [tilespmem:s18+$0x0];
	vm0 =	vgt.s32 v6, $0x0;
	v5 =	vnsel vm1, $0x0, v5;
	v4 =	vadd.s32 v0, v4  }
0x39: {  	v10 =	vld [tilespmem:s18+$0xFFFFFFE0];
	v3 =	vtrunc.f32 v7;
	v5 =	vadd.s32 v0, v5;
	v6 =	vnsel vm0, $0x0, v6  }
0x3a: {  	s10 =	simm.s32 $0xC4C0;
	v11 =	vld [tilespmem:s18+$0xFFFFFFD0];
	v12 =	vcvt.f32.s32 v3;
	v6 =	vadd.s32 v0, v6  }
0x3b: {  	v14 =	vld [tilespmem:s10+$0x30];
	vm3 =	vgt.s32 v1, $0x0;
	v1 =	vtrunc.f32 v9  }
0x3c: {  	v19 =	vld [tilespmem:s10+$0x20];
	v13 =	vcvt.f32.s32 v1;
	v1 =	vadd.s32 $0xFFFFFFFF, v12  }
0x3d: {  	vm0 =	vgt.s32 v1, $0x0;
	v7 =	vld.idx.msk [tilespmem:v4+s3+$0x0], $0xffff  }
0x3e: {  	v8 =	vtrunc.f32 v8;
	vm1 =	vgt.s32 v2, $0x0;
	v1 =	vnsel vm0, $0x0, v1;
	v2 =	vld.idx.msk [tilespmem:v5+s3+$0x0], $0xffff  }
0x3f: {  	v17 =	vcvt.f32.s32 v8;
	v3 =	vtrunc.f32 v10;
	v10 =	vadd.s32 v0, v1;
	v8 =	vld.idx.msk [tilespmem:v6+s3+$0x0], $0xffff  }
0x40: {  	v18 =	vld.idx.msk [tilespmem:v6+s13+$0x0], $0xffff;
	v6 =	vtrunc.f32 v11;
	v11 =	vcvt.f32.s32 v3  }
0x41: {  	v16 =	vld.idx.msk [tilespmem:v4+s13+$0x0], $0xffff;
	v3 =	vadd.s32 $0xFFFFFFFF, v13  }
0x42: {  	v5 =	vld.idx.msk [tilespmem:v5+s13+$0x0], $0xffff;
	v4 =	vcvt.f32.s32 v6;
	vm0 =	vgt.s32 v3, $0x0;
	v9 =	vadd.s32 $0xFFFFFFFF, v11  }
0x43: {  	v21 =	vadd.s32 $0xFFFFFFFF, v17;
	v6 =	vld [tilespmem:s10+$0xFFFFFFC0];
	v1 =	vnsel vm0, $0x0, v3;
	vm4 =	vgt.s32 v9, $0x0  }
0x44: {  	v22 =	vld.idx.msk [tilespmem:v10+s3+$0x0], $0xffff;
	v15 =	vadd.s32 $0xFFFFFFFF, v4;
	v3 =	vnsel vm4, $0x0, v9;
	v9 =	vadd.s32 v0, v1  }
0x45: {  	vm5 =	vgt.s32 v12, $0x0;
	v62 =	vld.idx.msk [tilespmem:v10+s13+$0x0], $0xffff;
	v10 =	vtrunc.f32 v19;
	vm0 =	vgt.s32 v15, $0x0  }
0x46: {  	vm4 =	vgt.s32 v21, $0x0;
	v15 =	vnsel vm0, $0x0, v15;
	v20 =	vadd.s32 v0, v3  }
0x47: {  	v1 =	vld [tilespmem:s10+$0x0];
	vm0 =	vgt.s32 v4, $0x0;
	v21 =	vnsel vm4, $0x0, v21;
	v8 =	vnsel vm1, $0x0, v8  }
0x48: {  	s9 =	simm.s32 $0x10DC0;
	v3 =	vld [tilespmem:s10+$0x10];
	v15 =	vadd.s32 v0, v15;
	v4 =	vtrunc.f32 v6;
	v6 =	vnsel vm3, $0x0, v2  }
0x49: {  	[tilespmem:s9+$0x30] =	vst v8;
	v2 =	vcvt.f32.s32 v4;
	v4 =	vtrunc.f32 v14;
	v14 =	vadd.s32 v0, v21;
	v19 =	vld.idx.msk [tilespmem:v9+s3+$0x0], $0xffff  }
0x4a: {  	s28 =	simm.s32 $0x13EC0;
	v23 =	vnsel vm2, $0x0, v7;
	v7 =	vcvt.f32.s32 v10;
	v5 =	vnsel vm3, $0x0, v5;
	[tilespmem:s9+$0xFFFFFFC0] =	vst v6;
	v25 =	vld.idx.msk [tilespmem:v9+s13+$0x0], $0xffff  }
0x4b: {  	v8 =	vnsel vm5, $0x0, v22;
	v4 =	vcvt.f32.s32 v4;
	[tilespmem:s28+$0xFFFFFFC0] =	vst v5;
	v6 =	vadd.s32 $0xFFFFFFFF, v2;
	v24 =	vld.idx.msk [tilespmem:v20+s3+$0x0], $0xffff  }
0x4c: {  	v5 =	vadd.s32 $0xFFFFFFFF, v7;
	[tilespmem:s9+$0x10] =	vst v8;
	v8 =	vnsel vm5, $0x0, v62;
	vm3 =	vgt.s32 v6, $0x0;
	v20 =	vld.idx.msk [tilespmem:v20+s13+$0x0], $0xffff  }
0x4d: {  	vm5 =	vgt.s32 v11, $0x0;
	v6 =	vnsel vm3, $0x0, v6;
	vm3 =	vgt.s32 v5, $0x0;
	v10 =	vld.idx.msk [tilespmem:v15+s13+$0x0], $0xffff  }
0x4e: {  	[tilespmem:s9+$0x20] =	vst v23;
	v63 =	vadd.s32 $0xFFFFFFFF, v4;
	v9 =	vld.idx.msk [tilespmem:v14+s13+$0x0], $0xffff;
	v5 =	vnsel vm3, $0x0, v5;
	vm3 =	vgt.s32 v13, $0x0  }
0x4f: {  	[tilespmem:s28+$0x10] =	vst v8;
	vm4 =	vgt.s32 v63, $0x0;
	v11 =	vld.idx.msk [tilespmem:v15+s3+$0x0], $0xffff;
	v5 =	vadd.s32 v0, v5;
	v13 =	vnsel vm3, $0x0, v19  }
0x50: {  	v12 =	vld.idx.msk [tilespmem:v14+s3+$0x0], $0xffff;
	v8 =	vadd.s32 v0, v6;
	v6 =	vnsel vm4, $0x0, v63;
	v19 =	vnsel vm2, $0x0, v16;
	[tilespmem:s9+$0xFFFFFFF0] =	vst v13  }
0x51: {  	v15 =	vld [tilespmem:s10+$0xFFFFFFF0];
	vm4 =	vgt.s32 v17, $0x0;
	v6 =	vadd.s32 v0, v6;
	v14 =	vnsel vm5, $0x0, v24;
	[tilespmem:s28+$0x20] =	vst v19  }
0x52: {  	s5 =	simm.s32 $0x10DC0;
	s18 =	simm.s32 $0x8;
	s4 =	simm.s32 $0x13EC0;
	v17 =	vnsel vm1, $0x0, v18;
	v16 =	vld [tilespmem:s10+$0xFFFFFFE0];
	v13 =	vnsel vm5, $0x0, v20;
	[tilespmem:s9+$0xFFFFFFE0] =	vst v14;
	v14 =	vnsel vm3, $0x0, v25  }
.LBB2_3:
0x53: {  	s18 =	sadd.s32 $0x8, s18;
	v18 =	vld [tilespmem:s10+$0xFFFFFFD0];
	vm2 =	vgt.s32 v7, $0x0;
	vm1 =	vgt.s32 v4, $0x0;
	v4 =	vnsel vm4, $0x0, v9;
	[tilespmem:s28+$0x30] =	vst v17;
	s9 =	sadd.s32 $0x80, s9;
	s4 =	sadd.s32 $0x80, s4  }
0x54: {  	vm3 =	vgt.s32 v2, $0x0;
	v2 =	vtrunc.f32 v3;
	v3 =	vnsel vm0, $0x0, v10;
	p0 =	slt.u32 s18, $0x180;
	v7 =	vld.idx.msk [tilespmem:v5+s3+$0x0], $0xffff;
	[tilespmem:s28+$0xFFFFFFF0] =	vst v14  }
0x55: {  	v1 =	vtrunc.f32 v1;
	v10 =	vcvt.f32.s32 v2;
	v2 =	vnsel vm4, $0x0, v12;
	v9 =	vld.idx.msk [tilespmem:v8+s3+$0x0], $0xffff;
	[tilespmem:s28+$0xFFFFFFE0] =	vst v13  }
0x56: {  	v17 =	vcvt.f32.s32 v1;
	v1 =	vnsel vm0, $0x0, v11;
	v12 =	vtrunc.f32 v15;
	v13 =	vld.idx.msk [tilespmem:v6+s3+$0x0], $0xffff;
	[tilespmem:s5+$0x0] =	vst v2  }
0x57: {  	v2 =	vtrunc.f32 v16;
	v11 =	vcvt.f32.s32 v12;
	v12 =	vadd.s32 $0xFFFFFFFF, v10;
	v19 =	vld.idx.msk [tilespmem:v6+s13+$0x0], $0xffff;
	[tilespmem:s5+$0xFFFFFFD0] =	vst v1;
	s5 =	smov.u32 s9  }
0x58: {  	v1 =	vtrunc.f32 v18;
	v6 =	vcvt.f32.s32 v2;
	vm0 =	vgt.s32 v12, $0x0;
	v16 =	vld.idx.msk [tilespmem:v5+s13+$0x0], $0xffff;
	[tilespmem:s28+$0xFFFFFFD0] =	vst v3  }
0x59: {  	s10 =	sadd.s32 $0x80, s10;
	v5 =	vld.idx.msk [tilespmem:v8+s13+$0x0], $0xffff;
	v2 =	vcvt.f32.s32 v1;
	v1 =	vadd.s32 $0xFFFFFFFF, v11;
	v3 =	vnsel vm0, $0x0, v12;
	[tilespmem:s28+$0x0] =	vst v4;
	s28 =	smov.u32 s4  }
0x5a: {  	v4 =	vld [tilespmem:s10+$0xFFFFFFC0];
	v8 =	vadd.s32 $0xFFFFFFFF, v6;
	vm0 =	vgt.s32 v1, $0x0;
	v12 =	vadd.s32 v0, v3  }
0x5b: {  	v14 =	vld [tilespmem:s10+$0x30];
	v3 =	vadd.s32 $0xFFFFFFFF, v2;
	vm4 =	vgt.s32 v8, $0x0;
	v1 =	vnsel vm0, $0x0, v1  }
0x5c: {  	v15 =	vld [tilespmem:s10+$0x20];
	vm0 =	vgt.s32 v3, $0x0;
	v8 =	vnsel vm4, $0x0, v8;
	v18 =	vadd.s32 v0, v1  }
0x5d: {  	v21 =	vadd.s32 $0xFFFFFFFF, v17;
	v1 =	vld [tilespmem:s10+$0x0];
	v20 =	vnsel vm0, $0x0, v3;
	v8 =	vadd.s32 v0, v8  }
0x5e: {  	vm4 =	vgt.s32 v21, $0x0;
	vm0 =	vgt.s32 v2, $0x0;
	v3 =	vld [tilespmem:s10+$0x10];
	v20 =	vadd.s32 v0, v20  }
0x5f: {  	v2 =	vtrunc.f32 v4;
	v4 =	vnsel vm3, $0x0, v9;
	v9 =	vnsel vm4, $0x0, v21;
	v21 =	vld.idx.msk [tilespmem:v12+s3+$0x0], $0xffff  }
0x60: {  	v2 =	vcvt.f32.s32 v2;
	v14 =	vtrunc.f32 v14;
	[tilespmem:s9+$0xFFFFFFC0] =	vst v4;
	v22 =	vadd.s32 v0, v9;
	v12 =	vld.idx.msk [tilespmem:v12+s13+$0x0], $0xffff  }
0x61: {  	v9 =	vtrunc.f32 v15;
	v4 =	vcvt.f32.s32 v14;
	v14 =	vld.idx.msk [tilespmem:v18+s3+$0x0], $0xffff;
	v15 =	vnsel vm2, $0x0, v7  }
0x62: {  	v5 =	vnsel vm3, $0x0, v5;
	v23 =	vadd.s32 $0xFFFFFFFF, v2;
	v7 =	vcvt.f32.s32 v9;
	v24 =	vld.idx.msk [tilespmem:v8+s3+$0x0], $0xffff;
	[tilespmem:s9+$0x20] =	vst v15  }
0x63: {  	vm3 =	vgt.s32 v23, $0x0;
	v15 =	vadd.s32 $0xFFFFFFFF, v4;
	[tilespmem:s4+$0xFFFFFFC0] =	vst v5;
	v18 =	vld.idx.msk [tilespmem:v18+s13+$0x0], $0xffff;
	v5 =	vnsel vm1, $0x0, v13  }
0x64: {  	vm5 =	vgt.s32 v10, $0x0;
	v13 =	vadd.s32 $0xFFFFFFFF, v7;
	vm4 =	vgt.s32 v15, $0x0;
	v25 =	vld.idx.msk [tilespmem:v8+s13+$0x0], $0xffff;
	[tilespmem:s9+$0x30] =	vst v5  }
0x65: {  	v8 =	vnsel vm3, $0x0, v23;
	v5 =	vnsel vm5, $0x0, v21;
	vm3 =	vgt.s32 v13, $0x0;
	v9 =	vld.idx.msk [tilespmem:v22+s13+$0x0], $0xffff  }
.Ltmp0:
0x66: {  	v13 =	vnsel vm3, $0x0, v13;
	v10 =	vld.idx.msk [tilespmem:v20+s13+$0x0], $0xffff;
	vm3 =	vgt.s32 v11, $0x0;
	[tilespmem:s9+$0x10] =	vst v5;
	v11 =	vnsel vm5, $0x0, v12;
	(pc) =	sbr.rel @p0 .LBB2_3-.Ltmp0, $4  }
0x67: {  	vm5 =	vgt.s32 v6, $0x0;
	v5 =	vadd.s32 v0, v13;
	v6 =	vnsel vm3, $0x0, v14;
	v12 =	vld.idx.msk [tilespmem:v22+s3+$0x0], $0xffff;
	[tilespmem:s4+$0x10] =	vst v11  }
0x68: {  	v8 =	vadd.s32 v0, v8;
	v13 =	vnsel vm4, $0x0, v15;
	v14 =	vnsel vm5, $0x0, v24;
	v11 =	vld.idx.msk [tilespmem:v20+s3+$0x0], $0xffff;
	[tilespmem:s9+$0xFFFFFFF0] =	vst v6  }
0x69: {  	v6 =	vadd.s32 v0, v13;
	v15 =	vld [tilespmem:s10+$0xFFFFFFF0];
	[tilespmem:s9+$0xFFFFFFE0] =	vst v14;
	v14 =	vnsel vm3, $0x0, v18;
	v18 =	vnsel vm2, $0x0, v16  }
0x6a: {  	vm4 =	vgt.s32 v17, $0x0;
	v17 =	vnsel vm1, $0x0, v19;
	v13 =	vnsel vm5, $0x0, v25;
	v16 =	vld [tilespmem:s10+$0xFFFFFFE0];
	[tilespmem:s4+$0x20] =	vst v18  }
0x6b: {  	_ = 	snop  }
0x6c: {  	v3 =	vtrunc.f32 v3  }
0x6d: {  	vm1 =	vgt.s32 v7, $0x0;
	v3 =	vcvt.f32.s32 v3  }
0x6e: {  	v19 =	vld [tilespmem:s10+$0xFFFFFFD0];
	v1 =	vtrunc.f32 v1;
	v9 =	vnsel vm4, $0x0, v9;
	v12 =	vnsel vm4, $0x0, v12  }
0x6f: {  	v15 =	vtrunc.f32 v15;
	v18 =	vadd.s32 $0xFFFFFFFF, v3;
	v16 =	vtrunc.f32 v16  }
0x70: {  	v15 =	vcvt.f32.s32 v15;
	vm2 =	vgt.s32 v18, $0x0;
	v7 =	vcvt.f32.s32 v16  }
0x71: {  	[tilespmem:s28+$0x30] =	vst v17;
	v1 =	vcvt.f32.s32 v1;
	v11 =	vnsel vm0, $0x0, v11;
	v18 =	vnsel vm2, $0x0, v18  }
0x72: {  	[tilespmem:s28+$0xFFFFFFF0] =	vst v14;
	v14 =	vld.idx.msk [tilespmem:v8+s3+$0x0], $0xffff;
	v16 =	vadd.s32 $0xFFFFFFFF, v15;
	v18 =	vadd.s32 v0, v18;
	v20 =	vadd.s32 $0xFFFFFFFF, v7  }
0x73: {  	v17 =	vld.idx.msk [tilespmem:v5+s3+$0x0], $0xffff;
	[tilespmem:s5+$0x0] =	vst v12;
	v12 =	vtrunc.f32 v19;
	vm2 =	vgt.s32 v16, $0x0;
	vm3 =	vgt.s32 v20, $0x0  }
0x74: {  	[tilespmem:s28+$0xFFFFFFE0] =	vst v13;
	v8 =	vld.idx.msk [tilespmem:v8+s13+$0x0], $0xffff;
	v16 =	vnsel vm2, $0x0, v16;
	vm2 =	vgt.s32 v4, $0x0;
	v4 =	vnsel vm0, $0x0, v10  }
0x75: {  	v5 =	vld.idx.msk [tilespmem:v5+s13+$0x0], $0xffff;
	[tilespmem:s5+$0xFFFFFFD0] =	vst v11;
	v10 =	vcvt.f32.s32 v12;
	v20 =	vnsel vm3, $0x0, v20;
	v16 =	vadd.s32 v0, v16  }
0x76: {  	v13 =	vld.idx.msk [tilespmem:v6+s3+$0x0], $0xffff;
	[tilespmem:s28+$0x0] =	vst v9;
	vm0 =	vgt.s32 v2, $0x0;
	v2 =	vadd.s32 $0xFFFFFFFF, v1;
	v19 =	vadd.s32 v0, v20  }
0x77: {  	s15 =	sadd.s32 $0x80, s9;
	[tilespmem:s28+$0xFFFFFFD0] =	vst v4;
	vm3 =	vgt.s32 v2, $0x0;
	v11 =	vnsel vm0, $0x0, v14;
	v4 =	vld.idx.msk [tilespmem:v18+s3+$0x0], $0xffff  }
0x78: {  	v14 =	vnsel vm1, $0x0, v17;
	v9 =	vadd.s32 $0xFFFFFFFF, v10;
	v2 =	vnsel vm3, $0x0, v2;
	[tilespmem:s15+$0xFFFFFFC0] =	vst v11;
	v12 =	vld.idx.msk [tilespmem:v18+s13+$0x0], $0xffff  }
0x79: {  	s4 =	sadd.s32 $0x80, s4;
	v6 =	vld.idx.msk [tilespmem:v6+s13+$0x0], $0xffff;
	v8 =	vnsel vm0, $0x0, v8;
	[tilespmem:s15+$0x20] =	vst v14;
	vm4 =	vgt.s32 v9, $0x0;
	v2 =	vadd.s32 v0, v2  }
0x7a: {  	v5 =	vnsel vm1, $0x0, v5;
	[tilespmem:s4+$0xFFFFFFC0] =	vst v8;
	v9 =	vnsel vm4, $0x0, v9;
	v11 =	vld.idx.msk [tilespmem:v16+s3+$0x0], $0xffff  }
0x7b: {  	vm0 =	vgt.s32 v3, $0x0;
	v8 =	vnsel vm2, $0x0, v13;
	[tilespmem:s4+$0x20] =	vst v5;
	v9 =	vadd.s32 v0, v9;
	v17 =	vld.idx.msk [tilespmem:v19+s3+$0x0], $0xffff  }
0x7c: {  	[tilespmem:s15+$0x30] =	vst v8;
	v3 =	vnsel vm0, $0x0, v4;
	v4 =	vld.idx.msk [tilespmem:v16+s13+$0x0], $0xffff  }
0x7d: {  	v8 =	vld.idx.msk [tilespmem:v19+s13+$0x0], $0xffff;
	[tilespmem:s15+$0x10] =	vst v3;
	v3 =	vnsel vm0, $0x0, v12  }
0x7e: {  	vm3 =	vgt.s32 v15, $0x0;
	v5 =	vnsel vm2, $0x0, v6;
	[tilespmem:s4+$0x10] =	vst v3;
	v3 =	vld.idx.msk [tilespmem:v2+s3+$0x0], $0xffff  }
0x7f: {  	[tilespmem:s4+$0x30] =	vst v5;
	vm0 =	vgt.s32 v7, $0x0;
	v2 =	vld.idx.msk [tilespmem:v2+s13+$0x0], $0xffff;
	v7 =	vnsel vm3, $0x0, v11  }
0x80: {  	v11 =	vnsel vm0, $0x0, v17;
	[tilespmem:s15+$0xFFFFFFF0] =	vst v7;
	v7 =	vld.idx.msk [tilespmem:v9+s3+$0x0], $0xffff  }
0x81: {  	v9 =	vld.idx.msk [tilespmem:v9+s13+$0x0], $0xffff;
	[tilespmem:s15+$0xFFFFFFE0] =	vst v11;
	v4 =	vnsel vm3, $0x0, v4  }
0x82: {  	v5 =	vnsel vm0, $0x0, v8;
	vm0 =	vgt.s32 v1, $0x0;
	[tilespmem:s4+$0xFFFFFFF0] =	vst v4  }
0x83: {  	[tilespmem:s4+$0xFFFFFFE0] =	vst v5;
	v1 =	vnsel vm0, $0x0, v3  }
0x84: {  	vm1 =	vgt.s32 v10, $0x0;
	v2 =	vnsel vm0, $0x0, v2;
	[tilespmem:s15+$0x0] =	vst v1  }
0x85: {  	s9 =	sadd.s32 $0x1260000, s8;
	v3 =	vnsel vm1, $0x0, v7;
	[tilespmem:s4+$0x0] =	vst v2  }
0x86: {  	s5 =	sor.u32 s1, s9;
	v1 =	vnsel vm1, $0x0, v9;
	[tilespmem:s15+$0xFFFFFFD0] =	vst v3  }
0x87: {  	s18 =	sadd.s32 s7, s31;
	[tilespmem:s4+$0xFFFFFFD0] =	vst v1;
	s4 =	sshrl.u32 s5, $0x3  }
0x88: {  	[hbm4b:s18+s11] =	stream.strided.scatter [tilespmem:s19], [sflag:$0x4], $0x1880, s12, s11, $0x38;
	[tilespmem:$0x16F80] =	vst v63  }
0x89: {  	s31 =	sadd.s32 s1, s8;
	s4 =	sadd.s32 s7, s4  }
0x8a: {  	[hbm4b:s4+s11] =	stream.strided.scatter [tilespmem:s20], [sflag:$0x4], $0x1880, s12, s11, $0x38;
	[tilespmem:$0x16F80] =	vst v63  }
0x8b: {  	s10 =	sadd.s32 $0x24C00, s31;
	_ =	swait.ge [sflag:s21], $0x1880  }
0x8c: {  	s8 =	sshrl.u32 s10, $0x3;
	s15 =	simm.s32 $0xC400;
	[sflag:s21] =	ssyncset.done $0x0  }
0x8d: {  	s18 =	simm.s32 $0xDCF0;
	s4 =	sadd.s32 s6, s8;
	[sflag:s21] =	ssyncadd.s32 $0xFFFFE780  }
0x8e: {  	[tilespmem:s15], [sflag:$0x1] =	stream.strided.gather [hbm4b:s4+s11], $0x1880, s12, s11, $0x38;
	[tilespmem:$0x16F80] =	vst v63  }
0x8f: {  	v1 =	vld [tilespmem:s18+$0xFFFFFFF0]  }
0x90: {  	v2 =	vld [tilespmem:s18+$0xFFFFFF90]  }
0x91: {  	v3 =	vld [tilespmem:s18+$0x0];
	_ =	sdelay $0x2  }
0x92: {  	v1 =	vtrunc.f32 v1  }
0x93: {  	v2 =	vtrunc.f32 v2;
	v1 =	vcvt.f32.s32 v1  }
0x94: {  	v3 =	vtrunc.f32 v3;
	v2 =	vcvt.f32.s32 v2  }
0x95: {  	v7 =	vld [tilespmem:s18+$0xFFFFFFE0];
	v3 =	vcvt.f32.s32 v3;
	v4 =	vadd.s32 $0xFFFFFFFF, v1  }
0x96: {  	v8 =	vld [tilespmem:s18+$0xFFFFFFD0];
	v5 =	vadd.s32 $0xFFFFFFFF, v2;
	vm0 =	vgt.s32 v4, $0x0  }
0x97: {  	v9 =	vld [tilespmem:s18+$0xFFFFFFC0];
	v6 =	vadd.s32 $0xFFFFFFFF, v3;
	vm1 =	vgt.s32 v5, $0x0;
	v4 =	vnsel vm0, $0x0, v4  }
0x98: {  	vm0 =	vgt.s32 v6, $0x0;
	v5 =	vnsel vm1, $0x0, v5;
	v4 =	vadd.s32 v0, v4  }
0x99: {  	v10 =	vld [tilespmem:s18+$0xFFFFFFB0];
	v5 =	vadd.s32 v0, v5;
	v6 =	vnsel vm0, $0x0, v6  }
0x9a: {  	s28 =	simm.s32 $0xDD70;
	v11 =	vld [tilespmem:s18+$0xFFFFFFA0];
	vm2 =	vgt.s32 v1, $0x0;
	v1 =	vtrunc.f32 v7;
	v6 =	vadd.s32 v0, v6  }
0x9b: {  	v14 =	vld [tilespmem:s28+$0x0];
	vm1 =	vgt.s32 v3, $0x0;
	v3 =	vtrunc.f32 v8;
	v8 =	vcvt.f32.s32 v1  }
0x9c: {  	v19 =	vld [tilespmem:s28+$0xFFFFFFF0];
	v1 =	vtrunc.f32 v9  }
0x9d: {  	v13 =	vcvt.f32.s32 v1;
	v1 =	vadd.s32 $0xFFFFFFFF, v8;
	v7 =	vld.idx.msk [tilespmem:v4+s3+$0x0], $0xffff  }
0x9e: {  	vm3 =	vgt.s32 v2, $0x0;
	vm0 =	vgt.s32 v1, $0x0;
	v12 =	vld.idx.msk [tilespmem:v5+s3+$0x0], $0xffff  }
0x9f: {  	v2 =	vtrunc.f32 v10;
	v17 =	vcvt.f32.s32 v3;
	v1 =	vnsel vm0, $0x0, v1;
	v9 =	vld.idx.msk [tilespmem:v6+s3+$0x0], $0xffff  }
0xa0: {  	v3 =	vtrunc.f32 v11;
	v11 =	vadd.s32 v0, v1;
	v18 =	vld.idx.msk [tilespmem:v6+s13+$0x0], $0xffff;
	v6 =	vcvt.f32.s32 v2  }
0xa1: {  	v16 =	vld.idx.msk [tilespmem:v4+s13+$0x0], $0xffff;
	v2 =	vcvt.f32.s32 v3;
	v3 =	vadd.s32 $0xFFFFFFFF, v13  }
0xa2: {  	v14 =	vtrunc.f32 v14;
	v4 =	vld [tilespmem:s28+$0xFFFFFF90];
	vm0 =	vgt.s32 v3, $0x0;
	v10 =	vadd.s32 $0xFFFFFFFF, v6  }
0xa3: {  	v15 =	vadd.s32 $0xFFFFFFFF, v2;
	v1 =	vnsel vm0, $0x0, v3;
	vm4 =	vgt.s32 v10, $0x0  }
0xa4: {  	v5 =	vld.idx.msk [tilespmem:v5+s13+$0x0], $0xffff;
	vm0 =	vgt.s32 v15, $0x0;
	v3 =	vnsel vm4, $0x0, v10;
	v10 =	vadd.s32 v0, v1  }
0xa5: {  	v19 =	vtrunc.f32 v19;
	v21 =	vadd.s32 $0xFFFFFFFF, v17;
	v62 =	vld.idx.msk [tilespmem:v11+s3+$0x0], $0xffff;
	v15 =	vnsel vm0, $0x0, v15  }
0xa6: {  	v11 =	vld.idx.msk [tilespmem:v11+s13+$0x0], $0xffff;
	vm0 =	vgt.s32 v2, $0x0;
	vm4 =	vgt.s32 v21, $0x0;
	v61 =	vadd.s32 v0, v3  }
0xa7: {  	v1 =	vld [tilespmem:s28+$0xFFFFFFD0];
	v2 =	vtrunc.f32 v4;
	v12 =	vnsel vm3, $0x0, v12;
	v23 =	vnsel vm2, $0x0, v7  }
0xa8: {  	v7 =	vcvt.f32.s32 v19;
	v3 =	vld [tilespmem:s28+$0xFFFFFFE0];
	v15 =	vadd.s32 v0, v15;
	v4 =	vnsel vm4, $0x0, v21  }
0xa9: {  	s10 =	simm.s32 $0x12670;
	v2 =	vcvt.f32.s32 v2;
	v22 =	vadd.s32 v0, v4;
	v4 =	vcvt.f32.s32 v14;
	v14 =	vld.idx.msk [tilespmem:v10+s3+$0x0], $0xffff  }
0xaa: {  	s4 =	simm.s32 $0x15770;
	vm5 =	vgt.s32 v8, $0x0;
	v5 =	vnsel vm3, $0x0, v5;
	[tilespmem:s10+$0xFFFFFF90] =	vst v12;
	v24 =	vld.idx.msk [tilespmem:v10+s13+$0x0], $0xffff  }
0xab: {  	v9 =	vnsel vm1, $0x0, v9;
	[tilespmem:s4+$0xFFFFFF90] =	vst v5;
	v5 =	vadd.s32 $0xFFFFFFFF, v7;
	v12 =	vadd.s32 $0xFFFFFFFF, v2;
	v19 =	vld.idx.msk [tilespmem:v61+s3+$0x0], $0xffff  }
0xac: {  	[tilespmem:s10+$0xFFFFFFF0] =	vst v23;
	vm3 =	vgt.s32 v12, $0x0;
	v63 =	vadd.s32 $0xFFFFFFFF, v4;
	v11 =	vnsel vm5, $0x0, v11;
	v20 =	vld.idx.msk [tilespmem:v61+s13+$0x0], $0xffff  }
0xad: {  	[tilespmem:s10+$0x0] =	vst v9;
	v8 =	vnsel vm3, $0x0, v12;
	vm3 =	vgt.s32 v5, $0x0;
	v12 =	vnsel vm5, $0x0, v62;
	v10 =	vld.idx.msk [tilespmem:v15+s13+$0x0], $0xffff  }
0xae: {  	vm4 =	vgt.s32 v63, $0x0;
	v5 =	vnsel vm3, $0x0, v5;
	vm3 =	vgt.s32 v13, $0x0;
	[tilespmem:s10+$0xFFFFFFE0] =	vst v12;
	v9 =	vld.idx.msk [tilespmem:v22+s13+$0x0], $0xffff  }
0xaf: {  	vm5 =	vgt.s32 v6, $0x0;
	v5 =	vadd.s32 v0, v5;
	v12 =	vld.idx.msk [tilespmem:v22+s3+$0x0], $0xffff;
	[tilespmem:s4+$0xFFFFFFE0] =	vst v11;
	v6 =	vnsel vm3, $0x0, v14  }
0xb0: {  	v8 =	vadd.s32 v0, v8;
	v13 =	vnsel vm4, $0x0, v63;
	v11 =	vld.idx.msk [tilespmem:v15+s3+$0x0], $0xffff;
	v14 =	vnsel vm5, $0x0, v19;
	[tilespmem:s10+$0xFFFFFFC0] =	vst v6  }
0xb1: {  	vm4 =	vgt.s32 v17, $0x0;
	v15 =	vld [tilespmem:s28+$0xFFFFFFC0];
	v6 =	vadd.s32 v0, v13;
	v19 =	vnsel vm2, $0x0, v16;
	[tilespmem:s10+$0xFFFFFFB0] =	vst v14  }
0xb2: {  	s5 =	simm.s32 $0x15770;
	s15 =	simm.s32 $0x8;
	s18 =	simm.s32 $0x12670;
	v17 =	vnsel vm1, $0x0, v18;
	v16 =	vld [tilespmem:s28+$0xFFFFFFB0];
	v13 =	vnsel vm5, $0x0, v20;
	v14 =	vnsel vm3, $0x0, v24;
	[tilespmem:s4+$0xFFFFFFF0] =	vst v19  }
.LBB2_5:
0xb3: {  	s15 =	sadd.s32 $0x8, s15;
	v18 =	vld [tilespmem:s28+$0xFFFFFFA0];
	vm2 =	vgt.s32 v7, $0x0;
	vm1 =	vgt.s32 v4, $0x0;
	v4 =	vnsel vm4, $0x0, v9;
	[tilespmem:s4+$0x0] =	vst v17;
	s5 =	sadd.s32 $0x80, s5;
	s10 =	sadd.s32 $0x80, s10  }
0xb4: {  	vm3 =	vgt.s32 v2, $0x0;
	v2 =	vtrunc.f32 v3;
	v3 =	vnsel vm0, $0x0, v10;
	p0 =	slt.u32 s15, $0x180;
	v7 =	vld.idx.msk [tilespmem:v5+s3+$0x0], $0xffff;
	[tilespmem:s4+$0xFFFFFFC0] =	vst v14  }
0xb5: {  	v1 =	vtrunc.f32 v1;
	v10 =	vcvt.f32.s32 v2;
	v2 =	vnsel vm4, $0x0, v12;
	v9 =	vld.idx.msk [tilespmem:v8+s3+$0x0], $0xffff;
	[tilespmem:s4+$0xFFFFFFB0] =	vst v13  }
0xb6: {  	v17 =	vcvt.f32.s32 v1;
	v1 =	vnsel vm0, $0x0, v11;
	v12 =	vtrunc.f32 v15;
	v13 =	vld.idx.msk [tilespmem:v6+s3+$0x0], $0xffff;
	[tilespmem:s18+$0xFFFFFFD0] =	vst v2  }
0xb7: {  	v2 =	vtrunc.f32 v16;
	v11 =	vcvt.f32.s32 v12;
	v12 =	vadd.s32 $0xFFFFFFFF, v10;
	v19 =	vld.idx.msk [tilespmem:v6+s13+$0x0], $0xffff;
	[tilespmem:s18+$0xFFFFFFA0] =	vst v1;
	s18 =	smov.u32 s10  }
0xb8: {  	v1 =	vtrunc.f32 v18;
	v6 =	vcvt.f32.s32 v2;
	vm0 =	vgt.s32 v12, $0x0;
	v16 =	vld.idx.msk [tilespmem:v5+s13+$0x0], $0xffff;
	[tilespmem:s4+$0xFFFFFFA0] =	vst v3  }
0xb9: {  	s28 =	sadd.s32 $0x80, s28;
	v5 =	vld.idx.msk [tilespmem:v8+s13+$0x0], $0xffff;
	v2 =	vcvt.f32.s32 v1;
	v1 =	vadd.s32 $0xFFFFFFFF, v11;
	v3 =	vnsel vm0, $0x0, v12;
	[tilespmem:s4+$0xFFFFFFD0] =	vst v4;
	s4 =	smov.u32 s5  }
0xba: {  	v4 =	vld [tilespmem:s28+$0xFFFFFF90];
	v8 =	vadd.s32 $0xFFFFFFFF, v6;
	vm0 =	vgt.s32 v1, $0x0;
	v12 =	vadd.s32 v0, v3  }
0xbb: {  	v14 =	vld [tilespmem:s28+$0x0];
	v3 =	vadd.s32 $0xFFFFFFFF, v2;
	vm4 =	vgt.s32 v8, $0x0;
	v1 =	vnsel vm0, $0x0, v1  }
0xbc: {  	v15 =	vld [tilespmem:s28+$0xFFFFFFF0];
	vm0 =	vgt.s32 v3, $0x0;
	v8 =	vnsel vm4, $0x0, v8;
	v18 =	vadd.s32 v0, v1  }
0xbd: {  	v21 =	vadd.s32 $0xFFFFFFFF, v17;
	v1 =	vld [tilespmem:s28+$0xFFFFFFD0];
	v20 =	vnsel vm0, $0x0, v3;
	v8 =	vadd.s32 v0, v8  }
0xbe: {  	vm4 =	vgt.s32 v21, $0x0;
	vm0 =	vgt.s32 v2, $0x0;
	v3 =	vld [tilespmem:s28+$0xFFFFFFE0];
	v20 =	vadd.s32 v0, v20  }
0xbf: {  	v2 =	vtrunc.f32 v4;
	v4 =	vnsel vm3, $0x0, v9;
	v9 =	vnsel vm4, $0x0, v21;
	v21 =	vld.idx.msk [tilespmem:v12+s3+$0x0], $0xffff  }
0xc0: {  	v2 =	vcvt.f32.s32 v2;
	v14 =	vtrunc.f32 v14;
	[tilespmem:s10+$0xFFFFFF90] =	vst v4;
	v22 =	vadd.s32 v0, v9;
	v12 =	vld.idx.msk [tilespmem:v12+s13+$0x0], $0xffff  }
0xc1: {  	v9 =	vtrunc.f32 v15;
	v4 =	vcvt.f32.s32 v14;
	v14 =	vld.idx.msk [tilespmem:v18+s3+$0x0], $0xffff;
	v15 =	vnsel vm2, $0x0, v7  }
0xc2: {  	v5 =	vnsel vm3, $0x0, v5;
	v23 =	vadd.s32 $0xFFFFFFFF, v2;
	v7 =	vcvt.f32.s32 v9;
	v24 =	vld.idx.msk [tilespmem:v8+s3+$0x0], $0xffff;
	[tilespmem:s10+$0xFFFFFFF0] =	vst v15  }
0xc3: {  	vm3 =	vgt.s32 v23, $0x0;
	v15 =	vadd.s32 $0xFFFFFFFF, v4;
	[tilespmem:s5+$0xFFFFFF90] =	vst v5;
	v18 =	vld.idx.msk [tilespmem:v18+s13+$0x0], $0xffff;
	v5 =	vnsel vm1, $0x0, v13  }
0xc4: {  	vm5 =	vgt.s32 v10, $0x0;
	v13 =	vadd.s32 $0xFFFFFFFF, v7;
	vm4 =	vgt.s32 v15, $0x0;
	v25 =	vld.idx.msk [tilespmem:v8+s13+$0x0], $0xffff;
	[tilespmem:s10+$0x0] =	vst v5  }
0xc5: {  	v8 =	vnsel vm3, $0x0, v23;
	v5 =	vnsel vm5, $0x0, v21;
	vm3 =	vgt.s32 v13, $0x0;
	v9 =	vld.idx.msk [tilespmem:v22+s13+$0x0], $0xffff  }
.Ltmp1:
0xc6: {  	v13 =	vnsel vm3, $0x0, v13;
	v10 =	vld.idx.msk [tilespmem:v20+s13+$0x0], $0xffff;
	vm3 =	vgt.s32 v11, $0x0;
	[tilespmem:s10+$0xFFFFFFE0] =	vst v5;
	v11 =	vnsel vm5, $0x0, v12;
	(pc) =	sbr.rel @p0 .LBB2_5-.Ltmp1, $4  }
0xc7: {  	vm5 =	vgt.s32 v6, $0x0;
	v5 =	vadd.s32 v0, v13;
	v6 =	vnsel vm3, $0x0, v14;
	v12 =	vld.idx.msk [tilespmem:v22+s3+$0x0], $0xffff;
	[tilespmem:s5+$0xFFFFFFE0] =	vst v11  }
0xc8: {  	v8 =	vadd.s32 v0, v8;
	v13 =	vnsel vm4, $0x0, v15;
	v14 =	vnsel vm5, $0x0, v24;
	v11 =	vld.idx.msk [tilespmem:v20+s3+$0x0], $0xffff;
	[tilespmem:s10+$0xFFFFFFC0] =	vst v6  }
0xc9: {  	v6 =	vadd.s32 v0, v13;
	v15 =	vld [tilespmem:s28+$0xFFFFFFC0];
	[tilespmem:s10+$0xFFFFFFB0] =	vst v14;
	v14 =	vnsel vm3, $0x0, v18;
	v18 =	vnsel vm2, $0x0, v16  }
0xca: {  	vm4 =	vgt.s32 v17, $0x0;
	v17 =	vnsel vm1, $0x0, v19;
	v13 =	vnsel vm5, $0x0, v25;
	v16 =	vld [tilespmem:s28+$0xFFFFFFB0];
	[tilespmem:s5+$0xFFFFFFF0] =	vst v18  }
0xcb: {  	_ = 	snop  }
0xcc: {  	v3 =	vtrunc.f32 v3  }
0xcd: {  	vm1 =	vgt.s32 v7, $0x0;
	v3 =	vcvt.f32.s32 v3  }
0xce: {  	v19 =	vld [tilespmem:s28+$0xFFFFFFA0];
	v1 =	vtrunc.f32 v1;
	v9 =	vnsel vm4, $0x0, v9;
	v12 =	vnsel vm4, $0x0, v12  }
0xcf: {  	v15 =	vtrunc.f32 v15;
	v18 =	vadd.s32 $0xFFFFFFFF, v3;
	v16 =	vtrunc.f32 v16  }
0xd0: {  	v15 =	vcvt.f32.s32 v15;
	vm2 =	vgt.s32 v18, $0x0;
	v7 =	vcvt.f32.s32 v16  }
0xd1: {  	[tilespmem:s4+$0x0] =	vst v17;
	v1 =	vcvt.f32.s32 v1;
	v11 =	vnsel vm0, $0x0, v11;
	v18 =	vnsel vm2, $0x0, v18  }
0xd2: {  	[tilespmem:s4+$0xFFFFFFC0] =	vst v14;
	v14 =	vld.idx.msk [tilespmem:v8+s3+$0x0], $0xffff;
	v16 =	vadd.s32 $0xFFFFFFFF, v15;
	v18 =	vadd.s32 v0, v18;
	v20 =	vadd.s32 $0xFFFFFFFF, v7  }
0xd3: {  	v17 =	vld.idx.msk [tilespmem:v5+s3+$0x0], $0xffff;
	[tilespmem:s18+$0xFFFFFFD0] =	vst v12;
	v12 =	vtrunc.f32 v19;
	vm2 =	vgt.s32 v16, $0x0;
	vm3 =	vgt.s32 v20, $0x0  }
0xd4: {  	[tilespmem:s4+$0xFFFFFFB0] =	vst v13;
	v8 =	vld.idx.msk [tilespmem:v8+s13+$0x0], $0xffff;
	v16 =	vnsel vm2, $0x0, v16;
	vm2 =	vgt.s32 v4, $0x0;
	v4 =	vnsel vm0, $0x0, v10  }
0xd5: {  	v5 =	vld.idx.msk [tilespmem:v5+s13+$0x0], $0xffff;
	[tilespmem:s18+$0xFFFFFFA0] =	vst v11;
	v10 =	vcvt.f32.s32 v12;
	v20 =	vnsel vm3, $0x0, v20;
	v16 =	vadd.s32 v0, v16  }
0xd6: {  	v13 =	vld.idx.msk [tilespmem:v6+s3+$0x0], $0xffff;
	[tilespmem:s4+$0xFFFFFFD0] =	vst v9;
	vm0 =	vgt.s32 v2, $0x0;
	v2 =	vadd.s32 $0xFFFFFFFF, v1;
	v19 =	vadd.s32 v0, v20  }
0xd7: {  	s10 =	sadd.s32 $0x80, s10;
	[tilespmem:s4+$0xFFFFFFA0] =	vst v4;
	vm3 =	vgt.s32 v2, $0x0;
	v11 =	vnsel vm0, $0x0, v14;
	v4 =	vld.idx.msk [tilespmem:v18+s3+$0x0], $0xffff  }
0xd8: {  	v14 =	vnsel vm1, $0x0, v17;
	v9 =	vadd.s32 $0xFFFFFFFF, v10;
	v2 =	vnsel vm3, $0x0, v2;
	[tilespmem:s10+$0xFFFFFF90] =	vst v11;
	v12 =	vld.idx.msk [tilespmem:v18+s13+$0x0], $0xffff  }
0xd9: {  	s5 =	sadd.s32 $0x80, s5;
	v6 =	vld.idx.msk [tilespmem:v6+s13+$0x0], $0xffff;
	v8 =	vnsel vm0, $0x0, v8;
	[tilespmem:s10+$0xFFFFFFF0] =	vst v14;
	vm4 =	vgt.s32 v9, $0x0;
	v2 =	vadd.s32 v0, v2  }
0xda: {  	v5 =	vnsel vm1, $0x0, v5;
	[tilespmem:s5+$0xFFFFFF90] =	vst v8;
	v9 =	vnsel vm4, $0x0, v9;
	v11 =	vld.idx.msk [tilespmem:v16+s3+$0x0], $0xffff  }
0xdb: {  	vm0 =	vgt.s32 v3, $0x0;
	v8 =	vnsel vm2, $0x0, v13;
	[tilespmem:s5+$0xFFFFFFF0] =	vst v5;
	v9 =	vadd.s32 v0, v9;
	v17 =	vld.idx.msk [tilespmem:v19+s3+$0x0], $0xffff  }
0xdc: {  	[tilespmem:s10+$0x0] =	vst v8;
	v3 =	vnsel vm0, $0x0, v4;
	v4 =	vld.idx.msk [tilespmem:v16+s13+$0x0], $0xffff  }
0xdd: {  	v8 =	vld.idx.msk [tilespmem:v19+s13+$0x0], $0xffff;
	[tilespmem:s10+$0xFFFFFFE0] =	vst v3;
	v3 =	vnsel vm0, $0x0, v12  }
0xde: {  	vm3 =	vgt.s32 v15, $0x0;
	v5 =	vnsel vm2, $0x0, v6;
	[tilespmem:s5+$0xFFFFFFE0] =	vst v3;
	v3 =	vld.idx.msk [tilespmem:v2+s3+$0x0], $0xffff  }
0xdf: {  	[tilespmem:s5+$0x0] =	vst v5;
	vm0 =	vgt.s32 v7, $0x0;
	v2 =	vld.idx.msk [tilespmem:v2+s13+$0x0], $0xffff;
	v7 =	vnsel vm3, $0x0, v11  }
0xe0: {  	v11 =	vnsel vm0, $0x0, v17;
	[tilespmem:s10+$0xFFFFFFC0] =	vst v7;
	v7 =	vld.idx.msk [tilespmem:v9+s3+$0x0], $0xffff  }
0xe1: {  	v9 =	vld.idx.msk [tilespmem:v9+s13+$0x0], $0xffff;
	[tilespmem:s10+$0xFFFFFFB0] =	vst v11;
	v4 =	vnsel vm3, $0x0, v4  }
0xe2: {  	v5 =	vnsel vm0, $0x0, v8;
	vm0 =	vgt.s32 v1, $0x0;
	[tilespmem:s5+$0xFFFFFFC0] =	vst v4  }
0xe3: {  	[tilespmem:s5+$0xFFFFFFB0] =	vst v5;
	v1 =	vnsel vm0, $0x0, v3  }
0xe4: {  	vm1 =	vgt.s32 v10, $0x0;
	v2 =	vnsel vm0, $0x0, v2;
	[tilespmem:s10+$0xFFFFFFD0] =	vst v1  }
0xe5: {  	v3 =	vnsel vm1, $0x0, v7;
	[tilespmem:s5+$0xFFFFFFD0] =	vst v2  }
0xe6: {  	v1 =	vnsel vm1, $0x0, v9;
	[tilespmem:s10+$0xFFFFFFA0] =	vst v3;
	s10 =	sadd.s32 s7, s30;
	s30 =	sadd.s32 s1, s9  }
0xe7: {  	[tilespmem:s5+$0xFFFFFFA0] =	vst v1;
	s1 =	sadd.s32 $0xC400, s30  }
0xe8: {  	[hbm4b:s10+s11] =	stream.strided.scatter [tilespmem:s22], [sflag:$0x5], $0x1880, s12, s11, $0x38;
	[tilespmem:$0x16F80] =	vst v63  }
0xe9: {  	s1 =	sshrl.u32 s1, $0x3  }
0xea: {  	s1 =	sadd.s32 s7, s1  }
0xeb: {  	[hbm4b:s1+s11] =	stream.strided.scatter [tilespmem:s23], [sflag:$0x5], $0x1880, s12, s11, $0x38;
	[tilespmem:$0x16F80] =	vst v63  }
0xec: {  	s15 =	sadd.s32 $0x31000, s31;
	_ =	swait.ge [sflag:s24], $0x1880  }
0xed: {  	s1 =	sshrl.u32 s15, $0x3;
	[sflag:s24] =	ssyncset.done $0x0  }
0xee: {  	s18 =	sadd.s32 s6, s1;
	[sflag:s24] =	ssyncadd.s32 $0xFFFFE780  }
0xef: {  	[tilespmem:s16], [sflag:$0x2] =	stream.strided.gather [hbm4b:s18+s11], $0x1880, s12, s11, $0x38;
	[tilespmem:$0x16F80] =	vst v63  }
0xf0: {  	_ =	swait.ge [sflag:s25], $0x1880  }
0xf1: {  	[sflag:s25] =	ssyncset.done $0x0  }
0xf2: {  	[sflag:s25] =	ssyncadd.s32 $0xFFFFE780  }
0xf3: {  	_ =	swait.ge [sflag:s25], $0x1880  }
0xf4: {  	[sflag:s25] =	ssyncset.done $0x0  }
0xf5: {  	s28 =	simm.s32 $0xF570;
	[sflag:s25] =	ssyncadd.s32 $0xFFFFE780  }
0xf6: {  	v1 =	vld [tilespmem:s28+$0xFFFFFFF0]  }
0xf7: {  	v2 =	vld [tilespmem:s28+$0xFFFFFF90]  }
0xf8: {  	v3 =	vld [tilespmem:s28+$0x0];
	_ =	sdelay $0x2  }
0xf9: {  	v1 =	vtrunc.f32 v1  }
0xfa: {  	v2 =	vtrunc.f32 v2;
	v1 =	vcvt.f32.s32 v1  }
0xfb: {  	v3 =	vtrunc.f32 v3;
	v2 =	vcvt.f32.s32 v2  }
0xfc: {  	v7 =	vld [tilespmem:s28+$0xFFFFFFE0];
	v3 =	vcvt.f32.s32 v3;
	v4 =	vadd.s32 $0xFFFFFFFF, v1  }
0xfd: {  	v8 =	vld [tilespmem:s28+$0xFFFFFFD0];
	v5 =	vadd.s32 $0xFFFFFFFF, v2;
	vm0 =	vgt.s32 v4, $0x0  }
0xfe: {  	v9 =	vld [tilespmem:s28+$0xFFFFFFC0];
	v6 =	vadd.s32 $0xFFFFFFFF, v3;
	vm1 =	vgt.s32 v5, $0x0;
	v4 =	vnsel vm0, $0x0, v4  }
0xff: {  	vm0 =	vgt.s32 v6, $0x0;
	v5 =	vnsel vm1, $0x0, v5;
	v4 =	vadd.s32 v0, v4  }
0x100: {  	v10 =	vld [tilespmem:s28+$0xFFFFFFB0];
	v5 =	vadd.s32 v0, v5;
	v6 =	vnsel vm0, $0x0, v6  }
0x101: {  	s10 =	simm.s32 $0xF5F0;
	v11 =	vld [tilespmem:s28+$0xFFFFFFA0];
	vm2 =	vgt.s32 v1, $0x0;
	v1 =	vtrunc.f32 v7;
	v6 =	vadd.s32 v0, v6  }
0x102: {  	v14 =	vld [tilespmem:s10+$0x0];
	vm1 =	vgt.s32 v3, $0x0;
	v3 =	vtrunc.f32 v8;
	v8 =	vcvt.f32.s32 v1  }
0x103: {  	v19 =	vld [tilespmem:s10+$0xFFFFFFF0];
	v1 =	vtrunc.f32 v9  }
0x104: {  	v13 =	vcvt.f32.s32 v1;
	v1 =	vadd.s32 $0xFFFFFFFF, v8;
	v7 =	vld.idx.msk [tilespmem:v4+s3+$0x0], $0xffff  }
0x105: {  	vm3 =	vgt.s32 v2, $0x0;
	vm0 =	vgt.s32 v1, $0x0;
	v12 =	vld.idx.msk [tilespmem:v5+s3+$0x0], $0xffff  }
0x106: {  	v2 =	vtrunc.f32 v10;
	v17 =	vcvt.f32.s32 v3;
	v1 =	vnsel vm0, $0x0, v1;
	v9 =	vld.idx.msk [tilespmem:v6+s3+$0x0], $0xffff  }
0x107: {  	v3 =	vtrunc.f32 v11;
	v11 =	vadd.s32 v0, v1;
	v18 =	vld.idx.msk [tilespmem:v6+s13+$0x0], $0xffff;
	v6 =	vcvt.f32.s32 v2  }
0x108: {  	v16 =	vld.idx.msk [tilespmem:v4+s13+$0x0], $0xffff;
	v2 =	vcvt.f32.s32 v3;
	v3 =	vadd.s32 $0xFFFFFFFF, v13  }
0x109: {  	v14 =	vtrunc.f32 v14;
	v4 =	vld [tilespmem:s10+$0xFFFFFF90];
	vm0 =	vgt.s32 v3, $0x0;
	v10 =	vadd.s32 $0xFFFFFFFF, v6  }
0x10a: {  	v15 =	vadd.s32 $0xFFFFFFFF, v2;
	v1 =	vnsel vm0, $0x0, v3;
	vm4 =	vgt.s32 v10, $0x0  }
0x10b: {  	v5 =	vld.idx.msk [tilespmem:v5+s13+$0x0], $0xffff;
	vm0 =	vgt.s32 v15, $0x0;
	v3 =	vnsel vm4, $0x0, v10;
	v10 =	vadd.s32 v0, v1  }
0x10c: {  	v19 =	vtrunc.f32 v19;
	v21 =	vadd.s32 $0xFFFFFFFF, v17;
	v62 =	vld.idx.msk [tilespmem:v11+s3+$0x0], $0xffff;
	v15 =	vnsel vm0, $0x0, v15  }
0x10d: {  	v11 =	vld.idx.msk [tilespmem:v11+s13+$0x0], $0xffff;
	vm0 =	vgt.s32 v2, $0x0;
	vm4 =	vgt.s32 v21, $0x0;
	v61 =	vadd.s32 v0, v3  }
0x10e: {  	v1 =	vld [tilespmem:s10+$0xFFFFFFD0];
	v2 =	vtrunc.f32 v4;
	v12 =	vnsel vm3, $0x0, v12;
	v23 =	vnsel vm2, $0x0, v7  }
0x10f: {  	v7 =	vcvt.f32.s32 v19;
	v3 =	vld [tilespmem:s10+$0xFFFFFFE0];
	v15 =	vadd.s32 v0, v15;
	v4 =	vnsel vm4, $0x0, v21  }
0x110: {  	s9 =	simm.s32 $0x10DC0;
	v2 =	vcvt.f32.s32 v2;
	v22 =	vadd.s32 v0, v4;
	v4 =	vcvt.f32.s32 v14;
	v14 =	vld.idx.msk [tilespmem:v10+s3+$0x0], $0xffff  }
0x111: {  	s4 =	simm.s32 $0x13EC0;
	vm5 =	vgt.s32 v8, $0x0;
	v5 =	vnsel vm3, $0x0, v5;
	[tilespmem:s9+$0xFFFFFFC0] =	vst v12;
	v24 =	vld.idx.msk [tilespmem:v10+s13+$0x0], $0xffff  }
0x112: {  	v9 =	vnsel vm1, $0x0, v9;
	[tilespmem:s4+$0xFFFFFFC0] =	vst v5;
	v5 =	vadd.s32 $0xFFFFFFFF, v7;
	v12 =	vadd.s32 $0xFFFFFFFF, v2;
	v19 =	vld.idx.msk [tilespmem:v61+s3+$0x0], $0xffff  }
0x113: {  	[tilespmem:s9+$0x20] =	vst v23;
	vm3 =	vgt.s32 v12, $0x0;
	v63 =	vadd.s32 $0xFFFFFFFF, v4;
	v11 =	vnsel vm5, $0x0, v11;
	v20 =	vld.idx.msk [tilespmem:v61+s13+$0x0], $0xffff  }
0x114: {  	[tilespmem:s9+$0x30] =	vst v9;
	v8 =	vnsel vm3, $0x0, v12;
	vm3 =	vgt.s32 v5, $0x0;
	v12 =	vnsel vm5, $0x0, v62;
	v10 =	vld.idx.msk [tilespmem:v15+s13+$0x0], $0xffff  }
0x115: {  	vm4 =	vgt.s32 v63, $0x0;
	v5 =	vnsel vm3, $0x0, v5;
	vm3 =	vgt.s32 v13, $0x0;
	[tilespmem:s9+$0x10] =	vst v12;
	v9 =	vld.idx.msk [tilespmem:v22+s13+$0x0], $0xffff  }
0x116: {  	vm5 =	vgt.s32 v6, $0x0;
	v5 =	vadd.s32 v0, v5;
	v12 =	vld.idx.msk [tilespmem:v22+s3+$0x0], $0xffff;
	[tilespmem:s4+$0x10] =	vst v11;
	v6 =	vnsel vm3, $0x0, v14  }
0x117: {  	v8 =	vadd.s32 v0, v8;
	v13 =	vnsel vm4, $0x0, v63;
	v11 =	vld.idx.msk [tilespmem:v15+s3+$0x0], $0xffff;
	v14 =	vnsel vm5, $0x0, v19;
	[tilespmem:s9+$0xFFFFFFF0] =	vst v6  }
0x118: {  	vm4 =	vgt.s32 v17, $0x0;
	v15 =	vld [tilespmem:s10+$0xFFFFFFC0];
	v6 =	vadd.s32 v0, v13;
	v19 =	vnsel vm2, $0x0, v16;
	[tilespmem:s9+$0xFFFFFFE0] =	vst v14  }
0x119: {  	s5 =	simm.s32 $0x13EC0;
	s15 =	simm.s32 $0x8;
	s18 =	simm.s32 $0x10DC0;
	v17 =	vnsel vm1, $0x0, v18;
	v16 =	vld [tilespmem:s10+$0xFFFFFFB0];
	v13 =	vnsel vm5, $0x0, v20;
	v14 =	vnsel vm3, $0x0, v24;
	[tilespmem:s4+$0x20] =	vst v19  }
.LBB2_7:
0x11a: {  	s15 =	sadd.s32 $0x8, s15;
	v18 =	vld [tilespmem:s10+$0xFFFFFFA0];
	vm2 =	vgt.s32 v7, $0x0;
	vm1 =	vgt.s32 v4, $0x0;
	v4 =	vnsel vm4, $0x0, v9;
	[tilespmem:s4+$0x30] =	vst v17;
	s5 =	sadd.s32 $0x80, s5;
	s9 =	sadd.s32 $0x80, s9  }
0x11b: {  	vm3 =	vgt.s32 v2, $0x0;
	v2 =	vtrunc.f32 v3;
	v3 =	vnsel vm0, $0x0, v10;
	p0 =	slt.u32 s15, $0x180;
	v7 =	vld.idx.msk [tilespmem:v5+s3+$0x0], $0xffff;
	[tilespmem:s4+$0xFFFFFFF0] =	vst v14  }
0x11c: {  	v1 =	vtrunc.f32 v1;
	v10 =	vcvt.f32.s32 v2;
	v2 =	vnsel vm4, $0x0, v12;
	v9 =	vld.idx.msk [tilespmem:v8+s3+$0x0], $0xffff;
	[tilespmem:s4+$0xFFFFFFE0] =	vst v13  }
0x11d: {  	v17 =	vcvt.f32.s32 v1;
	v1 =	vnsel vm0, $0x0, v11;
	v12 =	vtrunc.f32 v15;
	v13 =	vld.idx.msk [tilespmem:v6+s3+$0x0], $0xffff;
	[tilespmem:s18+$0x0] =	vst v2  }
0x11e: {  	v2 =	vtrunc.f32 v16;
	v11 =	vcvt.f32.s32 v12;
	v12 =	vadd.s32 $0xFFFFFFFF, v10;
	v19 =	vld.idx.msk [tilespmem:v6+s13+$0x0], $0xffff;
	[tilespmem:s18+$0xFFFFFFD0] =	vst v1;
	s18 =	smov.u32 s9  }
0x11f: {  	v1 =	vtrunc.f32 v18;
	v6 =	vcvt.f32.s32 v2;
	vm0 =	vgt.s32 v12, $0x0;
	v16 =	vld.idx.msk [tilespmem:v5+s13+$0x0], $0xffff;
	[tilespmem:s4+$0xFFFFFFD0] =	vst v3  }
0x120: {  	s10 =	sadd.s32 $0x80, s10;
	v5 =	vld.idx.msk [tilespmem:v8+s13+$0x0], $0xffff;
	v2 =	vcvt.f32.s32 v1;
	v1 =	vadd.s32 $0xFFFFFFFF, v11;
	v3 =	vnsel vm0, $0x0, v12;
	[tilespmem:s4+$0x0] =	vst v4;
	s4 =	smov.u32 s5  }
0x121: {  	v4 =	vld [tilespmem:s10+$0xFFFFFF90];
	v8 =	vadd.s32 $0xFFFFFFFF, v6;
	vm0 =	vgt.s32 v1, $0x0;
	v12 =	vadd.s32 v0, v3  }
0x122: {  	v14 =	vld [tilespmem:s10+$0x0];
	v3 =	vadd.s32 $0xFFFFFFFF, v2;
	vm4 =	vgt.s32 v8, $0x0;
	v1 =	vnsel vm0, $0x0, v1  }
0x123: {  	v15 =	vld [tilespmem:s10+$0xFFFFFFF0];
	vm0 =	vgt.s32 v3, $0x0;
	v8 =	vnsel vm4, $0x0, v8;
	v18 =	vadd.s32 v0, v1  }
0x124: {  	v21 =	vadd.s32 $0xFFFFFFFF, v17;
	v1 =	vld [tilespmem:s10+$0xFFFFFFD0];
	v20 =	vnsel vm0, $0x0, v3;
	v8 =	vadd.s32 v0, v8  }
0x125: {  	vm4 =	vgt.s32 v21, $0x0;
	vm0 =	vgt.s32 v2, $0x0;
	v3 =	vld [tilespmem:s10+$0xFFFFFFE0];
	v20 =	vadd.s32 v0, v20  }
0x126: {  	v2 =	vtrunc.f32 v4;
	v4 =	vnsel vm3, $0x0, v9;
	v9 =	vnsel vm4, $0x0, v21;
	v21 =	vld.idx.msk [tilespmem:v12+s3+$0x0], $0xffff  }
0x127: {  	v2 =	vcvt.f32.s32 v2;
	v14 =	vtrunc.f32 v14;
	[tilespmem:s9+$0xFFFFFFC0] =	vst v4;
	v22 =	vadd.s32 v0, v9;
	v12 =	vld.idx.msk [tilespmem:v12+s13+$0x0], $0xffff  }
0x128: {  	v9 =	vtrunc.f32 v15;
	v4 =	vcvt.f32.s32 v14;
	v14 =	vld.idx.msk [tilespmem:v18+s3+$0x0], $0xffff;
	v15 =	vnsel vm2, $0x0, v7  }
0x129: {  	v5 =	vnsel vm3, $0x0, v5;
	v23 =	vadd.s32 $0xFFFFFFFF, v2;
	v7 =	vcvt.f32.s32 v9;
	v24 =	vld.idx.msk [tilespmem:v8+s3+$0x0], $0xffff;
	[tilespmem:s9+$0x20] =	vst v15  }
0x12a: {  	vm3 =	vgt.s32 v23, $0x0;
	v15 =	vadd.s32 $0xFFFFFFFF, v4;
	[tilespmem:s5+$0xFFFFFFC0] =	vst v5;
	v18 =	vld.idx.msk [tilespmem:v18+s13+$0x0], $0xffff;
	v5 =	vnsel vm1, $0x0, v13  }
0x12b: {  	vm5 =	vgt.s32 v10, $0x0;
	v13 =	vadd.s32 $0xFFFFFFFF, v7;
	vm4 =	vgt.s32 v15, $0x0;
	v25 =	vld.idx.msk [tilespmem:v8+s13+$0x0], $0xffff;
	[tilespmem:s9+$0x30] =	vst v5  }
0x12c: {  	v8 =	vnsel vm3, $0x0, v23;
	v5 =	vnsel vm5, $0x0, v21;
	vm3 =	vgt.s32 v13, $0x0;
	v9 =	vld.idx.msk [tilespmem:v22+s13+$0x0], $0xffff  }
.Ltmp2:
0x12d: {  	v13 =	vnsel vm3, $0x0, v13;
	v10 =	vld.idx.msk [tilespmem:v20+s13+$0x0], $0xffff;
	vm3 =	vgt.s32 v11, $0x0;
	[tilespmem:s9+$0x10] =	vst v5;
	v11 =	vnsel vm5, $0x0, v12;
	(pc) =	sbr.rel @p0 .LBB2_7-.Ltmp2, $4  }
0x12e: {  	vm5 =	vgt.s32 v6, $0x0;
	v5 =	vadd.s32 v0, v13;
	v6 =	vnsel vm3, $0x0, v14;
	v12 =	vld.idx.msk [tilespmem:v22+s3+$0x0], $0xffff;
	[tilespmem:s5+$0x10] =	vst v11  }
0x12f: {  	v8 =	vadd.s32 v0, v8;
	v13 =	vnsel vm4, $0x0, v15;
	v14 =	vnsel vm5, $0x0, v24;
	v11 =	vld.idx.msk [tilespmem:v20+s3+$0x0], $0xffff;
	[tilespmem:s9+$0xFFFFFFF0] =	vst v6  }
0x130: {  	v6 =	vadd.s32 v0, v13;
	v15 =	vld [tilespmem:s10+$0xFFFFFFC0];
	[tilespmem:s9+$0xFFFFFFE0] =	vst v14;
	v14 =	vnsel vm3, $0x0, v18;
	v18 =	vnsel vm2, $0x0, v16  }
0x131: {  	vm4 =	vgt.s32 v17, $0x0;
	v17 =	vnsel vm1, $0x0, v19;
	v13 =	vnsel vm5, $0x0, v25;
	v16 =	vld [tilespmem:s10+$0xFFFFFFB0];
	[tilespmem:s5+$0x20] =	vst v18  }
0x132: {  	_ = 	snop  }
0x133: {  	v3 =	vtrunc.f32 v3  }
0x134: {  	vm1 =	vgt.s32 v7, $0x0;
	v3 =	vcvt.f32.s32 v3  }
0x135: {  	v19 =	vld [tilespmem:s10+$0xFFFFFFA0];
	v1 =	vtrunc.f32 v1;
	v9 =	vnsel vm4, $0x0, v9;
	v12 =	vnsel vm4, $0x0, v12  }
0x136: {  	v15 =	vtrunc.f32 v15;
	v18 =	vadd.s32 $0xFFFFFFFF, v3;
	v16 =	vtrunc.f32 v16  }
0x137: {  	v15 =	vcvt.f32.s32 v15;
	vm2 =	vgt.s32 v18, $0x0;
	v7 =	vcvt.f32.s32 v16  }
0x138: {  	[tilespmem:s4+$0x30] =	vst v17;
	v1 =	vcvt.f32.s32 v1;
	v11 =	vnsel vm0, $0x0, v11;
	v18 =	vnsel vm2, $0x0, v18  }
0x139: {  	[tilespmem:s4+$0xFFFFFFF0] =	vst v14;
	v14 =	vld.idx.msk [tilespmem:v8+s3+$0x0], $0xffff;
	v16 =	vadd.s32 $0xFFFFFFFF, v15;
	v18 =	vadd.s32 v0, v18;
	v20 =	vadd.s32 $0xFFFFFFFF, v7  }
0x13a: {  	v17 =	vld.idx.msk [tilespmem:v5+s3+$0x0], $0xffff;
	[tilespmem:s18+$0x0] =	vst v12;
	v12 =	vtrunc.f32 v19;
	vm2 =	vgt.s32 v16, $0x0;
	vm3 =	vgt.s32 v20, $0x0  }
0x13b: {  	[tilespmem:s4+$0xFFFFFFE0] =	vst v13;
	v8 =	vld.idx.msk [tilespmem:v8+s13+$0x0], $0xffff;
	v16 =	vnsel vm2, $0x0, v16;
	vm2 =	vgt.s32 v4, $0x0;
	v4 =	vnsel vm0, $0x0, v10  }
0x13c: {  	v5 =	vld.idx.msk [tilespmem:v5+s13+$0x0], $0xffff;
	[tilespmem:s18+$0xFFFFFFD0] =	vst v11;
	v10 =	vcvt.f32.s32 v12;
	v20 =	vnsel vm3, $0x0, v20;
	v16 =	vadd.s32 v0, v16  }
0x13d: {  	v13 =	vld.idx.msk [tilespmem:v6+s3+$0x0], $0xffff;
	[tilespmem:s4+$0x0] =	vst v9;
	vm0 =	vgt.s32 v2, $0x0;
	v2 =	vadd.s32 $0xFFFFFFFF, v1;
	v19 =	vadd.s32 v0, v20  }
0x13e: {  	s9 =	sadd.s32 $0x80, s9;
	[tilespmem:s4+$0xFFFFFFD0] =	vst v4;
	vm3 =	vgt.s32 v2, $0x0;
	v11 =	vnsel vm0, $0x0, v14;
	v4 =	vld.idx.msk [tilespmem:v18+s3+$0x0], $0xffff  }
0x13f: {  	v14 =	vnsel vm1, $0x0, v17;
	v9 =	vadd.s32 $0xFFFFFFFF, v10;
	v2 =	vnsel vm3, $0x0, v2;
	[tilespmem:s9+$0xFFFFFFC0] =	vst v11;
	v12 =	vld.idx.msk [tilespmem:v18+s13+$0x0], $0xffff  }
0x140: {  	s5 =	sadd.s32 $0x80, s5;
	v6 =	vld.idx.msk [tilespmem:v6+s13+$0x0], $0xffff;
	v8 =	vnsel vm0, $0x0, v8;
	[tilespmem:s9+$0x20] =	vst v14;
	vm4 =	vgt.s32 v9, $0x0;
	v2 =	vadd.s32 v0, v2  }
0x141: {  	v5 =	vnsel vm1, $0x0, v5;
	[tilespmem:s5+$0xFFFFFFC0] =	vst v8;
	v9 =	vnsel vm4, $0x0, v9;
	v11 =	vld.idx.msk [tilespmem:v16+s3+$0x0], $0xffff  }
0x142: {  	vm0 =	vgt.s32 v3, $0x0;
	v8 =	vnsel vm2, $0x0, v13;
	[tilespmem:s5+$0x20] =	vst v5;
	v9 =	vadd.s32 v0, v9;
	v17 =	vld.idx.msk [tilespmem:v19+s3+$0x0], $0xffff  }
0x143: {  	[tilespmem:s9+$0x30] =	vst v8;
	v3 =	vnsel vm0, $0x0, v4;
	v4 =	vld.idx.msk [tilespmem:v16+s13+$0x0], $0xffff  }
0x144: {  	v8 =	vld.idx.msk [tilespmem:v19+s13+$0x0], $0xffff;
	[tilespmem:s9+$0x10] =	vst v3;
	v3 =	vnsel vm0, $0x0, v12  }
0x145: {  	vm3 =	vgt.s32 v15, $0x0;
	v5 =	vnsel vm2, $0x0, v6;
	[tilespmem:s5+$0x10] =	vst v3;
	v3 =	vld.idx.msk [tilespmem:v2+s3+$0x0], $0xffff  }
0x146: {  	[tilespmem:s5+$0x30] =	vst v5;
	vm0 =	vgt.s32 v7, $0x0;
	v2 =	vld.idx.msk [tilespmem:v2+s13+$0x0], $0xffff;
	v7 =	vnsel vm3, $0x0, v11  }
0x147: {  	v11 =	vnsel vm0, $0x0, v17;
	[tilespmem:s9+$0xFFFFFFF0] =	vst v7;
	v7 =	vld.idx.msk [tilespmem:v9+s3+$0x0], $0xffff  }
0x148: {  	v9 =	vld.idx.msk [tilespmem:v9+s13+$0x0], $0xffff;
	[tilespmem:s9+$0xFFFFFFE0] =	vst v11;
	v4 =	vnsel vm3, $0x0, v4  }
0x149: {  	v5 =	vnsel vm0, $0x0, v8;
	vm0 =	vgt.s32 v1, $0x0;
	[tilespmem:s5+$0xFFFFFFF0] =	vst v4  }
0x14a: {  	[tilespmem:s5+$0xFFFFFFE0] =	vst v5;
	v1 =	vnsel vm0, $0x0, v3  }
0x14b: {  	vm1 =	vgt.s32 v10, $0x0;
	v2 =	vnsel vm0, $0x0, v2;
	[tilespmem:s9+$0x0] =	vst v1  }
0x14c: {  	v3 =	vnsel vm1, $0x0, v7;
	[tilespmem:s5+$0x0] =	vst v2  }
0x14d: {  	v1 =	vnsel vm1, $0x0, v9;
	[tilespmem:s9+$0xFFFFFFD0] =	vst v3  }
0x14e: {  	s0 =	sadd.s32 s7, s0;
	s9 =	sadd.s32 $0x18800, s30;
	[tilespmem:s5+$0xFFFFFFD0] =	vst v1  }
0x14f: {  	[hbm4b:s0+s11] =	stream.strided.scatter [tilespmem:s19], [sflag:$0x4], $0x1880, s12, s11, $0x38;
	[tilespmem:$0x16F80] =	vst v63  }
0x150: {  	s0 =	sshrl.u32 s9, $0x3  }
0x151: {  	s0 =	sadd.s32 s7, s0  }
0x152: {  	[hbm4b:s0+s11] =	stream.strided.scatter [tilespmem:s20], [sflag:$0x4], $0x1880, s12, s11, $0x38;
	[tilespmem:$0x16F80] =	vst v63  }
0x153: {  	s10 =	sadd.s32 $0x3D400, s31;
	_ =	swait.ge [sflag:s17], $0x1880  }
0x154: {  	s0 =	sshrl.u32 s10, $0x3;
	[sflag:s17] =	ssyncset.done $0x0  }
0x155: {  	s28 =	simm.s32 $0xF500;
	s15 =	sadd.s32 s6, s0;
	[sflag:s17] =	ssyncadd.s32 $0xFFFFE780  }
0x156: {  	[tilespmem:s28], [sflag:$0x3] =	stream.strided.gather [hbm4b:s15+s11], $0x1880, s12, s11, $0x38;
	[tilespmem:$0x16F80] =	vst v63  }
0x157: {  	_ =	swait.ge [sflag:s26], $0x1880  }
0x158: {  	[sflag:s26] =	ssyncset.done $0x0  }
0x159: {  	[sflag:s26] =	ssyncadd.s32 $0xFFFFE780  }
0x15a: {  	_ =	swait.ge [sflag:s26], $0x1880  }
0x15b: {  	[sflag:s26] =	ssyncset.done $0x0  }
0x15c: {  	s18 =	simm.s32 $0xC440;
	[sflag:s26] =	ssyncadd.s32 $0xFFFFE780  }
0x15d: {  	v1 =	vld [tilespmem:s18+$0x20]  }
0x15e: {  	v2 =	vld [tilespmem:s18+$0xFFFFFFC0]  }
0x15f: {  	v3 =	vld [tilespmem:s18+$0x30];
	_ =	sdelay $0x2  }
0x160: {  	v1 =	vtrunc.f32 v1  }
0x161: {  	v2 =	vtrunc.f32 v2;
	v1 =	vcvt.f32.s32 v1  }
0x162: {  	v3 =	vtrunc.f32 v3;
	v2 =	vcvt.f32.s32 v2  }
0x163: {  	v7 =	vld [tilespmem:s18+$0x10];
	v3 =	vcvt.f32.s32 v3;
	v4 =	vadd.s32 $0xFFFFFFFF, v1  }
0x164: {  	v8 =	vld [tilespmem:s18+$0x0];
	v5 =	vadd.s32 $0xFFFFFFFF, v2;
	vm0 =	vgt.s32 v4, $0x0  }
0x165: {  	v9 =	vld [tilespmem:s18+$0xFFFFFFF0];
	v6 =	vadd.s32 $0xFFFFFFFF, v3;
	vm1 =	vgt.s32 v5, $0x0;
	v4 =	vnsel vm0, $0x0, v4  }
0x166: {  	vm0 =	vgt.s32 v6, $0x0;
	v5 =	vnsel vm1, $0x0, v5;
	v4 =	vadd.s32 v0, v4  }
0x167: {  	v10 =	vld [tilespmem:s18+$0xFFFFFFE0];
	v5 =	vadd.s32 v0, v5;
	v6 =	vnsel vm0, $0x0, v6  }
0x168: {  	s10 =	simm.s32 $0xC4C0;
	v11 =	vld [tilespmem:s18+$0xFFFFFFD0];
	vm2 =	vgt.s32 v1, $0x0;
	v1 =	vtrunc.f32 v7;
	v6 =	vadd.s32 v0, v6  }
0x169: {  	v14 =	vld [tilespmem:s10+$0x30];
	vm1 =	vgt.s32 v3, $0x0;
	v3 =	vtrunc.f32 v8;
	v8 =	vcvt.f32.s32 v1  }
0x16a: {  	v19 =	vld [tilespmem:s10+$0x20];
	v1 =	vtrunc.f32 v9  }
0x16b: {  	v13 =	vcvt.f32.s32 v1;
	v1 =	vadd.s32 $0xFFFFFFFF, v8;
	v7 =	vld.idx.msk [tilespmem:v4+s3+$0x0], $0xffff  }
0x16c: {  	vm3 =	vgt.s32 v2, $0x0;
	vm0 =	vgt.s32 v1, $0x0;
	v12 =	vld.idx.msk [tilespmem:v5+s3+$0x0], $0xffff  }
0x16d: {  	v2 =	vtrunc.f32 v10;
	v17 =	vcvt.f32.s32 v3;
	v1 =	vnsel vm0, $0x0, v1;
	v9 =	vld.idx.msk [tilespmem:v6+s3+$0x0], $0xffff  }
0x16e: {  	v3 =	vtrunc.f32 v11;
	v11 =	vadd.s32 v0, v1;
	v18 =	vld.idx.msk [tilespmem:v6+s13+$0x0], $0xffff;
	v6 =	vcvt.f32.s32 v2  }
0x16f: {  	v16 =	vld.idx.msk [tilespmem:v4+s13+$0x0], $0xffff;
	v2 =	vcvt.f32.s32 v3;
	v3 =	vadd.s32 $0xFFFFFFFF, v13  }
0x170: {  	v14 =	vtrunc.f32 v14;
	v4 =	vld [tilespmem:s10+$0xFFFFFFC0];
	vm0 =	vgt.s32 v3, $0x0;
	v10 =	vadd.s32 $0xFFFFFFFF, v6  }
0x171: {  	v15 =	vadd.s32 $0xFFFFFFFF, v2;
	v1 =	vnsel vm0, $0x0, v3;
	vm4 =	vgt.s32 v10, $0x0  }
0x172: {  	v5 =	vld.idx.msk [tilespmem:v5+s13+$0x0], $0xffff;
	vm0 =	vgt.s32 v15, $0x0;
	v3 =	vnsel vm4, $0x0, v10;
	v10 =	vadd.s32 v0, v1  }
0x173: {  	v19 =	vtrunc.f32 v19;
	v21 =	vadd.s32 $0xFFFFFFFF, v17;
	v62 =	vld.idx.msk [tilespmem:v11+s3+$0x0], $0xffff;
	v15 =	vnsel vm0, $0x0, v15  }
0x174: {  	v11 =	vld.idx.msk [tilespmem:v11+s13+$0x0], $0xffff;
	vm0 =	vgt.s32 v2, $0x0;
	vm4 =	vgt.s32 v21, $0x0;
	v61 =	vadd.s32 v0, v3  }
0x175: {  	v1 =	vld [tilespmem:s10+$0x0];
	v2 =	vtrunc.f32 v4;
	v12 =	vnsel vm3, $0x0, v12;
	v23 =	vnsel vm2, $0x0, v7  }
0x176: {  	v7 =	vcvt.f32.s32 v19;
	v3 =	vld [tilespmem:s10+$0x10];
	v15 =	vadd.s32 v0, v15;
	v4 =	vnsel vm4, $0x0, v21  }
0x177: {  	s9 =	simm.s32 $0x12670;
	v2 =	vcvt.f32.s32 v2;
	v22 =	vadd.s32 v0, v4;
	v4 =	vcvt.f32.s32 v14;
	v14 =	vld.idx.msk [tilespmem:v10+s3+$0x0], $0xffff  }
0x178: {  	s4 =	simm.s32 $0x15770;
	vm5 =	vgt.s32 v8, $0x0;
	v5 =	vnsel vm3, $0x0, v5;
	[tilespmem:s9+$0xFFFFFF90] =	vst v12;
	v24 =	vld.idx.msk [tilespmem:v10+s13+$0x0], $0xffff  }
0x179: {  	v9 =	vnsel vm1, $0x0, v9;
	[tilespmem:s4+$0xFFFFFF90] =	vst v5;
	v5 =	vadd.s32 $0xFFFFFFFF, v7;
	v12 =	vadd.s32 $0xFFFFFFFF, v2;
	v19 =	vld.idx.msk [tilespmem:v61+s3+$0x0], $0xffff  }
0x17a: {  	[tilespmem:s9+$0xFFFFFFF0] =	vst v23;
	vm3 =	vgt.s32 v12, $0x0;
	v63 =	vadd.s32 $0xFFFFFFFF, v4;
	v11 =	vnsel vm5, $0x0, v11;
	v20 =	vld.idx.msk [tilespmem:v61+s13+$0x0], $0xffff  }
0x17b: {  	[tilespmem:s9+$0x0] =	vst v9;
	v8 =	vnsel vm3, $0x0, v12;
	vm3 =	vgt.s32 v5, $0x0;
	v12 =	vnsel vm5, $0x0, v62;
	v10 =	vld.idx.msk [tilespmem:v15+s13+$0x0], $0xffff  }
0x17c: {  	vm4 =	vgt.s32 v63, $0x0;
	v5 =	vnsel vm3, $0x0, v5;
	vm3 =	vgt.s32 v13, $0x0;
	[tilespmem:s9+$0xFFFFFFE0] =	vst v12;
	v9 =	vld.idx.msk [tilespmem:v22+s13+$0x0], $0xffff  }
0x17d: {  	vm5 =	vgt.s32 v6, $0x0;
	v5 =	vadd.s32 v0, v5;
	v12 =	vld.idx.msk [tilespmem:v22+s3+$0x0], $0xffff;
	[tilespmem:s4+$0xFFFFFFE0] =	vst v11;
	v6 =	vnsel vm3, $0x0, v14  }
0x17e: {  	v8 =	vadd.s32 v0, v8;
	v13 =	vnsel vm4, $0x0, v63;
	v11 =	vld.idx.msk [tilespmem:v15+s3+$0x0], $0xffff;
	v14 =	vnsel vm5, $0x0, v19;
	[tilespmem:s9+$0xFFFFFFC0] =	vst v6  }
0x17f: {  	vm4 =	vgt.s32 v17, $0x0;
	v15 =	vld [tilespmem:s10+$0xFFFFFFF0];
	v6 =	vadd.s32 v0, v13;
	v19 =	vnsel vm2, $0x0, v16;
	[tilespmem:s9+$0xFFFFFFB0] =	vst v14  }
0x180: {  	s5 =	simm.s32 $0x15770;
	s15 =	simm.s32 $0x8;
	s18 =	simm.s32 $0x12670;
	v17 =	vnsel vm1, $0x0, v18;
	v16 =	vld [tilespmem:s10+$0xFFFFFFE0];
	v13 =	vnsel vm5, $0x0, v20;
	v14 =	vnsel vm3, $0x0, v24;
	[tilespmem:s4+$0xFFFFFFF0] =	vst v19  }
.LBB2_9:
0x181: {  	s15 =	sadd.s32 $0x8, s15;
	v18 =	vld [tilespmem:s10+$0xFFFFFFD0];
	vm2 =	vgt.s32 v7, $0x0;
	vm1 =	vgt.s32 v4, $0x0;
	v4 =	vnsel vm4, $0x0, v9;
	[tilespmem:s4+$0x0] =	vst v17;
	s5 =	sadd.s32 $0x80, s5;
	s9 =	sadd.s32 $0x80, s9  }
0x182: {  	vm3 =	vgt.s32 v2, $0x0;
	v2 =	vtrunc.f32 v3;
	v3 =	vnsel vm0, $0x0, v10;
	p0 =	slt.u32 s15, $0x180;
	v7 =	vld.idx.msk [tilespmem:v5+s3+$0x0], $0xffff;
	[tilespmem:s4+$0xFFFFFFC0] =	vst v14  }
0x183: {  	v1 =	vtrunc.f32 v1;
	v10 =	vcvt.f32.s32 v2;
	v2 =	vnsel vm4, $0x0, v12;
	v9 =	vld.idx.msk [tilespmem:v8+s3+$0x0], $0xffff;
	[tilespmem:s4+$0xFFFFFFB0] =	vst v13  }
0x184: {  	v17 =	vcvt.f32.s32 v1;
	v1 =	vnsel vm0, $0x0, v11;
	v12 =	vtrunc.f32 v15;
	v13 =	vld.idx.msk [tilespmem:v6+s3+$0x0], $0xffff;
	[tilespmem:s18+$0xFFFFFFD0] =	vst v2  }
0x185: {  	v2 =	vtrunc.f32 v16;
	v11 =	vcvt.f32.s32 v12;
	v12 =	vadd.s32 $0xFFFFFFFF, v10;
	v19 =	vld.idx.msk [tilespmem:v6+s13+$0x0], $0xffff;
	[tilespmem:s18+$0xFFFFFFA0] =	vst v1;
	s18 =	smov.u32 s9  }
0x186: {  	v1 =	vtrunc.f32 v18;
	v6 =	vcvt.f32.s32 v2;
	vm0 =	vgt.s32 v12, $0x0;
	v16 =	vld.idx.msk [tilespmem:v5+s13+$0x0], $0xffff;
	[tilespmem:s4+$0xFFFFFFA0] =	vst v3  }
0x187: {  	s10 =	sadd.s32 $0x80, s10;
	v5 =	vld.idx.msk [tilespmem:v8+s13+$0x0], $0xffff;
	v2 =	vcvt.f32.s32 v1;
	v1 =	vadd.s32 $0xFFFFFFFF, v11;
	v3 =	vnsel vm0, $0x0, v12;
	[tilespmem:s4+$0xFFFFFFD0] =	vst v4;
	s4 =	smov.u32 s5  }
0x188: {  	v4 =	vld [tilespmem:s10+$0xFFFFFFC0];
	v8 =	vadd.s32 $0xFFFFFFFF, v6;
	vm0 =	vgt.s32 v1, $0x0;
	v12 =	vadd.s32 v0, v3  }
0x189: {  	v14 =	vld [tilespmem:s10+$0x30];
	v3 =	vadd.s32 $0xFFFFFFFF, v2;
	vm4 =	vgt.s32 v8, $0x0;
	v1 =	vnsel vm0, $0x0, v1  }
0x18a: {  	v15 =	vld [tilespmem:s10+$0x20];
	vm0 =	vgt.s32 v3, $0x0;
	v8 =	vnsel vm4, $0x0, v8;
	v18 =	vadd.s32 v0, v1  }
0x18b: {  	v21 =	vadd.s32 $0xFFFFFFFF, v17;
	v1 =	vld [tilespmem:s10+$0x0];
	v20 =	vnsel vm0, $0x0, v3;
	v8 =	vadd.s32 v0, v8  }
0x18c: {  	vm4 =	vgt.s32 v21, $0x0;
	vm0 =	vgt.s32 v2, $0x0;
	v3 =	vld [tilespmem:s10+$0x10];
	v20 =	vadd.s32 v0, v20  }
0x18d: {  	v2 =	vtrunc.f32 v4;
	v4 =	vnsel vm3, $0x0, v9;
	v9 =	vnsel vm4, $0x0, v21;
	v21 =	vld.idx.msk [tilespmem:v12+s3+$0x0], $0xffff  }
0x18e: {  	v2 =	vcvt.f32.s32 v2;
	v14 =	vtrunc.f32 v14;
	[tilespmem:s9+$0xFFFFFF90] =	vst v4;
	v22 =	vadd.s32 v0, v9;
	v12 =	vld.idx.msk [tilespmem:v12+s13+$0x0], $0xffff  }
0x18f: {  	v9 =	vtrunc.f32 v15;
	v4 =	vcvt.f32.s32 v14;
	v14 =	vld.idx.msk [tilespmem:v18+s3+$0x0], $0xffff;
	v15 =	vnsel vm2, $0x0, v7  }
0x190: {  	v5 =	vnsel vm3, $0x0, v5;
	v23 =	vadd.s32 $0xFFFFFFFF, v2;
	v7 =	vcvt.f32.s32 v9;
	v24 =	vld.idx.msk [tilespmem:v8+s3+$0x0], $0xffff;
	[tilespmem:s9+$0xFFFFFFF0] =	vst v15  }
0x191: {  	vm3 =	vgt.s32 v23, $0x0;
	v15 =	vadd.s32 $0xFFFFFFFF, v4;
	[tilespmem:s5+$0xFFFFFF90] =	vst v5;
	v18 =	vld.idx.msk [tilespmem:v18+s13+$0x0], $0xffff;
	v5 =	vnsel vm1, $0x0, v13  }
0x192: {  	vm5 =	vgt.s32 v10, $0x0;
	v13 =	vadd.s32 $0xFFFFFFFF, v7;
	vm4 =	vgt.s32 v15, $0x0;
	v25 =	vld.idx.msk [tilespmem:v8+s13+$0x0], $0xffff;
	[tilespmem:s9+$0x0] =	vst v5  }
0x193: {  	v8 =	vnsel vm3, $0x0, v23;
	v5 =	vnsel vm5, $0x0, v21;
	vm3 =	vgt.s32 v13, $0x0;
	v9 =	vld.idx.msk [tilespmem:v22+s13+$0x0], $0xffff  }
.Ltmp3:
0x194: {  	v13 =	vnsel vm3, $0x0, v13;
	v10 =	vld.idx.msk [tilespmem:v20+s13+$0x0], $0xffff;
	vm3 =	vgt.s32 v11, $0x0;
	[tilespmem:s9+$0xFFFFFFE0] =	vst v5;
	v11 =	vnsel vm5, $0x0, v12;
	(pc) =	sbr.rel @p0 .LBB2_9-.Ltmp3, $4  }
0x195: {  	vm5 =	vgt.s32 v6, $0x0;
	v5 =	vadd.s32 v0, v13;
	v6 =	vnsel vm3, $0x0, v14;
	v12 =	vld.idx.msk [tilespmem:v22+s3+$0x0], $0xffff;
	[tilespmem:s5+$0xFFFFFFE0] =	vst v11  }
0x196: {  	v8 =	vadd.s32 v0, v8;
	v13 =	vnsel vm4, $0x0, v15;
	v14 =	vnsel vm5, $0x0, v24;
	v11 =	vld.idx.msk [tilespmem:v20+s3+$0x0], $0xffff;
	[tilespmem:s9+$0xFFFFFFC0] =	vst v6  }
0x197: {  	v6 =	vadd.s32 v0, v13;
	v15 =	vld [tilespmem:s10+$0xFFFFFFF0];
	[tilespmem:s9+$0xFFFFFFB0] =	vst v14;
	v14 =	vnsel vm3, $0x0, v18;
	v18 =	vnsel vm2, $0x0, v16  }
0x198: {  	vm4 =	vgt.s32 v17, $0x0;
	v17 =	vnsel vm1, $0x0, v19;
	v13 =	vnsel vm5, $0x0, v25;
	v16 =	vld [tilespmem:s10+$0xFFFFFFE0];
	[tilespmem:s5+$0xFFFFFFF0] =	vst v18  }
0x199: {  	_ = 	snop  }
0x19a: {  	v3 =	vtrunc.f32 v3  }
0x19b: {  	vm1 =	vgt.s32 v7, $0x0;
	v3 =	vcvt.f32.s32 v3  }
0x19c: {  	v19 =	vld [tilespmem:s10+$0xFFFFFFD0];
	v1 =	vtrunc.f32 v1;
	v9 =	vnsel vm4, $0x0, v9;
	v12 =	vnsel vm4, $0x0, v12  }
0x19d: {  	v15 =	vtrunc.f32 v15;
	v18 =	vadd.s32 $0xFFFFFFFF, v3;
	v16 =	vtrunc.f32 v16  }
0x19e: {  	v15 =	vcvt.f32.s32 v15;
	vm2 =	vgt.s32 v18, $0x0;
	v7 =	vcvt.f32.s32 v16  }
0x19f: {  	[tilespmem:s4+$0x0] =	vst v17;
	v1 =	vcvt.f32.s32 v1;
	v11 =	vnsel vm0, $0x0, v11;
	v18 =	vnsel vm2, $0x0, v18  }
0x1a0: {  	[tilespmem:s4+$0xFFFFFFC0] =	vst v14;
	v14 =	vld.idx.msk [tilespmem:v8+s3+$0x0], $0xffff;
	v16 =	vadd.s32 $0xFFFFFFFF, v15;
	v18 =	vadd.s32 v0, v18;
	v20 =	vadd.s32 $0xFFFFFFFF, v7  }
0x1a1: {  	v17 =	vld.idx.msk [tilespmem:v5+s3+$0x0], $0xffff;
	[tilespmem:s18+$0xFFFFFFD0] =	vst v12;
	v12 =	vtrunc.f32 v19;
	vm2 =	vgt.s32 v16, $0x0;
	vm3 =	vgt.s32 v20, $0x0  }
0x1a2: {  	[tilespmem:s4+$0xFFFFFFB0] =	vst v13;
	v8 =	vld.idx.msk [tilespmem:v8+s13+$0x0], $0xffff;
	v16 =	vnsel vm2, $0x0, v16;
	vm2 =	vgt.s32 v4, $0x0;
	v4 =	vnsel vm0, $0x0, v10  }
0x1a3: {  	v5 =	vld.idx.msk [tilespmem:v5+s13+$0x0], $0xffff;
	[tilespmem:s18+$0xFFFFFFA0] =	vst v11;
	v10 =	vcvt.f32.s32 v12;
	v20 =	vnsel vm3, $0x0, v20;
	v16 =	vadd.s32 v0, v16  }
0x1a4: {  	v13 =	vld.idx.msk [tilespmem:v6+s3+$0x0], $0xffff;
	[tilespmem:s4+$0xFFFFFFD0] =	vst v9;
	vm0 =	vgt.s32 v2, $0x0;
	v2 =	vadd.s32 $0xFFFFFFFF, v1;
	v19 =	vadd.s32 v0, v20  }
0x1a5: {  	s9 =	sadd.s32 $0x80, s9;
	[tilespmem:s4+$0xFFFFFFA0] =	vst v4;
	vm3 =	vgt.s32 v2, $0x0;
	v11 =	vnsel vm0, $0x0, v14;
	v4 =	vld.idx.msk [tilespmem:v18+s3+$0x0], $0xffff  }
0x1a6: {  	v14 =	vnsel vm1, $0x0, v17;
	v9 =	vadd.s32 $0xFFFFFFFF, v10;
	v2 =	vnsel vm3, $0x0, v2;
	[tilespmem:s9+$0xFFFFFF90] =	vst v11;
	v12 =	vld.idx.msk [tilespmem:v18+s13+$0x0], $0xffff  }
0x1a7: {  	s5 =	sadd.s32 $0x80, s5;
	v6 =	vld.idx.msk [tilespmem:v6+s13+$0x0], $0xffff;
	v8 =	vnsel vm0, $0x0, v8;
	[tilespmem:s9+$0xFFFFFFF0] =	vst v14;
	vm4 =	vgt.s32 v9, $0x0;
	v2 =	vadd.s32 v0, v2  }
0x1a8: {  	v5 =	vnsel vm1, $0x0, v5;
	[tilespmem:s5+$0xFFFFFF90] =	vst v8;
	v9 =	vnsel vm4, $0x0, v9;
	v11 =	vld.idx.msk [tilespmem:v16+s3+$0x0], $0xffff  }
0x1a9: {  	vm0 =	vgt.s32 v3, $0x0;
	v8 =	vnsel vm2, $0x0, v13;
	[tilespmem:s5+$0xFFFFFFF0] =	vst v5;
	v9 =	vadd.s32 v0, v9;
	v17 =	vld.idx.msk [tilespmem:v19+s3+$0x0], $0xffff  }
0x1aa: {  	[tilespmem:s9+$0x0] =	vst v8;
	v3 =	vnsel vm0, $0x0, v4;
	v4 =	vld.idx.msk [tilespmem:v16+s13+$0x0], $0xffff  }
0x1ab: {  	v8 =	vld.idx.msk [tilespmem:v19+s13+$0x0], $0xffff;
	[tilespmem:s9+$0xFFFFFFE0] =	vst v3;
	v3 =	vnsel vm0, $0x0, v12  }
0x1ac: {  	vm3 =	vgt.s32 v15, $0x0;
	v5 =	vnsel vm2, $0x0, v6;
	[tilespmem:s5+$0xFFFFFFE0] =	vst v3;
	v3 =	vld.idx.msk [tilespmem:v2+s3+$0x0], $0xffff  }
0x1ad: {  	[tilespmem:s5+$0x0] =	vst v5;
	vm0 =	vgt.s32 v7, $0x0;
	v2 =	vld.idx.msk [tilespmem:v2+s13+$0x0], $0xffff;
	v7 =	vnsel vm3, $0x0, v11  }
0x1ae: {  	v11 =	vnsel vm0, $0x0, v17;
	[tilespmem:s9+$0xFFFFFFC0] =	vst v7;
	v7 =	vld.idx.msk [tilespmem:v9+s3+$0x0], $0xffff  }
0x1af: {  	v9 =	vld.idx.msk [tilespmem:v9+s13+$0x0], $0xffff;
	[tilespmem:s9+$0xFFFFFFB0] =	vst v11;
	v4 =	vnsel vm3, $0x0, v4  }
0x1b0: {  	v5 =	vnsel vm0, $0x0, v8;
	vm0 =	vgt.s32 v1, $0x0;
	[tilespmem:s5+$0xFFFFFFC0] =	vst v4  }
0x1b1: {  	[tilespmem:s5+$0xFFFFFFB0] =	vst v5;
	v1 =	vnsel vm0, $0x0, v3  }
0x1b2: {  	vm1 =	vgt.s32 v10, $0x0;
	v2 =	vnsel vm0, $0x0, v2;
	[tilespmem:s9+$0xFFFFFFD0] =	vst v1  }
0x1b3: {  	v3 =	vnsel vm1, $0x0, v7;
	[tilespmem:s5+$0xFFFFFFD0] =	vst v2  }
0x1b4: {  	v1 =	vnsel vm1, $0x0, v9;
	[tilespmem:s9+$0xFFFFFFA0] =	vst v3;
	s9 =	sadd.s32 $0x24C00, s30  }
0x1b5: {  	s8 =	sadd.s32 s7, s8;
	[tilespmem:s5+$0xFFFFFFA0] =	vst v1;
	s4 =	sshrl.u32 s9, $0x3  }
0x1b6: {  	[hbm4b:s8+s11] =	stream.strided.scatter [tilespmem:s22], [sflag:$0x5], $0x1880, s12, s11, $0x38;
	[tilespmem:$0x16F80] =	vst v63  }
0x1b7: {  	s4 =	sadd.s32 s7, s4  }
0x1b8: {  	[hbm4b:s4+s11] =	stream.strided.scatter [tilespmem:s23], [sflag:$0x5], $0x1880, s12, s11, $0x38;
	[tilespmem:$0x16F80] =	vst v63  }
0x1b9: {  	s10 =	sadd.s32 $0x49800, s31;
	_ =	swait.ge [sflag:s21], $0x1880  }
0x1ba: {  	s8 =	sshrl.u32 s10, $0x3;
	[sflag:s21] =	ssyncset.done $0x0  }
0x1bb: {  	s15 =	simm.s32 $0xC400;
	s4 =	sadd.s32 s6, s8;
	[sflag:s21] =	ssyncadd.s32 $0xFFFFE780  }
0x1bc: {  	[tilespmem:s15], [sflag:$0x1] =	stream.strided.gather [hbm4b:s4+s11], $0x1880, s12, s11, $0x38;
	[tilespmem:$0x16F80] =	vst v63  }
0x1bd: {  	_ =	swait.ge [sflag:s25], $0x1880  }
0x1be: {  	[sflag:s25] =	ssyncset.done $0x0  }
0x1bf: {  	[sflag:s25] =	ssyncadd.s32 $0xFFFFE780  }
0x1c0: {  	_ =	swait.ge [sflag:s25], $0x1880  }
0x1c1: {  	[sflag:s25] =	ssyncset.done $0x0  }
0x1c2: {  	s18 =	simm.s32 $0xDCF0;
	[sflag:s25] =	ssyncadd.s32 $0xFFFFE780  }
0x1c3: {  	v1 =	vld [tilespmem:s18+$0xFFFFFFF0]  }
0x1c4: {  	v2 =	vld [tilespmem:s18+$0xFFFFFF90]  }
0x1c5: {  	v3 =	vld [tilespmem:s18+$0x0];
	_ =	sdelay $0x2  }
0x1c6: {  	v1 =	vtrunc.f32 v1  }
0x1c7: {  	v2 =	vtrunc.f32 v2;
	v1 =	vcvt.f32.s32 v1  }
0x1c8: {  	v3 =	vtrunc.f32 v3;
	v2 =	vcvt.f32.s32 v2  }
0x1c9: {  	v7 =	vld [tilespmem:s18+$0xFFFFFFE0];
	v3 =	vcvt.f32.s32 v3;
	v4 =	vadd.s32 $0xFFFFFFFF, v1  }
0x1ca: {  	v8 =	vld [tilespmem:s18+$0xFFFFFFD0];
	v5 =	vadd.s32 $0xFFFFFFFF, v2;
	vm0 =	vgt.s32 v4, $0x0  }
0x1cb: {  	v9 =	vld [tilespmem:s18+$0xFFFFFFC0];
	v6 =	vadd.s32 $0xFFFFFFFF, v3;
	vm1 =	vgt.s32 v5, $0x0;
	v4 =	vnsel vm0, $0x0, v4  }
0x1cc: {  	vm0 =	vgt.s32 v6, $0x0;
	v5 =	vnsel vm1, $0x0, v5;
	v4 =	vadd.s32 v0, v4  }
0x1cd: {  	v10 =	vld [tilespmem:s18+$0xFFFFFFB0];
	v5 =	vadd.s32 v0, v5;
	v6 =	vnsel vm0, $0x0, v6  }
0x1ce: {  	s10 =	simm.s32 $0xDD70;
	v11 =	vld [tilespmem:s18+$0xFFFFFFA0];
	vm2 =	vgt.s32 v1, $0x0;
	v1 =	vtrunc.f32 v7;
	v6 =	vadd.s32 v0, v6  }
0x1cf: {  	v14 =	vld [tilespmem:s10+$0x0];
	vm1 =	vgt.s32 v3, $0x0;
	v3 =	vtrunc.f32 v8;
	v8 =	vcvt.f32.s32 v1  }
0x1d0: {  	v19 =	vld [tilespmem:s10+$0xFFFFFFF0];
	v1 =	vtrunc.f32 v9  }
0x1d1: {  	v13 =	vcvt.f32.s32 v1;
	v1 =	vadd.s32 $0xFFFFFFFF, v8;
	v7 =	vld.idx.msk [tilespmem:v4+s3+$0x0], $0xffff  }
0x1d2: {  	vm3 =	vgt.s32 v2, $0x0;
	vm0 =	vgt.s32 v1, $0x0;
	v12 =	vld.idx.msk [tilespmem:v5+s3+$0x0], $0xffff  }
0x1d3: {  	v2 =	vtrunc.f32 v10;
	v17 =	vcvt.f32.s32 v3;
	v1 =	vnsel vm0, $0x0, v1;
	v9 =	vld.idx.msk [tilespmem:v6+s3+$0x0], $0xffff  }
0x1d4: {  	v3 =	vtrunc.f32 v11;
	v11 =	vadd.s32 v0, v1;
	v18 =	vld.idx.msk [tilespmem:v6+s13+$0x0], $0xffff;
	v6 =	vcvt.f32.s32 v2  }
0x1d5: {  	v16 =	vld.idx.msk [tilespmem:v4+s13+$0x0], $0xffff;
	v2 =	vcvt.f32.s32 v3;
	v3 =	vadd.s32 $0xFFFFFFFF, v13  }
0x1d6: {  	v14 =	vtrunc.f32 v14;
	v4 =	vld [tilespmem:s10+$0xFFFFFF90];
	vm0 =	vgt.s32 v3, $0x0;
	v10 =	vadd.s32 $0xFFFFFFFF, v6  }
0x1d7: {  	v15 =	vadd.s32 $0xFFFFFFFF, v2;
	v1 =	vnsel vm0, $0x0, v3;
	vm4 =	vgt.s32 v10, $0x0  }
0x1d8: {  	v5 =	vld.idx.msk [tilespmem:v5+s13+$0x0], $0xffff;
	vm0 =	vgt.s32 v15, $0x0;
	v3 =	vnsel vm4, $0x0, v10;
	v10 =	vadd.s32 v0, v1  }
0x1d9: {  	v19 =	vtrunc.f32 v19;
	v21 =	vadd.s32 $0xFFFFFFFF, v17;
	v62 =	vld.idx.msk [tilespmem:v11+s3+$0x0], $0xffff;
	v15 =	vnsel vm0, $0x0, v15  }
0x1da: {  	v11 =	vld.idx.msk [tilespmem:v11+s13+$0x0], $0xffff;
	vm0 =	vgt.s32 v2, $0x0;
	vm4 =	vgt.s32 v21, $0x0;
	v61 =	vadd.s32 v0, v3  }
0x1db: {  	v1 =	vld [tilespmem:s10+$0xFFFFFFD0];
	v2 =	vtrunc.f32 v4;
	v12 =	vnsel vm3, $0x0, v12;
	v23 =	vnsel vm2, $0x0, v7  }
0x1dc: {  	v7 =	vcvt.f32.s32 v19;
	v3 =	vld [tilespmem:s10+$0xFFFFFFE0];
	v15 =	vadd.s32 v0, v15;
	v4 =	vnsel vm4, $0x0, v21  }
0x1dd: {  	s9 =	simm.s32 $0x10DC0;
	v2 =	vcvt.f32.s32 v2;
	v22 =	vadd.s32 v0, v4;
	v4 =	vcvt.f32.s32 v14;
	v14 =	vld.idx.msk [tilespmem:v10+s3+$0x0], $0xffff  }
0x1de: {  	s4 =	simm.s32 $0x13EC0;
	vm5 =	vgt.s32 v8, $0x0;
	v5 =	vnsel vm3, $0x0, v5;
	[tilespmem:s9+$0xFFFFFFC0] =	vst v12;
	v24 =	vld.idx.msk [tilespmem:v10+s13+$0x0], $0xffff  }
0x1df: {  	v9 =	vnsel vm1, $0x0, v9;
	[tilespmem:s4+$0xFFFFFFC0] =	vst v5;
	v5 =	vadd.s32 $0xFFFFFFFF, v7;
	v12 =	vadd.s32 $0xFFFFFFFF, v2;
	v19 =	vld.idx.msk [tilespmem:v61+s3+$0x0], $0xffff  }
0x1e0: {  	[tilespmem:s9+$0x20] =	vst v23;
	vm3 =	vgt.s32 v12, $0x0;
	v63 =	vadd.s32 $0xFFFFFFFF, v4;
	v11 =	vnsel vm5, $0x0, v11;
	v20 =	vld.idx.msk [tilespmem:v61+s13+$0x0], $0xffff  }
0x1e1: {  	[tilespmem:s9+$0x30] =	vst v9;
	v8 =	vnsel vm3, $0x0, v12;
	vm3 =	vgt.s32 v5, $0x0;
	v12 =	vnsel vm5, $0x0, v62;
	v10 =	vld.idx.msk [tilespmem:v15+s13+$0x0], $0xffff  }
0x1e2: {  	vm4 =	vgt.s32 v63, $0x0;
	v5 =	vnsel vm3, $0x0, v5;
	vm3 =	vgt.s32 v13, $0x0;
	[tilespmem:s9+$0x10] =	vst v12;
	v9 =	vld.idx.msk [tilespmem:v22+s13+$0x0], $0xffff  }
0x1e3: {  	vm5 =	vgt.s32 v6, $0x0;
	v5 =	vadd.s32 v0, v5;
	v12 =	vld.idx.msk [tilespmem:v22+s3+$0x0], $0xffff;
	[tilespmem:s4+$0x10] =	vst v11;
	v6 =	vnsel vm3, $0x0, v14  }
0x1e4: {  	v8 =	vadd.s32 v0, v8;
	v13 =	vnsel vm4, $0x0, v63;
	v11 =	vld.idx.msk [tilespmem:v15+s3+$0x0], $0xffff;
	v14 =	vnsel vm5, $0x0, v19;
	[tilespmem:s9+$0xFFFFFFF0] =	vst v6  }
0x1e5: {  	vm4 =	vgt.s32 v17, $0x0;
	v15 =	vld [tilespmem:s10+$0xFFFFFFC0];
	v6 =	vadd.s32 v0, v13;
	v19 =	vnsel vm2, $0x0, v16;
	[tilespmem:s9+$0xFFFFFFE0] =	vst v14  }
0x1e6: {  	s5 =	simm.s32 $0x13EC0;
	s15 =	simm.s32 $0x8;
	s18 =	simm.s32 $0x10DC0;
	v17 =	vnsel vm1, $0x0, v18;
	v16 =	vld [tilespmem:s10+$0xFFFFFFB0];
	v13 =	vnsel vm5, $0x0, v20;
	v14 =	vnsel vm3, $0x0, v24;
	[tilespmem:s4+$0x20] =	vst v19  }
.LBB2_11:
0x1e7: {  	s15 =	sadd.s32 $0x8, s15;
	v18 =	vld [tilespmem:s10+$0xFFFFFFA0];
	vm2 =	vgt.s32 v7, $0x0;
	vm1 =	vgt.s32 v4, $0x0;
	v4 =	vnsel vm4, $0x0, v9;
	[tilespmem:s4+$0x30] =	vst v17;
	s5 =	sadd.s32 $0x80, s5;
	s9 =	sadd.s32 $0x80, s9  }
0x1e8: {  	vm3 =	vgt.s32 v2, $0x0;
	v2 =	vtrunc.f32 v3;
	v3 =	vnsel vm0, $0x0, v10;
	p0 =	slt.u32 s15, $0x180;
	v7 =	vld.idx.msk [tilespmem:v5+s3+$0x0], $0xffff;
	[tilespmem:s4+$0xFFFFFFF0] =	vst v14  }
0x1e9: {  	v1 =	vtrunc.f32 v1;
	v10 =	vcvt.f32.s32 v2;
	v2 =	vnsel vm4, $0x0, v12;
	v9 =	vld.idx.msk [tilespmem:v8+s3+$0x0], $0xffff;
	[tilespmem:s4+$0xFFFFFFE0] =	vst v13  }
0x1ea: {  	v17 =	vcvt.f32.s32 v1;
	v1 =	vnsel vm0, $0x0, v11;
	v12 =	vtrunc.f32 v15;
	v13 =	vld.idx.msk [tilespmem:v6+s3+$0x0], $0xffff;
	[tilespmem:s18+$0x0] =	vst v2  }
0x1eb: {  	v2 =	vtrunc.f32 v16;
	v11 =	vcvt.f32.s32 v12;
	v12 =	vadd.s32 $0xFFFFFFFF, v10;
	v19 =	vld.idx.msk [tilespmem:v6+s13+$0x0], $0xffff;
	[tilespmem:s18+$0xFFFFFFD0] =	vst v1;
	s18 =	smov.u32 s9  }
0x1ec: {  	v1 =	vtrunc.f32 v18;
	v6 =	vcvt.f32.s32 v2;
	vm0 =	vgt.s32 v12, $0x0;
	v16 =	vld.idx.msk [tilespmem:v5+s13+$0x0], $0xffff;
	[tilespmem:s4+$0xFFFFFFD0] =	vst v3  }
0x1ed: {  	s10 =	sadd.s32 $0x80, s10;
	v5 =	vld.idx.msk [tilespmem:v8+s13+$0x0], $0xffff;
	v2 =	vcvt.f32.s32 v1;
	v1 =	vadd.s32 $0xFFFFFFFF, v11;
	v3 =	vnsel vm0, $0x0, v12;
	[tilespmem:s4+$0x0] =	vst v4;
	s4 =	smov.u32 s5  }
0x1ee: {  	v4 =	vld [tilespmem:s10+$0xFFFFFF90];
	v8 =	vadd.s32 $0xFFFFFFFF, v6;
	vm0 =	vgt.s32 v1, $0x0;
	v12 =	vadd.s32 v0, v3  }
0x1ef: {  	v14 =	vld [tilespmem:s10+$0x0];
	v3 =	vadd.s32 $0xFFFFFFFF, v2;
	vm4 =	vgt.s32 v8, $0x0;
	v1 =	vnsel vm0, $0x0, v1  }
0x1f0: {  	v15 =	vld [tilespmem:s10+$0xFFFFFFF0];
	vm0 =	vgt.s32 v3, $0x0;
	v8 =	vnsel vm4, $0x0, v8;
	v18 =	vadd.s32 v0, v1  }
0x1f1: {  	v21 =	vadd.s32 $0xFFFFFFFF, v17;
	v1 =	vld [tilespmem:s10+$0xFFFFFFD0];
	v20 =	vnsel vm0, $0x0, v3;
	v8 =	vadd.s32 v0, v8  }
0x1f2: {  	vm4 =	vgt.s32 v21, $0x0;
	vm0 =	vgt.s32 v2, $0x0;
	v3 =	vld [tilespmem:s10+$0xFFFFFFE0];
	v20 =	vadd.s32 v0, v20  }
0x1f3: {  	v2 =	vtrunc.f32 v4;
	v4 =	vnsel vm3, $0x0, v9;
	v9 =	vnsel vm4, $0x0, v21;
	v21 =	vld.idx.msk [tilespmem:v12+s3+$0x0], $0xffff  }
0x1f4: {  	v2 =	vcvt.f32.s32 v2;
	v14 =	vtrunc.f32 v14;
	[tilespmem:s9+$0xFFFFFFC0] =	vst v4;
	v22 =	vadd.s32 v0, v9;
	v12 =	vld.idx.msk [tilespmem:v12+s13+$0x0], $0xffff  }
0x1f5: {  	v9 =	vtrunc.f32 v15;
	v4 =	vcvt.f32.s32 v14;
	v14 =	vld.idx.msk [tilespmem:v18+s3+$0x0], $0xffff;
	v15 =	vnsel vm2, $0x0, v7  }
0x1f6: {  	v5 =	vnsel vm3, $0x0, v5;
	v23 =	vadd.s32 $0xFFFFFFFF, v2;
	v7 =	vcvt.f32.s32 v9;
	v24 =	vld.idx.msk [tilespmem:v8+s3+$0x0], $0xffff;
	[tilespmem:s9+$0x20] =	vst v15  }
0x1f7: {  	vm3 =	vgt.s32 v23, $0x0;
	v15 =	vadd.s32 $0xFFFFFFFF, v4;
	[tilespmem:s5+$0xFFFFFFC0] =	vst v5;
	v18 =	vld.idx.msk [tilespmem:v18+s13+$0x0], $0xffff;
	v5 =	vnsel vm1, $0x0, v13  }
0x1f8: {  	vm5 =	vgt.s32 v10, $0x0;
	v13 =	vadd.s32 $0xFFFFFFFF, v7;
	vm4 =	vgt.s32 v15, $0x0;
	v25 =	vld.idx.msk [tilespmem:v8+s13+$0x0], $0xffff;
	[tilespmem:s9+$0x30] =	vst v5  }
0x1f9: {  	v8 =	vnsel vm3, $0x0, v23;
	v5 =	vnsel vm5, $0x0, v21;
	vm3 =	vgt.s32 v13, $0x0;
	v9 =	vld.idx.msk [tilespmem:v22+s13+$0x0], $0xffff  }
.Ltmp4:
0x1fa: {  	v13 =	vnsel vm3, $0x0, v13;
	v10 =	vld.idx.msk [tilespmem:v20+s13+$0x0], $0xffff;
	vm3 =	vgt.s32 v11, $0x0;
	[tilespmem:s9+$0x10] =	vst v5;
	v11 =	vnsel vm5, $0x0, v12;
	(pc) =	sbr.rel @p0 .LBB2_11-.Ltmp4, $4  }
0x1fb: {  	vm5 =	vgt.s32 v6, $0x0;
	v5 =	vadd.s32 v0, v13;
	v6 =	vnsel vm3, $0x0, v14;
	v12 =	vld.idx.msk [tilespmem:v22+s3+$0x0], $0xffff;
	[tilespmem:s5+$0x10] =	vst v11  }
0x1fc: {  	v8 =	vadd.s32 v0, v8;
	v13 =	vnsel vm4, $0x0, v15;
	v14 =	vnsel vm5, $0x0, v24;
	v11 =	vld.idx.msk [tilespmem:v20+s3+$0x0], $0xffff;
	[tilespmem:s9+$0xFFFFFFF0] =	vst v6  }
0x1fd: {  	v6 =	vadd.s32 v0, v13;
	v15 =	vld [tilespmem:s10+$0xFFFFFFC0];
	[tilespmem:s9+$0xFFFFFFE0] =	vst v14;
	v14 =	vnsel vm3, $0x0, v18;
	v18 =	vnsel vm2, $0x0, v16  }
0x1fe: {  	vm4 =	vgt.s32 v17, $0x0;
	v17 =	vnsel vm1, $0x0, v19;
	v13 =	vnsel vm5, $0x0, v25;
	v16 =	vld [tilespmem:s10+$0xFFFFFFB0];
	[tilespmem:s5+$0x20] =	vst v18  }
0x1ff: {  	_ = 	snop  }
0x200: {  	v3 =	vtrunc.f32 v3  }
0x201: {  	vm1 =	vgt.s32 v7, $0x0;
	v3 =	vcvt.f32.s32 v3  }
0x202: {  	v19 =	vld [tilespmem:s10+$0xFFFFFFA0];
	v1 =	vtrunc.f32 v1;
	v9 =	vnsel vm4, $0x0, v9;
	v12 =	vnsel vm4, $0x0, v12  }
0x203: {  	v15 =	vtrunc.f32 v15;
	v18 =	vadd.s32 $0xFFFFFFFF, v3;
	v16 =	vtrunc.f32 v16  }
0x204: {  	v15 =	vcvt.f32.s32 v15;
	vm2 =	vgt.s32 v18, $0x0;
	v7 =	vcvt.f32.s32 v16  }
0x205: {  	[tilespmem:s4+$0x30] =	vst v17;
	v1 =	vcvt.f32.s32 v1;
	v11 =	vnsel vm0, $0x0, v11;
	v18 =	vnsel vm2, $0x0, v18  }
0x206: {  	[tilespmem:s4+$0xFFFFFFF0] =	vst v14;
	v14 =	vld.idx.msk [tilespmem:v8+s3+$0x0], $0xffff;
	v16 =	vadd.s32 $0xFFFFFFFF, v15;
	v18 =	vadd.s32 v0, v18;
	v20 =	vadd.s32 $0xFFFFFFFF, v7  }
0x207: {  	v17 =	vld.idx.msk [tilespmem:v5+s3+$0x0], $0xffff;
	[tilespmem:s18+$0x0] =	vst v12;
	v12 =	vtrunc.f32 v19;
	vm2 =	vgt.s32 v16, $0x0;
	vm3 =	vgt.s32 v20, $0x0  }
0x208: {  	[tilespmem:s4+$0xFFFFFFE0] =	vst v13;
	v8 =	vld.idx.msk [tilespmem:v8+s13+$0x0], $0xffff;
	v16 =	vnsel vm2, $0x0, v16;
	vm2 =	vgt.s32 v4, $0x0;
	v4 =	vnsel vm0, $0x0, v10  }
0x209: {  	v5 =	vld.idx.msk [tilespmem:v5+s13+$0x0], $0xffff;
	[tilespmem:s18+$0xFFFFFFD0] =	vst v11;
	v10 =	vcvt.f32.s32 v12;
	v20 =	vnsel vm3, $0x0, v20;
	v16 =	vadd.s32 v0, v16  }
0x20a: {  	v13 =	vld.idx.msk [tilespmem:v6+s3+$0x0], $0xffff;
	[tilespmem:s4+$0x0] =	vst v9;
	vm0 =	vgt.s32 v2, $0x0;
	v2 =	vadd.s32 $0xFFFFFFFF, v1;
	v19 =	vadd.s32 v0, v20  }
0x20b: {  	s9 =	sadd.s32 $0x80, s9;
	[tilespmem:s4+$0xFFFFFFD0] =	vst v4;
	vm3 =	vgt.s32 v2, $0x0;
	v11 =	vnsel vm0, $0x0, v14;
	v4 =	vld.idx.msk [tilespmem:v18+s3+$0x0], $0xffff  }
0x20c: {  	v14 =	vnsel vm1, $0x0, v17;
	v9 =	vadd.s32 $0xFFFFFFFF, v10;
	v2 =	vnsel vm3, $0x0, v2;
	[tilespmem:s9+$0xFFFFFFC0] =	vst v11;
	v12 =	vld.idx.msk [tilespmem:v18+s13+$0x0], $0xffff  }
0x20d: {  	s5 =	sadd.s32 $0x80, s5;
	v6 =	vld.idx.msk [tilespmem:v6+s13+$0x0], $0xffff;
	v8 =	vnsel vm0, $0x0, v8;
	[tilespmem:s9+$0x20] =	vst v14;
	vm4 =	vgt.s32 v9, $0x0;
	v2 =	vadd.s32 v0, v2  }
0x20e: {  	v5 =	vnsel vm1, $0x0, v5;
	[tilespmem:s5+$0xFFFFFFC0] =	vst v8;
	v9 =	vnsel vm4, $0x0, v9;
	v11 =	vld.idx.msk [tilespmem:v16+s3+$0x0], $0xffff  }
0x20f: {  	vm0 =	vgt.s32 v3, $0x0;
	v8 =	vnsel vm2, $0x0, v13;
	[tilespmem:s5+$0x20] =	vst v5;
	v9 =	vadd.s32 v0, v9;
	v17 =	vld.idx.msk [tilespmem:v19+s3+$0x0], $0xffff  }
0x210: {  	[tilespmem:s9+$0x30] =	vst v8;
	v3 =	vnsel vm0, $0x0, v4;
	v4 =	vld.idx.msk [tilespmem:v16+s13+$0x0], $0xffff  }
0x211: {  	v8 =	vld.idx.msk [tilespmem:v19+s13+$0x0], $0xffff;
	[tilespmem:s9+$0x10] =	vst v3;
	v3 =	vnsel vm0, $0x0, v12  }
0x212: {  	vm3 =	vgt.s32 v15, $0x0;
	v5 =	vnsel vm2, $0x0, v6;
	[tilespmem:s5+$0x10] =	vst v3;
	v3 =	vld.idx.msk [tilespmem:v2+s3+$0x0], $0xffff  }
0x213: {  	[tilespmem:s5+$0x30] =	vst v5;
	vm0 =	vgt.s32 v7, $0x0;
	v2 =	vld.idx.msk [tilespmem:v2+s13+$0x0], $0xffff;
	v7 =	vnsel vm3, $0x0, v11  }
0x214: {  	v11 =	vnsel vm0, $0x0, v17;
	[tilespmem:s9+$0xFFFFFFF0] =	vst v7;
	v7 =	vld.idx.msk [tilespmem:v9+s3+$0x0], $0xffff  }
0x215: {  	v9 =	vld.idx.msk [tilespmem:v9+s13+$0x0], $0xffff;
	[tilespmem:s9+$0xFFFFFFE0] =	vst v11;
	v4 =	vnsel vm3, $0x0, v4  }
0x216: {  	v5 =	vnsel vm0, $0x0, v8;
	vm0 =	vgt.s32 v1, $0x0;
	[tilespmem:s5+$0xFFFFFFF0] =	vst v4  }
0x217: {  	[tilespmem:s5+$0xFFFFFFE0] =	vst v5;
	v1 =	vnsel vm0, $0x0, v3  }
0x218: {  	vm1 =	vgt.s32 v10, $0x0;
	v2 =	vnsel vm0, $0x0, v2;
	[tilespmem:s9+$0x0] =	vst v1  }
0x219: {  	v3 =	vnsel vm1, $0x0, v7;
	[tilespmem:s5+$0x0] =	vst v2  }
0x21a: {  	v1 =	vnsel vm1, $0x0, v9;
	[tilespmem:s9+$0xFFFFFFD0] =	vst v3  }
0x21b: {  	s1 =	sadd.s32 s7, s1;
	s10 =	sadd.s32 $0x31000, s30;
	[tilespmem:s5+$0xFFFFFFD0] =	vst v1  }
0x21c: {  	[hbm4b:s1+s11] =	stream.strided.scatter [tilespmem:s19], [sflag:$0x4], $0x1880, s12, s11, $0x38;
	[tilespmem:$0x16F80] =	vst v63  }
0x21d: {  	s1 =	sshrl.u32 s10, $0x3  }
0x21e: {  	s1 =	sadd.s32 s7, s1  }
0x21f: {  	[hbm4b:s1+s11] =	stream.strided.scatter [tilespmem:s20], [sflag:$0x4], $0x1880, s12, s11, $0x38;
	[tilespmem:$0x16F80] =	vst v63  }
0x220: {  	s15 =	sadd.s32 $0x55C00, s31;
	_ =	swait.ge [sflag:s24], $0x1880  }
0x221: {  	s1 =	sshrl.u32 s15, $0x3;
	[sflag:s24] =	ssyncset.done $0x0  }
0x222: {  	s18 =	sadd.s32 s6, s1;
	[sflag:s24] =	ssyncadd.s32 $0xFFFFE780  }
0x223: {  	[tilespmem:s16], [sflag:$0x2] =	stream.strided.gather [hbm4b:s18+s11], $0x1880, s12, s11, $0x38;
	[tilespmem:$0x16F80] =	vst v63  }
0x224: {  	_ =	swait.ge [sflag:s26], $0x1880  }
0x225: {  	[sflag:s26] =	ssyncset.done $0x0  }
0x226: {  	[sflag:s26] =	ssyncadd.s32 $0xFFFFE780  }
0x227: {  	_ =	swait.ge [sflag:s26], $0x1880  }
0x228: {  	[sflag:s26] =	ssyncset.done $0x0  }
0x229: {  	s31 =	simm.s32 $0xF570;
	[sflag:s26] =	ssyncadd.s32 $0xFFFFE780  }
0x22a: {  	v1 =	vld [tilespmem:s31+$0xFFFFFFF0]  }
0x22b: {  	v2 =	vld [tilespmem:s31+$0xFFFFFF90]  }
0x22c: {  	v3 =	vld [tilespmem:s31+$0x0];
	_ =	sdelay $0x2  }
0x22d: {  	v1 =	vtrunc.f32 v1  }
0x22e: {  	v2 =	vtrunc.f32 v2;
	v1 =	vcvt.f32.s32 v1  }
0x22f: {  	v3 =	vtrunc.f32 v3;
	v2 =	vcvt.f32.s32 v2  }
0x230: {  	v7 =	vld [tilespmem:s31+$0xFFFFFFE0];
	v3 =	vcvt.f32.s32 v3;
	v4 =	vadd.s32 $0xFFFFFFFF, v1  }
0x231: {  	v8 =	vld [tilespmem:s31+$0xFFFFFFD0];
	v5 =	vadd.s32 $0xFFFFFFFF, v2;
	vm0 =	vgt.s32 v4, $0x0  }
0x232: {  	v9 =	vld [tilespmem:s31+$0xFFFFFFC0];
	v6 =	vadd.s32 $0xFFFFFFFF, v3;
	vm1 =	vgt.s32 v5, $0x0;
	v4 =	vnsel vm0, $0x0, v4  }
0x233: {  	vm0 =	vgt.s32 v6, $0x0;
	v5 =	vnsel vm1, $0x0, v5;
	v4 =	vadd.s32 v0, v4  }
0x234: {  	v10 =	vld [tilespmem:s31+$0xFFFFFFB0];
	v5 =	vadd.s32 v0, v5;
	v6 =	vnsel vm0, $0x0, v6  }
0x235: {  	s10 =	simm.s32 $0xF5F0;
	v11 =	vld [tilespmem:s31+$0xFFFFFFA0];
	vm2 =	vgt.s32 v1, $0x0;
	v1 =	vtrunc.f32 v7;
	v6 =	vadd.s32 v0, v6  }
0x236: {  	v14 =	vld [tilespmem:s10+$0x0];
	vm1 =	vgt.s32 v3, $0x0;
	v3 =	vtrunc.f32 v8;
	v8 =	vcvt.f32.s32 v1  }
0x237: {  	v19 =	vld [tilespmem:s10+$0xFFFFFFF0];
	v1 =	vtrunc.f32 v9  }
0x238: {  	v13 =	vcvt.f32.s32 v1;
	v1 =	vadd.s32 $0xFFFFFFFF, v8;
	v7 =	vld.idx.msk [tilespmem:v4+s3+$0x0], $0xffff  }
0x239: {  	vm3 =	vgt.s32 v2, $0x0;
	vm0 =	vgt.s32 v1, $0x0;
	v12 =	vld.idx.msk [tilespmem:v5+s3+$0x0], $0xffff  }
0x23a: {  	v2 =	vtrunc.f32 v10;
	v17 =	vcvt.f32.s32 v3;
	v1 =	vnsel vm0, $0x0, v1;
	v9 =	vld.idx.msk [tilespmem:v6+s3+$0x0], $0xffff  }
0x23b: {  	v3 =	vtrunc.f32 v11;
	v11 =	vadd.s32 v0, v1;
	v18 =	vld.idx.msk [tilespmem:v6+s13+$0x0], $0xffff;
	v6 =	vcvt.f32.s32 v2  }
0x23c: {  	v16 =	vld.idx.msk [tilespmem:v4+s13+$0x0], $0xffff;
	v2 =	vcvt.f32.s32 v3;
	v3 =	vadd.s32 $0xFFFFFFFF, v13  }
0x23d: {  	v14 =	vtrunc.f32 v14;
	v4 =	vld [tilespmem:s10+$0xFFFFFF90];
	vm0 =	vgt.s32 v3, $0x0;
	v10 =	vadd.s32 $0xFFFFFFFF, v6  }
0x23e: {  	v15 =	vadd.s32 $0xFFFFFFFF, v2;
	v1 =	vnsel vm0, $0x0, v3;
	vm4 =	vgt.s32 v10, $0x0  }
0x23f: {  	v5 =	vld.idx.msk [tilespmem:v5+s13+$0x0], $0xffff;
	vm0 =	vgt.s32 v15, $0x0;
	v3 =	vnsel vm4, $0x0, v10;
	v10 =	vadd.s32 v0, v1  }
0x240: {  	v19 =	vtrunc.f32 v19;
	v21 =	vadd.s32 $0xFFFFFFFF, v17;
	v62 =	vld.idx.msk [tilespmem:v11+s3+$0x0], $0xffff;
	v15 =	vnsel vm0, $0x0, v15  }
0x241: {  	v11 =	vld.idx.msk [tilespmem:v11+s13+$0x0], $0xffff;
	vm0 =	vgt.s32 v2, $0x0;
	vm4 =	vgt.s32 v21, $0x0;
	v61 =	vadd.s32 v0, v3  }
0x242: {  	v1 =	vld [tilespmem:s10+$0xFFFFFFD0];
	v2 =	vtrunc.f32 v4;
	v12 =	vnsel vm3, $0x0, v12;
	v23 =	vnsel vm2, $0x0, v7  }
0x243: {  	v7 =	vcvt.f32.s32 v19;
	v3 =	vld [tilespmem:s10+$0xFFFFFFE0];
	v15 =	vadd.s32 v0, v15;
	v4 =	vnsel vm4, $0x0, v21  }
0x244: {  	s9 =	simm.s32 $0x12670;
	v2 =	vcvt.f32.s32 v2;
	v22 =	vadd.s32 v0, v4;
	v4 =	vcvt.f32.s32 v14;
	v14 =	vld.idx.msk [tilespmem:v10+s3+$0x0], $0xffff  }
0x245: {  	s4 =	simm.s32 $0x15770;
	vm5 =	vgt.s32 v8, $0x0;
	v5 =	vnsel vm3, $0x0, v5;
	[tilespmem:s9+$0xFFFFFF90] =	vst v12;
	v24 =	vld.idx.msk [tilespmem:v10+s13+$0x0], $0xffff  }
0x246: {  	v9 =	vnsel vm1, $0x0, v9;
	[tilespmem:s4+$0xFFFFFF90] =	vst v5;
	v5 =	vadd.s32 $0xFFFFFFFF, v7;
	v12 =	vadd.s32 $0xFFFFFFFF, v2;
	v19 =	vld.idx.msk [tilespmem:v61+s3+$0x0], $0xffff  }
0x247: {  	[tilespmem:s9+$0xFFFFFFF0] =	vst v23;
	vm3 =	vgt.s32 v12, $0x0;
	v63 =	vadd.s32 $0xFFFFFFFF, v4;
	v11 =	vnsel vm5, $0x0, v11;
	v20 =	vld.idx.msk [tilespmem:v61+s13+$0x0], $0xffff  }
0x248: {  	[tilespmem:s9+$0x0] =	vst v9;
	v8 =	vnsel vm3, $0x0, v12;
	vm3 =	vgt.s32 v5, $0x0;
	v12 =	vnsel vm5, $0x0, v62;
	v10 =	vld.idx.msk [tilespmem:v15+s13+$0x0], $0xffff  }
0x249: {  	vm4 =	vgt.s32 v63, $0x0;
	v5 =	vnsel vm3, $0x0, v5;
	vm3 =	vgt.s32 v13, $0x0;
	[tilespmem:s9+$0xFFFFFFE0] =	vst v12;
	v9 =	vld.idx.msk [tilespmem:v22+s13+$0x0], $0xffff  }
0x24a: {  	vm5 =	vgt.s32 v6, $0x0;
	v5 =	vadd.s32 v0, v5;
	v12 =	vld.idx.msk [tilespmem:v22+s3+$0x0], $0xffff;
	[tilespmem:s4+$0xFFFFFFE0] =	vst v11;
	v6 =	vnsel vm3, $0x0, v14  }
0x24b: {  	v8 =	vadd.s32 v0, v8;
	v13 =	vnsel vm4, $0x0, v63;
	v11 =	vld.idx.msk [tilespmem:v15+s3+$0x0], $0xffff;
	v14 =	vnsel vm5, $0x0, v19;
	[tilespmem:s9+$0xFFFFFFC0] =	vst v6  }
0x24c: {  	vm4 =	vgt.s32 v17, $0x0;
	v15 =	vld [tilespmem:s10+$0xFFFFFFC0];
	v6 =	vadd.s32 v0, v13;
	v19 =	vnsel vm2, $0x0, v16;
	[tilespmem:s9+$0xFFFFFFB0] =	vst v14  }
0x24d: {  	s5 =	simm.s32 $0x15770;
	s15 =	simm.s32 $0x8;
	s18 =	simm.s32 $0x12670;
	v17 =	vnsel vm1, $0x0, v18;
	v16 =	vld [tilespmem:s10+$0xFFFFFFB0];
	v13 =	vnsel vm5, $0x0, v20;
	v14 =	vnsel vm3, $0x0, v24;
	[tilespmem:s4+$0xFFFFFFF0] =	vst v19  }
.LBB2_13:
0x24e: {  	s15 =	sadd.s32 $0x8, s15;
	v18 =	vld [tilespmem:s10+$0xFFFFFFA0];
	vm2 =	vgt.s32 v7, $0x0;
	vm1 =	vgt.s32 v4, $0x0;
	v4 =	vnsel vm4, $0x0, v9;
	[tilespmem:s4+$0x0] =	vst v17;
	s5 =	sadd.s32 $0x80, s5;
	s9 =	sadd.s32 $0x80, s9  }
0x24f: {  	vm3 =	vgt.s32 v2, $0x0;
	v2 =	vtrunc.f32 v3;
	v3 =	vnsel vm0, $0x0, v10;
	p0 =	slt.u32 s15, $0x180;
	v7 =	vld.idx.msk [tilespmem:v5+s3+$0x0], $0xffff;
	[tilespmem:s4+$0xFFFFFFC0] =	vst v14  }
0x250: {  	v1 =	vtrunc.f32 v1;
	v10 =	vcvt.f32.s32 v2;
	v2 =	vnsel vm4, $0x0, v12;
	v9 =	vld.idx.msk [tilespmem:v8+s3+$0x0], $0xffff;
	[tilespmem:s4+$0xFFFFFFB0] =	vst v13  }
0x251: {  	v17 =	vcvt.f32.s32 v1;
	v1 =	vnsel vm0, $0x0, v11;
	v12 =	vtrunc.f32 v15;
	v13 =	vld.idx.msk [tilespmem:v6+s3+$0x0], $0xffff;
	[tilespmem:s18+$0xFFFFFFD0] =	vst v2  }
0x252: {  	v2 =	vtrunc.f32 v16;
	v11 =	vcvt.f32.s32 v12;
	v12 =	vadd.s32 $0xFFFFFFFF, v10;
	v19 =	vld.idx.msk [tilespmem:v6+s13+$0x0], $0xffff;
	[tilespmem:s18+$0xFFFFFFA0] =	vst v1;
	s18 =	smov.u32 s9  }
0x253: {  	v1 =	vtrunc.f32 v18;
	v6 =	vcvt.f32.s32 v2;
	vm0 =	vgt.s32 v12, $0x0;
	v16 =	vld.idx.msk [tilespmem:v5+s13+$0x0], $0xffff;
	[tilespmem:s4+$0xFFFFFFA0] =	vst v3  }
0x254: {  	s10 =	sadd.s32 $0x80, s10;
	v5 =	vld.idx.msk [tilespmem:v8+s13+$0x0], $0xffff;
	v2 =	vcvt.f32.s32 v1;
	v1 =	vadd.s32 $0xFFFFFFFF, v11;
	v3 =	vnsel vm0, $0x0, v12;
	[tilespmem:s4+$0xFFFFFFD0] =	vst v4;
	s4 =	smov.u32 s5  }
0x255: {  	v4 =	vld [tilespmem:s10+$0xFFFFFF90];
	v8 =	vadd.s32 $0xFFFFFFFF, v6;
	vm0 =	vgt.s32 v1, $0x0;
	v12 =	vadd.s32 v0, v3  }
0x256: {  	v14 =	vld [tilespmem:s10+$0x0];
	v3 =	vadd.s32 $0xFFFFFFFF, v2;
	vm4 =	vgt.s32 v8, $0x0;
	v1 =	vnsel vm0, $0x0, v1  }
0x257: {  	v15 =	vld [tilespmem:s10+$0xFFFFFFF0];
	vm0 =	vgt.s32 v3, $0x0;
	v8 =	vnsel vm4, $0x0, v8;
	v18 =	vadd.s32 v0, v1  }
0x258: {  	v21 =	vadd.s32 $0xFFFFFFFF, v17;
	v1 =	vld [tilespmem:s10+$0xFFFFFFD0];
	v20 =	vnsel vm0, $0x0, v3;
	v8 =	vadd.s32 v0, v8  }
0x259: {  	vm4 =	vgt.s32 v21, $0x0;
	vm0 =	vgt.s32 v2, $0x0;
	v3 =	vld [tilespmem:s10+$0xFFFFFFE0];
	v20 =	vadd.s32 v0, v20  }
0x25a: {  	v2 =	vtrunc.f32 v4;
	v4 =	vnsel vm3, $0x0, v9;
	v9 =	vnsel vm4, $0x0, v21;
	v21 =	vld.idx.msk [tilespmem:v12+s3+$0x0], $0xffff  }
0x25b: {  	v2 =	vcvt.f32.s32 v2;
	v14 =	vtrunc.f32 v14;
	[tilespmem:s9+$0xFFFFFF90] =	vst v4;
	v22 =	vadd.s32 v0, v9;
	v12 =	vld.idx.msk [tilespmem:v12+s13+$0x0], $0xffff  }
0x25c: {  	v9 =	vtrunc.f32 v15;
	v4 =	vcvt.f32.s32 v14;
	v14 =	vld.idx.msk [tilespmem:v18+s3+$0x0], $0xffff;
	v15 =	vnsel vm2, $0x0, v7  }
0x25d: {  	v5 =	vnsel vm3, $0x0, v5;
	v23 =	vadd.s32 $0xFFFFFFFF, v2;
	v7 =	vcvt.f32.s32 v9;
	v24 =	vld.idx.msk [tilespmem:v8+s3+$0x0], $0xffff;
	[tilespmem:s9+$0xFFFFFFF0] =	vst v15  }
0x25e: {  	vm3 =	vgt.s32 v23, $0x0;
	v15 =	vadd.s32 $0xFFFFFFFF, v4;
	[tilespmem:s5+$0xFFFFFF90] =	vst v5;
	v18 =	vld.idx.msk [tilespmem:v18+s13+$0x0], $0xffff;
	v5 =	vnsel vm1, $0x0, v13  }
0x25f: {  	vm5 =	vgt.s32 v10, $0x0;
	v13 =	vadd.s32 $0xFFFFFFFF, v7;
	vm4 =	vgt.s32 v15, $0x0;
	v25 =	vld.idx.msk [tilespmem:v8+s13+$0x0], $0xffff;
	[tilespmem:s9+$0x0] =	vst v5  }
0x260: {  	v8 =	vnsel vm3, $0x0, v23;
	v5 =	vnsel vm5, $0x0, v21;
	vm3 =	vgt.s32 v13, $0x0;
	v9 =	vld.idx.msk [tilespmem:v22+s13+$0x0], $0xffff  }
.Ltmp5:
0x261: {  	v13 =	vnsel vm3, $0x0, v13;
	v10 =	vld.idx.msk [tilespmem:v20+s13+$0x0], $0xffff;
	vm3 =	vgt.s32 v11, $0x0;
	[tilespmem:s9+$0xFFFFFFE0] =	vst v5;
	v11 =	vnsel vm5, $0x0, v12;
	(pc) =	sbr.rel @p0 .LBB2_13-.Ltmp5, $4  }
0x262: {  	vm5 =	vgt.s32 v6, $0x0;
	v5 =	vadd.s32 v0, v13;
	v6 =	vnsel vm3, $0x0, v14;
	v12 =	vld.idx.msk [tilespmem:v22+s3+$0x0], $0xffff;
	[tilespmem:s5+$0xFFFFFFE0] =	vst v11  }
0x263: {  	v8 =	vadd.s32 v0, v8;
	v13 =	vnsel vm4, $0x0, v15;
	v14 =	vnsel vm5, $0x0, v24;
	v11 =	vld.idx.msk [tilespmem:v20+s3+$0x0], $0xffff;
	[tilespmem:s9+$0xFFFFFFC0] =	vst v6  }
0x264: {  	v6 =	vadd.s32 v0, v13;
	v15 =	vld [tilespmem:s10+$0xFFFFFFC0];
	[tilespmem:s9+$0xFFFFFFB0] =	vst v14;
	v14 =	vnsel vm3, $0x0, v18;
	v18 =	vnsel vm2, $0x0, v16  }
0x265: {  	vm4 =	vgt.s32 v17, $0x0;
	v17 =	vnsel vm1, $0x0, v19;
	v13 =	vnsel vm5, $0x0, v25;
	v16 =	vld [tilespmem:s10+$0xFFFFFFB0];
	[tilespmem:s5+$0xFFFFFFF0] =	vst v18  }
0x266: {  	_ = 	snop  }
0x267: {  	v3 =	vtrunc.f32 v3  }
0x268: {  	vm1 =	vgt.s32 v7, $0x0;
	v3 =	vcvt.f32.s32 v3  }
0x269: {  	v19 =	vld [tilespmem:s10+$0xFFFFFFA0];
	v1 =	vtrunc.f32 v1;
	v9 =	vnsel vm4, $0x0, v9;
	v12 =	vnsel vm4, $0x0, v12  }
0x26a: {  	v15 =	vtrunc.f32 v15;
	v18 =	vadd.s32 $0xFFFFFFFF, v3;
	v16 =	vtrunc.f32 v16  }
0x26b: {  	v15 =	vcvt.f32.s32 v15;
	vm2 =	vgt.s32 v18, $0x0;
	v7 =	vcvt.f32.s32 v16  }
0x26c: {  	[tilespmem:s4+$0x0] =	vst v17;
	v1 =	vcvt.f32.s32 v1;
	v11 =	vnsel vm0, $0x0, v11;
	v18 =	vnsel vm2, $0x0, v18  }
0x26d: {  	[tilespmem:s4+$0xFFFFFFC0] =	vst v14;
	v14 =	vld.idx.msk [tilespmem:v8+s3+$0x0], $0xffff;
	v16 =	vadd.s32 $0xFFFFFFFF, v15;
	v18 =	vadd.s32 v0, v18;
	v20 =	vadd.s32 $0xFFFFFFFF, v7  }
0x26e: {  	v17 =	vld.idx.msk [tilespmem:v5+s3+$0x0], $0xffff;
	[tilespmem:s18+$0xFFFFFFD0] =	vst v12;
	v12 =	vtrunc.f32 v19;
	vm2 =	vgt.s32 v16, $0x0;
	vm3 =	vgt.s32 v20, $0x0  }
0x26f: {  	[tilespmem:s4+$0xFFFFFFB0] =	vst v13;
	v8 =	vld.idx.msk [tilespmem:v8+s13+$0x0], $0xffff;
	v16 =	vnsel vm2, $0x0, v16;
	vm2 =	vgt.s32 v4, $0x0;
	v4 =	vnsel vm0, $0x0, v10  }
0x270: {  	v5 =	vld.idx.msk [tilespmem:v5+s13+$0x0], $0xffff;
	[tilespmem:s18+$0xFFFFFFA0] =	vst v11;
	v10 =	vcvt.f32.s32 v12;
	v20 =	vnsel vm3, $0x0, v20;
	v16 =	vadd.s32 v0, v16  }
0x271: {  	v13 =	vld.idx.msk [tilespmem:v6+s3+$0x0], $0xffff;
	[tilespmem:s4+$0xFFFFFFD0] =	vst v9;
	vm0 =	vgt.s32 v2, $0x0;
	v2 =	vadd.s32 $0xFFFFFFFF, v1;
	v19 =	vadd.s32 v0, v20  }
0x272: {  	s9 =	sadd.s32 $0x80, s9;
	[tilespmem:s4+$0xFFFFFFA0] =	vst v4;
	vm3 =	vgt.s32 v2, $0x0;
	v11 =	vnsel vm0, $0x0, v14;
	v4 =	vld.idx.msk [tilespmem:v18+s3+$0x0], $0xffff  }
0x273: {  	v14 =	vnsel vm1, $0x0, v17;
	v9 =	vadd.s32 $0xFFFFFFFF, v10;
	v2 =	vnsel vm3, $0x0, v2;
	[tilespmem:s9+$0xFFFFFF90] =	vst v11;
	v12 =	vld.idx.msk [tilespmem:v18+s13+$0x0], $0xffff  }
0x274: {  	s15 =	sadd.s32 $0x80, s5;
	v6 =	vld.idx.msk [tilespmem:v6+s13+$0x0], $0xffff;
	v8 =	vnsel vm0, $0x0, v8;
	[tilespmem:s9+$0xFFFFFFF0] =	vst v14;
	vm4 =	vgt.s32 v9, $0x0;
	v2 =	vadd.s32 v0, v2  }
0x275: {  	v5 =	vnsel vm1, $0x0, v5;
	[tilespmem:s15+$0xFFFFFF90] =	vst v8;
	v9 =	vnsel vm4, $0x0, v9;
	v11 =	vld.idx.msk [tilespmem:v16+s3+$0x0], $0xffff  }
0x276: {  	vm0 =	vgt.s32 v3, $0x0;
	v8 =	vnsel vm2, $0x0, v13;
	[tilespmem:s15+$0xFFFFFFF0] =	vst v5;
	v9 =	vadd.s32 v0, v9;
	v17 =	vld.idx.msk [tilespmem:v19+s3+$0x0], $0xffff  }
0x277: {  	[tilespmem:s9+$0x0] =	vst v8;
	v3 =	vnsel vm0, $0x0, v4;
	v4 =	vld.idx.msk [tilespmem:v16+s13+$0x0], $0xffff  }
0x278: {  	v8 =	vld.idx.msk [tilespmem:v19+s13+$0x0], $0xffff;
	[tilespmem:s9+$0xFFFFFFE0] =	vst v3;
	v3 =	vnsel vm0, $0x0, v12  }
0x279: {  	vm3 =	vgt.s32 v15, $0x0;
	v5 =	vnsel vm2, $0x0, v6;
	[tilespmem:s15+$0xFFFFFFE0] =	vst v3;
	v3 =	vld.idx.msk [tilespmem:v2+s3+$0x0], $0xffff  }
0x27a: {  	[tilespmem:s15+$0x0] =	vst v5;
	vm0 =	vgt.s32 v7, $0x0;
	v2 =	vld.idx.msk [tilespmem:v2+s13+$0x0], $0xffff;
	v7 =	vnsel vm3, $0x0, v11  }
0x27b: {  	v11 =	vnsel vm0, $0x0, v17;
	[tilespmem:s9+$0xFFFFFFC0] =	vst v7;
	v7 =	vld.idx.msk [tilespmem:v9+s3+$0x0], $0xffff  }
0x27c: {  	v9 =	vld.idx.msk [tilespmem:v9+s13+$0x0], $0xffff;
	[tilespmem:s9+$0xFFFFFFB0] =	vst v11;
	v4 =	vnsel vm3, $0x0, v4  }
0x27d: {  	v5 =	vnsel vm0, $0x0, v8;
	vm0 =	vgt.s32 v1, $0x0;
	[tilespmem:s15+$0xFFFFFFC0] =	vst v4  }
0x27e: {  	[tilespmem:s15+$0xFFFFFFB0] =	vst v5;
	v1 =	vnsel vm0, $0x0, v3  }
0x27f: {  	vm1 =	vgt.s32 v10, $0x0;
	v2 =	vnsel vm0, $0x0, v2;
	[tilespmem:s9+$0xFFFFFFD0] =	vst v1  }
0x280: {  	v3 =	vnsel vm1, $0x0, v7;
	[tilespmem:s15+$0xFFFFFFD0] =	vst v2  }
0x281: {  	v1 =	vnsel vm1, $0x0, v9;
	[tilespmem:s9+$0xFFFFFFA0] =	vst v3  }
0x282: {  	s0 =	sadd.s32 s7, s0;
	s18 =	sadd.s32 $0x3D400, s30;
	[tilespmem:s15+$0xFFFFFFA0] =	vst v1  }
0x283: {  	[hbm4b:s0+s11] =	stream.strided.scatter [tilespmem:s22], [sflag:$0x5], $0x1880, s12, s11, $0x38;
	[tilespmem:$0x16F80] =	vst v63  }
0x284: {  	s0 =	sshrl.u32 s18, $0x3  }
0x285: {  	s0 =	sadd.s32 s7, s0  }
0x286: {  	[hbm4b:s0+s11] =	stream.strided.scatter [tilespmem:s23], [sflag:$0x5], $0x1880, s12, s11, $0x38;
	[tilespmem:$0x16F80] =	vst v63  }
0x287: {  	_ =	swait.ge [sflag:s17], $0x1880  }
0x288: {  	[sflag:s17] =	ssyncset.done $0x0  }
0x289: {  	[sflag:s17] =	ssyncadd.s32 $0xFFFFE780  }
0x28a: {  	_ =	swait.ge [sflag:s25], $0x1880  }
0x28b: {  	[sflag:s25] =	ssyncset.done $0x0  }
0x28c: {  	[sflag:s25] =	ssyncadd.s32 $0xFFFFE780  }
0x28d: {  	_ =	swait.ge [sflag:s25], $0x1880  }
0x28e: {  	[sflag:s25] =	ssyncset.done $0x0  }
0x28f: {  	s31 =	simm.s32 $0xC440;
	[sflag:s25] =	ssyncadd.s32 $0xFFFFE780  }
0x290: {  	v1 =	vld [tilespmem:s31+$0x20]  }
0x291: {  	v2 =	vld [tilespmem:s31+$0xFFFFFFC0]  }
0x292: {  	v3 =	vld [tilespmem:s31+$0x30];
	_ =	sdelay $0x2  }
0x293: {  	v1 =	vtrunc.f32 v1  }
0x294: {  	v2 =	vtrunc.f32 v2;
	v1 =	vcvt.f32.s32 v1  }
0x295: {  	v3 =	vtrunc.f32 v3;
	v2 =	vcvt.f32.s32 v2  }
0x296: {  	v7 =	vld [tilespmem:s31+$0x10];
	v3 =	vcvt.f32.s32 v3;
	v4 =	vadd.s32 $0xFFFFFFFF, v1  }
0x297: {  	v8 =	vld [tilespmem:s31+$0x0];
	v5 =	vadd.s32 $0xFFFFFFFF, v2;
	vm0 =	vgt.s32 v4, $0x0  }
0x298: {  	v9 =	vld [tilespmem:s31+$0xFFFFFFF0];
	v6 =	vadd.s32 $0xFFFFFFFF, v3;
	vm1 =	vgt.s32 v5, $0x0;
	v4 =	vnsel vm0, $0x0, v4  }
0x299: {  	vm0 =	vgt.s32 v6, $0x0;
	v5 =	vnsel vm1, $0x0, v5;
	v4 =	vadd.s32 v0, v4  }
0x29a: {  	v10 =	vld [tilespmem:s31+$0xFFFFFFE0];
	v5 =	vadd.s32 v0, v5;
	v6 =	vnsel vm0, $0x0, v6  }
0x29b: {  	s9 =	simm.s32 $0xC4C0;
	v11 =	vld [tilespmem:s31+$0xFFFFFFD0];
	vm2 =	vgt.s32 v1, $0x0;
	v1 =	vtrunc.f32 v7;
	v6 =	vadd.s32 v0, v6  }
0x29c: {  	v14 =	vld [tilespmem:s9+$0x30];
	vm1 =	vgt.s32 v3, $0x0;
	v3 =	vtrunc.f32 v8;
	v8 =	vcvt.f32.s32 v1  }
0x29d: {  	v19 =	vld [tilespmem:s9+$0x20];
	v1 =	vtrunc.f32 v9  }
0x29e: {  	v13 =	vcvt.f32.s32 v1;
	v1 =	vadd.s32 $0xFFFFFFFF, v8;
	v7 =	vld.idx.msk [tilespmem:v4+s3+$0x0], $0xffff  }
0x29f: {  	vm3 =	vgt.s32 v2, $0x0;
	vm0 =	vgt.s32 v1, $0x0;
	v12 =	vld.idx.msk [tilespmem:v5+s3+$0x0], $0xffff  }
0x2a0: {  	v2 =	vtrunc.f32 v10;
	v17 =	vcvt.f32.s32 v3;
	v1 =	vnsel vm0, $0x0, v1;
	v9 =	vld.idx.msk [tilespmem:v6+s3+$0x0], $0xffff  }
0x2a1: {  	v3 =	vtrunc.f32 v11;
	v11 =	vadd.s32 v0, v1;
	v18 =	vld.idx.msk [tilespmem:v6+s13+$0x0], $0xffff;
	v6 =	vcvt.f32.s32 v2  }
0x2a2: {  	v16 =	vld.idx.msk [tilespmem:v4+s13+$0x0], $0xffff;
	v2 =	vcvt.f32.s32 v3;
	v3 =	vadd.s32 $0xFFFFFFFF, v13  }
0x2a3: {  	v14 =	vtrunc.f32 v14;
	v4 =	vld [tilespmem:s9+$0xFFFFFFC0];
	vm0 =	vgt.s32 v3, $0x0;
	v10 =	vadd.s32 $0xFFFFFFFF, v6  }
0x2a4: {  	v15 =	vadd.s32 $0xFFFFFFFF, v2;
	v1 =	vnsel vm0, $0x0, v3;
	vm4 =	vgt.s32 v10, $0x0  }
0x2a5: {  	v5 =	vld.idx.msk [tilespmem:v5+s13+$0x0], $0xffff;
	vm0 =	vgt.s32 v15, $0x0;
	v3 =	vnsel vm4, $0x0, v10;
	v10 =	vadd.s32 v0, v1  }
0x2a6: {  	v19 =	vtrunc.f32 v19;
	v21 =	vadd.s32 $0xFFFFFFFF, v17;
	v62 =	vld.idx.msk [tilespmem:v11+s3+$0x0], $0xffff;
	v15 =	vnsel vm0, $0x0, v15  }
0x2a7: {  	v11 =	vld.idx.msk [tilespmem:v11+s13+$0x0], $0xffff;
	vm0 =	vgt.s32 v2, $0x0;
	vm4 =	vgt.s32 v21, $0x0;
	v61 =	vadd.s32 v0, v3  }
0x2a8: {  	v1 =	vld [tilespmem:s9+$0x0];
	v2 =	vtrunc.f32 v4;
	v12 =	vnsel vm3, $0x0, v12;
	v23 =	vnsel vm2, $0x0, v7  }
0x2a9: {  	v7 =	vcvt.f32.s32 v19;
	v3 =	vld [tilespmem:s9+$0x10];
	v15 =	vadd.s32 v0, v15;
	v4 =	vnsel vm4, $0x0, v21  }
0x2aa: {  	s0 =	simm.s32 $0x10DC0;
	v2 =	vcvt.f32.s32 v2;
	v22 =	vadd.s32 v0, v4;
	v4 =	vcvt.f32.s32 v14;
	v14 =	vld.idx.msk [tilespmem:v10+s3+$0x0], $0xffff  }
0x2ab: {  	s4 =	simm.s32 $0x13EC0;
	vm5 =	vgt.s32 v8, $0x0;
	v5 =	vnsel vm3, $0x0, v5;
	[tilespmem:s0+$0xFFFFFFC0] =	vst v12;
	v24 =	vld.idx.msk [tilespmem:v10+s13+$0x0], $0xffff  }
0x2ac: {  	v9 =	vnsel vm1, $0x0, v9;
	[tilespmem:s4+$0xFFFFFFC0] =	vst v5;
	v5 =	vadd.s32 $0xFFFFFFFF, v7;
	v12 =	vadd.s32 $0xFFFFFFFF, v2;
	v19 =	vld.idx.msk [tilespmem:v61+s3+$0x0], $0xffff  }
0x2ad: {  	[tilespmem:s0+$0x20] =	vst v23;
	vm3 =	vgt.s32 v12, $0x0;
	v63 =	vadd.s32 $0xFFFFFFFF, v4;
	v11 =	vnsel vm5, $0x0, v11;
	v20 =	vld.idx.msk [tilespmem:v61+s13+$0x0], $0xffff  }
0x2ae: {  	[tilespmem:s0+$0x30] =	vst v9;
	v8 =	vnsel vm3, $0x0, v12;
	vm3 =	vgt.s32 v5, $0x0;
	v12 =	vnsel vm5, $0x0, v62;
	v10 =	vld.idx.msk [tilespmem:v15+s13+$0x0], $0xffff  }
0x2af: {  	vm4 =	vgt.s32 v63, $0x0;
	v5 =	vnsel vm3, $0x0, v5;
	vm3 =	vgt.s32 v13, $0x0;
	[tilespmem:s0+$0x10] =	vst v12;
	v9 =	vld.idx.msk [tilespmem:v22+s13+$0x0], $0xffff  }
0x2b0: {  	vm5 =	vgt.s32 v6, $0x0;
	v5 =	vadd.s32 v0, v5;
	v12 =	vld.idx.msk [tilespmem:v22+s3+$0x0], $0xffff;
	[tilespmem:s4+$0x10] =	vst v11;
	v6 =	vnsel vm3, $0x0, v14  }
0x2b1: {  	v8 =	vadd.s32 v0, v8;
	v13 =	vnsel vm4, $0x0, v63;
	v11 =	vld.idx.msk [tilespmem:v15+s3+$0x0], $0xffff;
	v14 =	vnsel vm5, $0x0, v19;
	[tilespmem:s0+$0xFFFFFFF0] =	vst v6  }
0x2b2: {  	vm4 =	vgt.s32 v17, $0x0;
	v15 =	vld [tilespmem:s9+$0xFFFFFFF0];
	v6 =	vadd.s32 v0, v13;
	v19 =	vnsel vm2, $0x0, v16;
	[tilespmem:s0+$0xFFFFFFE0] =	vst v14  }
0x2b3: {  	s5 =	simm.s32 $0x13EC0;
	s10 =	simm.s32 $0x10DC0;
	s15 =	simm.s32 $0x8;
	v17 =	vnsel vm1, $0x0, v18;
	v16 =	vld [tilespmem:s9+$0xFFFFFFE0];
	v13 =	vnsel vm5, $0x0, v20;
	v14 =	vnsel vm3, $0x0, v24;
	[tilespmem:s4+$0x20] =	vst v19  }
.LBB2_15:
0x2b4: {  	s15 =	sadd.s32 $0x8, s15;
	v18 =	vld [tilespmem:s9+$0xFFFFFFD0];
	vm2 =	vgt.s32 v7, $0x0;
	vm1 =	vgt.s32 v4, $0x0;
	v4 =	vnsel vm4, $0x0, v9;
	[tilespmem:s4+$0x30] =	vst v17;
	s0 =	sadd.s32 $0x80, s0;
	s5 =	sadd.s32 $0x80, s5  }
0x2b5: {  	vm3 =	vgt.s32 v2, $0x0;
	v2 =	vtrunc.f32 v3;
	v3 =	vnsel vm0, $0x0, v10;
	p0 =	slt.u32 s15, $0x180;
	v7 =	vld.idx.msk [tilespmem:v5+s3+$0x0], $0xffff;
	[tilespmem:s4+$0xFFFFFFF0] =	vst v14  }
0x2b6: {  	v1 =	vtrunc.f32 v1;
	v10 =	vcvt.f32.s32 v2;
	v2 =	vnsel vm4, $0x0, v12;
	v9 =	vld.idx.msk [tilespmem:v8+s3+$0x0], $0xffff;
	[tilespmem:s4+$0xFFFFFFE0] =	vst v13  }
0x2b7: {  	v17 =	vcvt.f32.s32 v1;
	v1 =	vnsel vm0, $0x0, v11;
	v12 =	vtrunc.f32 v15;
	v13 =	vld.idx.msk [tilespmem:v6+s3+$0x0], $0xffff;
	[tilespmem:s10+$0x0] =	vst v2  }
0x2b8: {  	v2 =	vtrunc.f32 v16;
	v11 =	vcvt.f32.s32 v12;
	v12 =	vadd.s32 $0xFFFFFFFF, v10;
	v19 =	vld.idx.msk [tilespmem:v6+s13+$0x0], $0xffff;
	[tilespmem:s10+$0xFFFFFFD0] =	vst v1;
	s10 =	smov.u32 s0  }
0x2b9: {  	v1 =	vtrunc.f32 v18;
	v6 =	vcvt.f32.s32 v2;
	vm0 =	vgt.s32 v12, $0x0;
	v16 =	vld.idx.msk [tilespmem:v5+s13+$0x0], $0xffff;
	[tilespmem:s4+$0xFFFFFFD0] =	vst v3  }
0x2ba: {  	s9 =	sadd.s32 $0x80, s9;
	v5 =	vld.idx.msk [tilespmem:v8+s13+$0x0], $0xffff;
	v2 =	vcvt.f32.s32 v1;
	v1 =	vadd.s32 $0xFFFFFFFF, v11;
	v3 =	vnsel vm0, $0x0, v12;
	[tilespmem:s4+$0x0] =	vst v4;
	s4 =	smov.u32 s5  }
0x2bb: {  	v4 =	vld [tilespmem:s9+$0xFFFFFFC0];
	v8 =	vadd.s32 $0xFFFFFFFF, v6;
	vm0 =	vgt.s32 v1, $0x0;
	v12 =	vadd.s32 v0, v3  }
0x2bc: {  	v14 =	vld [tilespmem:s9+$0x30];
	v3 =	vadd.s32 $0xFFFFFFFF, v2;
	vm4 =	vgt.s32 v8, $0x0;
	v1 =	vnsel vm0, $0x0, v1  }
0x2bd: {  	v15 =	vld [tilespmem:s9+$0x20];
	vm0 =	vgt.s32 v3, $0x0;
	v8 =	vnsel vm4, $0x0, v8;
	v18 =	vadd.s32 v0, v1  }
0x2be: {  	v21 =	vadd.s32 $0xFFFFFFFF, v17;
	v1 =	vld [tilespmem:s9+$0x0];
	v20 =	vnsel vm0, $0x0, v3;
	v8 =	vadd.s32 v0, v8  }
0x2bf: {  	vm4 =	vgt.s32 v21, $0x0;
	vm0 =	vgt.s32 v2, $0x0;
	v3 =	vld [tilespmem:s9+$0x10];
	v20 =	vadd.s32 v0, v20  }
0x2c0: {  	v2 =	vtrunc.f32 v4;
	v4 =	vnsel vm3, $0x0, v9;
	v9 =	vnsel vm4, $0x0, v21;
	v21 =	vld.idx.msk [tilespmem:v12+s3+$0x0], $0xffff  }
0x2c1: {  	v2 =	vcvt.f32.s32 v2;
	v14 =	vtrunc.f32 v14;
	[tilespmem:s0+$0xFFFFFFC0] =	vst v4;
	v22 =	vadd.s32 v0, v9;
	v12 =	vld.idx.msk [tilespmem:v12+s13+$0x0], $0xffff  }
0x2c2: {  	v9 =	vtrunc.f32 v15;
	v4 =	vcvt.f32.s32 v14;
	v14 =	vld.idx.msk [tilespmem:v18+s3+$0x0], $0xffff;
	v15 =	vnsel vm2, $0x0, v7  }
0x2c3: {  	v5 =	vnsel vm3, $0x0, v5;
	v23 =	vadd.s32 $0xFFFFFFFF, v2;
	v7 =	vcvt.f32.s32 v9;
	v24 =	vld.idx.msk [tilespmem:v8+s3+$0x0], $0xffff;
	[tilespmem:s0+$0x20] =	vst v15  }
0x2c4: {  	vm3 =	vgt.s32 v23, $0x0;
	v15 =	vadd.s32 $0xFFFFFFFF, v4;
	[tilespmem:s5+$0xFFFFFFC0] =	vst v5;
	v18 =	vld.idx.msk [tilespmem:v18+s13+$0x0], $0xffff;
	v5 =	vnsel vm1, $0x0, v13  }
0x2c5: {  	vm5 =	vgt.s32 v10, $0x0;
	v13 =	vadd.s32 $0xFFFFFFFF, v7;
	vm4 =	vgt.s32 v15, $0x0;
	v25 =	vld.idx.msk [tilespmem:v8+s13+$0x0], $0xffff;
	[tilespmem:s0+$0x30] =	vst v5  }
0x2c6: {  	v8 =	vnsel vm3, $0x0, v23;
	v5 =	vnsel vm5, $0x0, v21;
	vm3 =	vgt.s32 v13, $0x0;
	v9 =	vld.idx.msk [tilespmem:v22+s13+$0x0], $0xffff  }
.Ltmp6:
0x2c7: {  	v13 =	vnsel vm3, $0x0, v13;
	v10 =	vld.idx.msk [tilespmem:v20+s13+$0x0], $0xffff;
	vm3 =	vgt.s32 v11, $0x0;
	[tilespmem:s0+$0x10] =	vst v5;
	v11 =	vnsel vm5, $0x0, v12;
	(pc) =	sbr.rel @p0 .LBB2_15-.Ltmp6, $4  }
0x2c8: {  	vm5 =	vgt.s32 v6, $0x0;
	v5 =	vadd.s32 v0, v13;
	v6 =	vnsel vm3, $0x0, v14;
	v12 =	vld.idx.msk [tilespmem:v22+s3+$0x0], $0xffff;
	[tilespmem:s5+$0x10] =	vst v11  }
0x2c9: {  	v8 =	vadd.s32 v0, v8;
	v13 =	vnsel vm4, $0x0, v15;
	v14 =	vnsel vm5, $0x0, v24;
	v11 =	vld.idx.msk [tilespmem:v20+s3+$0x0], $0xffff;
	[tilespmem:s0+$0xFFFFFFF0] =	vst v6  }
0x2ca: {  	v6 =	vadd.s32 v0, v13;
	v15 =	vld [tilespmem:s9+$0xFFFFFFF0];
	[tilespmem:s0+$0xFFFFFFE0] =	vst v14;
	v14 =	vnsel vm3, $0x0, v18;
	v18 =	vnsel vm2, $0x0, v16  }
0x2cb: {  	vm4 =	vgt.s32 v17, $0x0;
	v17 =	vnsel vm1, $0x0, v19;
	v13 =	vnsel vm5, $0x0, v25;
	v16 =	vld [tilespmem:s9+$0xFFFFFFE0];
	[tilespmem:s5+$0x20] =	vst v18  }
0x2cc: {  	_ = 	snop  }
0x2cd: {  	v3 =	vtrunc.f32 v3  }
0x2ce: {  	vm1 =	vgt.s32 v7, $0x0;
	v3 =	vcvt.f32.s32 v3  }
0x2cf: {  	v19 =	vld [tilespmem:s9+$0xFFFFFFD0];
	v1 =	vtrunc.f32 v1;
	v9 =	vnsel vm4, $0x0, v9;
	v12 =	vnsel vm4, $0x0, v12  }
0x2d0: {  	v15 =	vtrunc.f32 v15;
	v18 =	vadd.s32 $0xFFFFFFFF, v3;
	v16 =	vtrunc.f32 v16  }
0x2d1: {  	v15 =	vcvt.f32.s32 v15;
	vm2 =	vgt.s32 v18, $0x0;
	v7 =	vcvt.f32.s32 v16  }
0x2d2: {  	[tilespmem:s4+$0x30] =	vst v17;
	v1 =	vcvt.f32.s32 v1;
	v11 =	vnsel vm0, $0x0, v11;
	v18 =	vnsel vm2, $0x0, v18  }
0x2d3: {  	[tilespmem:s4+$0xFFFFFFF0] =	vst v14;
	v14 =	vld.idx.msk [tilespmem:v8+s3+$0x0], $0xffff;
	v16 =	vadd.s32 $0xFFFFFFFF, v15;
	v18 =	vadd.s32 v0, v18;
	v20 =	vadd.s32 $0xFFFFFFFF, v7  }
0x2d4: {  	v17 =	vld.idx.msk [tilespmem:v5+s3+$0x0], $0xffff;
	[tilespmem:s10+$0x0] =	vst v12;
	v12 =	vtrunc.f32 v19;
	vm2 =	vgt.s32 v16, $0x0;
	vm3 =	vgt.s32 v20, $0x0  }
0x2d5: {  	[tilespmem:s4+$0xFFFFFFE0] =	vst v13;
	v8 =	vld.idx.msk [tilespmem:v8+s13+$0x0], $0xffff;
	v16 =	vnsel vm2, $0x0, v16;
	vm2 =	vgt.s32 v4, $0x0;
	v4 =	vnsel vm0, $0x0, v10  }
0x2d6: {  	v5 =	vld.idx.msk [tilespmem:v5+s13+$0x0], $0xffff;
	[tilespmem:s10+$0xFFFFFFD0] =	vst v11;
	v10 =	vcvt.f32.s32 v12;
	v20 =	vnsel vm3, $0x0, v20;
	v16 =	vadd.s32 v0, v16  }
0x2d7: {  	v13 =	vld.idx.msk [tilespmem:v6+s3+$0x0], $0xffff;
	[tilespmem:s4+$0x0] =	vst v9;
	vm0 =	vgt.s32 v2, $0x0;
	v2 =	vadd.s32 $0xFFFFFFFF, v1;
	v19 =	vadd.s32 v0, v20  }
0x2d8: {  	s0 =	sadd.s32 $0x80, s0;
	[tilespmem:s4+$0xFFFFFFD0] =	vst v4;
	vm3 =	vgt.s32 v2, $0x0;
	v11 =	vnsel vm0, $0x0, v14;
	v4 =	vld.idx.msk [tilespmem:v18+s3+$0x0], $0xffff  }
0x2d9: {  	v14 =	vnsel vm1, $0x0, v17;
	v9 =	vadd.s32 $0xFFFFFFFF, v10;
	v2 =	vnsel vm3, $0x0, v2;
	[tilespmem:s0+$0xFFFFFFC0] =	vst v11;
	v12 =	vld.idx.msk [tilespmem:v18+s13+$0x0], $0xffff  }
0x2da: {  	v6 =	vld.idx.msk [tilespmem:v6+s13+$0x0], $0xffff;
	s10 =	sadd.s32 $0x80, s5;
	v8 =	vnsel vm0, $0x0, v8;
	[tilespmem:s0+$0x20] =	vst v14;
	vm4 =	vgt.s32 v9, $0x0;
	v2 =	vadd.s32 v0, v2  }
0x2db: {  	v5 =	vnsel vm1, $0x0, v5;
	[tilespmem:s10+$0xFFFFFFC0] =	vst v8;
	v9 =	vnsel vm4, $0x0, v9;
	v11 =	vld.idx.msk [tilespmem:v16+s3+$0x0], $0xffff  }
0x2dc: {  	vm0 =	vgt.s32 v3, $0x0;
	v8 =	vnsel vm2, $0x0, v13;
	[tilespmem:s10+$0x20] =	vst v5;
	v9 =	vadd.s32 v0, v9;
	v17 =	vld.idx.msk [tilespmem:v19+s3+$0x0], $0xffff  }
0x2dd: {  	[tilespmem:s0+$0x30] =	vst v8;
	v3 =	vnsel vm0, $0x0, v4;
	v4 =	vld.idx.msk [tilespmem:v16+s13+$0x0], $0xffff  }
0x2de: {  	v8 =	vld.idx.msk [tilespmem:v19+s13+$0x0], $0xffff;
	[tilespmem:s0+$0x10] =	vst v3;
	v3 =	vnsel vm0, $0x0, v12  }
0x2df: {  	vm3 =	vgt.s32 v15, $0x0;
	v5 =	vnsel vm2, $0x0, v6;
	[tilespmem:s10+$0x10] =	vst v3;
	v3 =	vld.idx.msk [tilespmem:v2+s3+$0x0], $0xffff  }
0x2e0: {  	[tilespmem:s10+$0x30] =	vst v5;
	vm0 =	vgt.s32 v7, $0x0;
	v2 =	vld.idx.msk [tilespmem:v2+s13+$0x0], $0xffff;
	v7 =	vnsel vm3, $0x0, v11  }
0x2e1: {  	v11 =	vnsel vm0, $0x0, v17;
	[tilespmem:s0+$0xFFFFFFF0] =	vst v7;
	v7 =	vld.idx.msk [tilespmem:v9+s3+$0x0], $0xffff  }
0x2e2: {  	v9 =	vld.idx.msk [tilespmem:v9+s13+$0x0], $0xffff;
	[tilespmem:s0+$0xFFFFFFE0] =	vst v11;
	v4 =	vnsel vm3, $0x0, v4  }
0x2e3: {  	v5 =	vnsel vm0, $0x0, v8;
	vm0 =	vgt.s32 v1, $0x0;
	[tilespmem:s10+$0xFFFFFFF0] =	vst v4  }
0x2e4: {  	[tilespmem:s10+$0xFFFFFFE0] =	vst v5;
	v1 =	vnsel vm0, $0x0, v3  }
0x2e5: {  	vm1 =	vgt.s32 v10, $0x0;
	v2 =	vnsel vm0, $0x0, v2;
	[tilespmem:s0+$0x0] =	vst v1  }
0x2e6: {  	v3 =	vnsel vm1, $0x0, v7;
	[tilespmem:s10+$0x0] =	vst v2  }
0x2e7: {  	s18 =	sadd.s32 $0x49800, s30;
	v1 =	vnsel vm1, $0x0, v9;
	[tilespmem:s0+$0xFFFFFFD0] =	vst v3  }
0x2e8: {  	s15 =	sadd.s32 s7, s8;
	s0 =	sshrl.u32 s18, $0x3;
	[tilespmem:s10+$0xFFFFFFD0] =	vst v1  }
0x2e9: {  	[hbm4b:s15+s11] =	stream.strided.scatter [tilespmem:s19], [sflag:$0x4], $0x1880, s12, s11, $0x38;
	[tilespmem:$0x16F80] =	vst v63  }
0x2ea: {  	s0 =	sadd.s32 s7, s0  }
0x2eb: {  	[hbm4b:s0+s11] =	stream.strided.scatter [tilespmem:s20], [sflag:$0x4], $0x1880, s12, s11, $0x38;
	[tilespmem:$0x16F80] =	vst v63  }
0x2ec: {  	_ =	swait.ge [sflag:s21], $0x1880  }
0x2ed: {  	[sflag:s21] =	ssyncset.done $0x0  }
0x2ee: {  	[sflag:s21] =	ssyncadd.s32 $0xFFFFE780  }
0x2ef: {  	_ =	swait.ge [sflag:s26], $0x1880  }
0x2f0: {  	[sflag:s26] =	ssyncset.done $0x0  }
0x2f1: {  	[sflag:s26] =	ssyncadd.s32 $0xFFFFE780  }
0x2f2: {  	_ =	swait.ge [sflag:s26], $0x1880  }
0x2f3: {  	[sflag:s26] =	ssyncset.done $0x0  }
0x2f4: {  	s31 =	simm.s32 $0xDCF0;
	[sflag:s26] =	ssyncadd.s32 $0xFFFFE780  }
0x2f5: {  	v1 =	vld [tilespmem:s31+$0xFFFFFFF0]  }
0x2f6: {  	v2 =	vld [tilespmem:s31+$0xFFFFFF90];
	_ =	sdelay $0x1  }
0x2f7: {  	v3 =	vld [tilespmem:s31+$0x0];
	_ =	sdelay $0x1  }
0x2f8: {  	v1 =	vtrunc.f32 v1  }
0x2f9: {  	v2 =	vtrunc.f32 v2;
	v1 =	vcvt.f32.s32 v1  }
0x2fa: {  	v2 =	vcvt.f32.s32 v2  }
0x2fb: {  	v3 =	vtrunc.f32 v3;
	v4 =	vadd.s32 $0xFFFFFFFF, v1  }
0x2fc: {  	v7 =	vld [tilespmem:s31+$0xFFFFFFE0];
	v3 =	vcvt.f32.s32 v3;
	v5 =	vadd.s32 $0xFFFFFFFF, v2;
	vm0 =	vgt.s32 v4, $0x0  }
0x2fd: {  	v8 =	vld [tilespmem:s31+$0xFFFFFFD0];
	vm1 =	vgt.s32 v5, $0x0;
	v4 =	vnsel vm0, $0x0, v4  }
0x2fe: {  	v9 =	vld [tilespmem:s31+$0xFFFFFFC0];
	v6 =	vadd.s32 $0xFFFFFFFF, v3;
	v5 =	vnsel vm1, $0x0, v5;
	v4 =	vadd.s32 v0, v4  }
0x2ff: {  	vm0 =	vgt.s32 v6, $0x0;
	v5 =	vadd.s32 v0, v5  }
0x300: {  	v10 =	vld [tilespmem:s31+$0xFFFFFFB0];
	v6 =	vnsel vm0, $0x0, v6  }
0x301: {  	s8 =	simm.s32 $0xDD70;
	v11 =	vld [tilespmem:s31+$0xFFFFFFA0];
	vm2 =	vgt.s32 v1, $0x0;
	v1 =	vtrunc.f32 v7;
	v6 =	vadd.s32 v0, v6  }
0x302: {  	v14 =	vld [tilespmem:s8+$0x0];
	v12 =	vcvt.f32.s32 v1  }
0x303: {  	v8 =	vtrunc.f32 v8;
	v1 =	vtrunc.f32 v9;
	v7 =	vld.idx.msk [tilespmem:v4+s3+$0x0], $0xffff  }
0x304: {  	vm1 =	vgt.s32 v3, $0x0;
	v13 =	vcvt.f32.s32 v1;
	v1 =	vadd.s32 $0xFFFFFFFF, v12;
	v3 =	vld.idx.msk [tilespmem:v5+s3+$0x0], $0xffff  }
0x305: {  	v17 =	vcvt.f32.s32 v8;
	vm0 =	vgt.s32 v1, $0x0;
	v16 =	vld.idx.msk [tilespmem:v4+s13+$0x0], $0xffff  }
0x306: {  	vm3 =	vgt.s32 v2, $0x0;
	v2 =	vtrunc.f32 v10;
	v1 =	vnsel vm0, $0x0, v1;
	v8 =	vld.idx.msk [tilespmem:v6+s3+$0x0], $0xffff  }
0x307: {  	v10 =	vadd.s32 v0, v1;
	v18 =	vld.idx.msk [tilespmem:v6+s13+$0x0], $0xffff;
	v6 =	vtrunc.f32 v11;
	v11 =	vcvt.f32.s32 v2  }
0x308: {  	v9 =	vld.idx.msk [tilespmem:v5+s13+$0x0], $0xffff;
	v4 =	vadd.s32 $0xFFFFFFFF, v13  }
0x309: {  	v5 =	vld [tilespmem:s8+$0xFFFFFF90];
	vm0 =	vgt.s32 v4, $0x0;
	v2 =	vcvt.f32.s32 v6;
	v6 =	vadd.s32 $0xFFFFFFFF, v11  }
0x30a: {  	v21 =	vadd.s32 $0xFFFFFFFF, v17;
	v1 =	vnsel vm0, $0x0, v4;
	vm4 =	vgt.s32 v6, $0x0  }
0x30b: {  	v19 =	vld [tilespmem:s8+$0xFFFFFFF0];
	v15 =	vadd.s32 $0xFFFFFFFF, v2;
	v4 =	vnsel vm4, $0x0, v6;
	v6 =	vadd.s32 v0, v1  }
0x30c: {  	v14 =	vtrunc.f32 v14;
	v63 =	vld.idx.msk [tilespmem:v10+s3+$0x0], $0xffff;
	vm0 =	vgt.s32 v15, $0x0;
	vm4 =	vgt.s32 v21, $0x0  }
0x30d: {  	v23 =	vld.idx.msk [tilespmem:v10+s13+$0x0], $0xffff;
	v15 =	vnsel vm0, $0x0, v15;
	v62 =	vadd.s32 v0, v4;
	vm0 =	vgt.s32 v2, $0x0  }
0x30e: {  	v1 =	vld [tilespmem:s8+$0xFFFFFFD0];
	v2 =	vtrunc.f32 v5;
	v5 =	vnsel vm3, $0x0, v3;
	v3 =	vnsel vm4, $0x0, v21  }
0x30f: {  	vm5 =	vgt.s32 v12, $0x0;
	v4 =	vld [tilespmem:s8+$0xFFFFFFE0];
	v2 =	vcvt.f32.s32 v2;
	v22 =	vadd.s32 v0, v3  }
0x310: {  	s0 =	simm.s32 $0x12670;
	v10 =	vtrunc.f32 v19;
	v15 =	vadd.s32 v0, v15;
	v3 =	vcvt.f32.s32 v14;
	v14 =	vld.idx.msk [tilespmem:v6+s3+$0x0], $0xffff  }
0x311: {  	v7 =	vnsel vm2, $0x0, v7;
	[tilespmem:s0+$0xFFFFFF90] =	vst v5;
	v5 =	vcvt.f32.s32 v10;
	v19 =	vadd.s32 $0xFFFFFFFF, v2;
	v25 =	vld.idx.msk [tilespmem:v6+s13+$0x0], $0xffff  }
0x312: {  	s4 =	simm.s32 $0x15770;
	v9 =	vnsel vm3, $0x0, v9;
	[tilespmem:s0+$0xFFFFFFF0] =	vst v7;
	v7 =	vadd.s32 $0xFFFFFFFF, v3;
	vm3 =	vgt.s32 v19, $0x0;
	v24 =	vld.idx.msk [tilespmem:v62+s3+$0x0], $0xffff  }
0x313: {  	[tilespmem:s4+$0xFFFFFF90] =	vst v9;
	v6 =	vnsel vm1, $0x0, v8;
	v8 =	vadd.s32 $0xFFFFFFFF, v5;
	vm4 =	vgt.s32 v7, $0x0;
	v20 =	vld.idx.msk [tilespmem:v62+s13+$0x0], $0xffff  }
0x314: {  	[tilespmem:s0+$0x0] =	vst v6;
	v19 =	vnsel vm3, $0x0, v19;
	vm3 =	vgt.s32 v8, $0x0;
	v6 =	vnsel vm5, $0x0, v63;
	v10 =	vld.idx.msk [tilespmem:v22+s13+$0x0], $0xffff  }
0x315: {  	v8 =	vnsel vm3, $0x0, v8;
	v9 =	vld.idx.msk [tilespmem:v15+s13+$0x0], $0xffff;
	vm3 =	vgt.s32 v13, $0x0;
	[tilespmem:s0+$0xFFFFFFE0] =	vst v6;
	v13 =	vnsel vm5, $0x0, v23  }
0x316: {  	v12 =	vld.idx.msk [tilespmem:v22+s3+$0x0], $0xffff;
	v6 =	vadd.s32 v0, v8;
	[tilespmem:s4+$0xFFFFFFE0] =	vst v13;
	v8 =	vadd.s32 v0, v19;
	v19 =	vnsel vm2, $0x0, v16  }
0x317: {  	v7 =	vnsel vm4, $0x0, v7;
	vm5 =	vgt.s32 v11, $0x0;
	v11 =	vld.idx.msk [tilespmem:v15+s3+$0x0], $0xffff;
	[tilespmem:s4+$0xFFFFFFF0] =	vst v19;
	v14 =	vnsel vm3, $0x0, v14  }
0x318: {  	vm4 =	vgt.s32 v17, $0x0;
	v15 =	vld [tilespmem:s8+$0xFFFFFFC0];
	v7 =	vadd.s32 v0, v7;
	v13 =	vnsel vm5, $0x0, v24;
	[tilespmem:s0+$0xFFFFFFC0] =	vst v14  }
0x319: {  	s9 =	simm.s32 $0x15770;
	s5 =	simm.s32 $0x12670;
	s10 =	simm.s32 $0x8;
	v17 =	vnsel vm1, $0x0, v18;
	v16 =	vld [tilespmem:s8+$0xFFFFFFB0];
	v14 =	vnsel vm3, $0x0, v25;
	[tilespmem:s0+$0xFFFFFFB0] =	vst v13;
	v13 =	vnsel vm5, $0x0, v20  }
.LBB2_17:
0x31a: {  	s10 =	sadd.s32 $0x8, s10;
	v18 =	vld [tilespmem:s8+$0xFFFFFFA0];
	vm2 =	vgt.s32 v5, $0x0;
	vm1 =	vgt.s32 v3, $0x0;
	v3 =	vnsel vm4, $0x0, v10;
	[tilespmem:s4+$0x0] =	vst v17;
	s9 =	sadd.s32 $0x80, s9;
	s0 =	sadd.s32 $0x80, s0  }
0x31b: {  	vm3 =	vgt.s32 v2, $0x0;
	v2 =	vtrunc.f32 v4;
	v4 =	vnsel vm0, $0x0, v9;
	p0 =	slt.u32 s10, $0x180;
	v5 =	vld.idx.msk [tilespmem:v6+s3+$0x0], $0xffff;
	[tilespmem:s4+$0xFFFFFFC0] =	vst v14  }
0x31c: {  	v1 =	vtrunc.f32 v1;
	v10 =	vcvt.f32.s32 v2;
	v2 =	vnsel vm4, $0x0, v12;
	v9 =	vld.idx.msk [tilespmem:v8+s3+$0x0], $0xffff;
	[tilespmem:s4+$0xFFFFFFB0] =	vst v13  }
0x31d: {  	v17 =	vcvt.f32.s32 v1;
	v1 =	vnsel vm0, $0x0, v11;
	v12 =	vtrunc.f32 v15;
	v13 =	vld.idx.msk [tilespmem:v7+s3+$0x0], $0xffff;
	[tilespmem:s5+$0xFFFFFFD0] =	vst v2  }
0x31e: {  	v2 =	vtrunc.f32 v16;
	v11 =	vcvt.f32.s32 v12;
	v12 =	vadd.s32 $0xFFFFFFFF, v10;
	v19 =	vld.idx.msk [tilespmem:v7+s13+$0x0], $0xffff;
	[tilespmem:s5+$0xFFFFFFA0] =	vst v1;
	s5 =	smov.u32 s0  }
0x31f: {  	v1 =	vtrunc.f32 v18;
	v7 =	vcvt.f32.s32 v2;
	vm0 =	vgt.s32 v12, $0x0;
	v16 =	vld.idx.msk [tilespmem:v6+s13+$0x0], $0xffff;
	[tilespmem:s4+$0xFFFFFFA0] =	vst v4  }
0x320: {  	s8 =	sadd.s32 $0x80, s8;
	v6 =	vld.idx.msk [tilespmem:v8+s13+$0x0], $0xffff;
	v2 =	vcvt.f32.s32 v1;
	v1 =	vadd.s32 $0xFFFFFFFF, v11;
	v4 =	vnsel vm0, $0x0, v12;
	[tilespmem:s4+$0xFFFFFFD0] =	vst v3;
	s4 =	smov.u32 s9  }
0x321: {  	v3 =	vld [tilespmem:s8+$0xFFFFFF90];
	v8 =	vadd.s32 $0xFFFFFFFF, v7;
	vm0 =	vgt.s32 v1, $0x0;
	v12 =	vadd.s32 v0, v4  }
0x322: {  	v14 =	vld [tilespmem:s8+$0x0];
	v4 =	vadd.s32 $0xFFFFFFFF, v2;
	vm4 =	vgt.s32 v8, $0x0;
	v1 =	vnsel vm0, $0x0, v1  }
0x323: {  	v15 =	vld [tilespmem:s8+$0xFFFFFFF0];
	vm0 =	vgt.s32 v4, $0x0;
	v8 =	vnsel vm4, $0x0, v8;
	v18 =	vadd.s32 v0, v1  }
0x324: {  	v21 =	vadd.s32 $0xFFFFFFFF, v17;
	v1 =	vld [tilespmem:s8+$0xFFFFFFD0];
	v20 =	vnsel vm0, $0x0, v4;
	v8 =	vadd.s32 v0, v8  }
0x325: {  	vm4 =	vgt.s32 v21, $0x0;
	vm0 =	vgt.s32 v2, $0x0;
	v4 =	vld [tilespmem:s8+$0xFFFFFFE0];
	v20 =	vadd.s32 v0, v20  }
0x326: {  	v2 =	vtrunc.f32 v3;
	v3 =	vnsel vm3, $0x0, v9;
	v9 =	vnsel vm4, $0x0, v21;
	v21 =	vld.idx.msk [tilespmem:v12+s3+$0x0], $0xffff  }
0x327: {  	v2 =	vcvt.f32.s32 v2;
	v14 =	vtrunc.f32 v14;
	[tilespmem:s0+$0xFFFFFF90] =	vst v3;
	v22 =	vadd.s32 v0, v9;
	v12 =	vld.idx.msk [tilespmem:v12+s13+$0x0], $0xffff  }
0x328: {  	v9 =	vtrunc.f32 v15;
	v3 =	vcvt.f32.s32 v14;
	v14 =	vld.idx.msk [tilespmem:v18+s3+$0x0], $0xffff;
	v15 =	vnsel vm2, $0x0, v5  }
0x329: {  	v6 =	vnsel vm3, $0x0, v6;
	v23 =	vadd.s32 $0xFFFFFFFF, v2;
	v5 =	vcvt.f32.s32 v9;
	v24 =	vld.idx.msk [tilespmem:v8+s3+$0x0], $0xffff;
	[tilespmem:s0+$0xFFFFFFF0] =	vst v15  }
0x32a: {  	vm3 =	vgt.s32 v23, $0x0;
	v15 =	vadd.s32 $0xFFFFFFFF, v3;
	[tilespmem:s9+$0xFFFFFF90] =	vst v6;
	v18 =	vld.idx.msk [tilespmem:v18+s13+$0x0], $0xffff;
	v6 =	vnsel vm1, $0x0, v13  }
0x32b: {  	vm5 =	vgt.s32 v10, $0x0;
	v9 =	vadd.s32 $0xFFFFFFFF, v5;
	vm4 =	vgt.s32 v15, $0x0;
	v13 =	vld.idx.msk [tilespmem:v8+s13+$0x0], $0xffff;
	[tilespmem:s0+$0x0] =	vst v6  }
0x32c: {  	v8 =	vnsel vm3, $0x0, v23;
	v6 =	vnsel vm5, $0x0, v21;
	vm3 =	vgt.s32 v9, $0x0;
	v10 =	vld.idx.msk [tilespmem:v22+s13+$0x0], $0xffff  }
.Ltmp7:
0x32d: {  	v21 =	vnsel vm3, $0x0, v9;
	v9 =	vld.idx.msk [tilespmem:v20+s13+$0x0], $0xffff;
	vm3 =	vgt.s32 v11, $0x0;
	[tilespmem:s0+$0xFFFFFFE0] =	vst v6;
	v11 =	vnsel vm5, $0x0, v12;
	(pc) =	sbr.rel @p0 .LBB2_17-.Ltmp7, $4  }
0x32e: {  	vm5 =	vgt.s32 v7, $0x0;
	v6 =	vadd.s32 v0, v21;
	v7 =	vnsel vm3, $0x0, v14;
	v12 =	vld.idx.msk [tilespmem:v22+s3+$0x0], $0xffff;
	[tilespmem:s9+$0xFFFFFFE0] =	vst v11  }
0x32f: {  	v8 =	vadd.s32 v0, v8;
	v14 =	vnsel vm4, $0x0, v15;
	v11 =	vld.idx.msk [tilespmem:v20+s3+$0x0], $0xffff;
	v20 =	vnsel vm5, $0x0, v24;
	[tilespmem:s0+$0xFFFFFFC0] =	vst v7  }
0x330: {  	v7 =	vadd.s32 v0, v14;
	v14 =	vnsel vm3, $0x0, v18;
	v18 =	vnsel vm2, $0x0, v16;
	v15 =	vld [tilespmem:s8+$0xFFFFFFC0];
	[tilespmem:s0+$0xFFFFFFB0] =	vst v20  }
0x331: {  	vm4 =	vgt.s32 v17, $0x0;
	v17 =	vnsel vm1, $0x0, v19;
	v13 =	vnsel vm5, $0x0, v13;
	v16 =	vld [tilespmem:s8+$0xFFFFFFB0];
	[tilespmem:s9+$0xFFFFFFF0] =	vst v18  }
0x332: {  	v4 =	vtrunc.f32 v4;
	v1 =	vtrunc.f32 v1;
	vm8 =	vgt.s32 v5, $0x0  }
0x333: {  	v40 =	vnsel vm4, $0x0, v10;
	v9 =	vnsel vm0, $0x0, v9;
	v4 =	vcvt.f32.s32 v4  }
0x334: {  	vm9 =	vgt.s32 v2, $0x0;
	vm10 =	vgt.s32 v3, $0x0;
	v1 =	vcvt.f32.s32 v1  }
0x335: {  	v18 =	vld [tilespmem:s8+$0xFFFFFFA0];
	v11 =	vnsel vm0, $0x0, v11;
	v15 =	vtrunc.f32 v15;
	v19 =	vadd.s32 $0xFFFFFFFF, v4  }
0x336: {  	[tilespmem:s4+$0x0] =	vst v17;
	v43 =	vadd.s32 $0xFFFFFFFF, v1;
	v16 =	vtrunc.f32 v16;
	vm1 =	vgt.s32 v19, $0x0  }
0x337: {  	v35 =	vld.idx.msk [tilespmem:v8+s3+$0x0], $0xffff;
	[tilespmem:s5+$0xFFFFFFA0] =	vst v11;
	v15 =	vcvt.f32.s32 v15;
	vm3 =	vgt.s32 v43, $0x0;
	v19 =	vnsel vm1, $0x0, v19  }
0x338: {  	v34 =	vld.idx.msk [tilespmem:v6+s3+$0x0], $0xffff;
	[tilespmem:s4+$0xFFFFFFA0] =	vst v9;
	v16 =	vcvt.f32.s32 v16;
	v9 =	vnsel vm3, $0x0, v43;
	v19 =	vadd.s32 v0, v19  }
0x339: {  	[tilespmem:s4+$0xFFFFFFC0] =	vst v14;
	v37 =	vld.idx.msk [tilespmem:v7+s3+$0x0], $0xffff;
	v12 =	vnsel vm4, $0x0, v12;
	v20 =	vadd.s32 $0xFFFFFFFF, v15;
	v49 =	vadd.s32 v0, v9  }
0x33a: {  	[tilespmem:s4+$0xFFFFFFB0] =	vst v13;
	v38 =	vld.idx.msk [tilespmem:v8+s13+$0x0], $0xffff;
	v18 =	vtrunc.f32 v18;
	v21 =	vadd.s32 $0xFFFFFFFF, v16;
	vm6 =	vgt.s32 v20, $0x0  }
0x33b: {  	v41 =	vld.idx.msk [tilespmem:v6+s13+$0x0], $0xffff;
	[tilespmem:s5+$0xFFFFFFD0] =	vst v12;
	v39 =	vcvt.f32.s32 v18;
	v20 =	vnsel vm6, $0x0, v20;
	vm7 =	vgt.s32 v21, $0x0  }
0x33c: {  	s0 =	sadd.s32 $0x80, s0;
	v51 =	vld.idx.msk [tilespmem:v7+s13+$0x0], $0xffff;
	[tilespmem:s4+$0xFFFFFFD0] =	vst v40;
	v45 =	vnsel vm9, $0x0, v35;
	v36 =	vnsel vm7, $0x0, v21;
	v20 =	vadd.s32 v0, v20  }
0x33d: {  	v48 =	vnsel vm8, $0x0, v34;
	[tilespmem:s0+$0xFFFFFF90] =	vst v45;
	v42 =	vadd.s32 $0xFFFFFFFF, v39;
	v13 =	vadd.s32 v0, v36;
	v44 =	vld.idx.msk [tilespmem:v19+s3+$0x0], $0xffff  }
0x33e: {  	v53 =	vnsel vm10, $0x0, v37;
	[tilespmem:s0+$0xFFFFFFF0] =	vst v48;
	vm2 =	vgt.s32 v42, $0x0;
	v58 =	vld.idx.msk [tilespmem:v49+s3+$0x0], $0xffff  }
0x33f: {  	s15 =	sadd.s32 $0x80, s9;
	v8 =	vnsel vm9, $0x0, v38;
	[tilespmem:s0+$0x0] =	vst v53;
	v2 =	vnsel vm2, $0x0, v42;
	v46 =	vld.idx.msk [tilespmem:v19+s13+$0x0], $0xffff  }
0x340: {  	v6 =	vnsel vm8, $0x0, v41;
	[tilespmem:s15+$0xFFFFFF90] =	vst v8;
	v52 =	vadd.s32 v0, v2;
	v3 =	vld.idx.msk [tilespmem:v49+s13+$0x0], $0xffff  }
0x341: {  	vm11 =	vgt.s32 v4, $0x0;
	v60 =	vnsel vm10, $0x0, v51;
	[tilespmem:s15+$0xFFFFFFF0] =	vst v6;
	v47 =	vld.idx.msk [tilespmem:v20+s3+$0x0], $0xffff  }
0x342: {  	vm14 =	vgt.s32 v1, $0x0;
	[tilespmem:s15+$0x0] =	vst v60;
	v50 =	vld.idx.msk [tilespmem:v13+s3+$0x0], $0xffff;
	v54 =	vnsel vm11, $0x0, v44  }
0x343: {  	v55 =	vld.idx.msk [tilespmem:v20+s13+$0x0], $0xffff;
	v1 =	vnsel vm14, $0x0, v58;
	[tilespmem:s0+$0xFFFFFFE0] =	vst v54  }
0x344: {  	v57 =	vld.idx.msk [tilespmem:v13+s13+$0x0], $0xffff;
	v56 =	vnsel vm11, $0x0, v46;
	[tilespmem:s0+$0xFFFFFFD0] =	vst v1  }
0x345: {  	vm12 =	vgt.s32 v15, $0x0;
	v59 =	vld.idx.msk [tilespmem:v52+s3+$0x0], $0xffff;
	v63 =	vnsel vm14, $0x0, v3;
	[tilespmem:s15+$0xFFFFFFE0] =	vst v56  }
0x346: {  	vm13 =	vgt.s32 v16, $0x0;
	v0 =	vld.idx.msk [tilespmem:v52+s13+$0x0], $0xffff;
	[tilespmem:s15+$0xFFFFFFD0] =	vst v63;
	v5 =	vnsel vm12, $0x0, v47  }
0x347: {  	v9 =	vnsel vm13, $0x0, v50;
	[tilespmem:s0+$0xFFFFFFC0] =	vst v5  }
0x348: {  	v4 =	vnsel vm12, $0x0, v55;
	[tilespmem:s0+$0xFFFFFFB0] =	vst v9  }
0x349: {  	vm15 =	vgt.s32 v39, $0x0;
	v61 =	vnsel vm13, $0x0, v57;
	[tilespmem:s15+$0xFFFFFFC0] =	vst v4  }
0x34a: {  	v62 =	vnsel vm15, $0x0, v59;
	[tilespmem:s15+$0xFFFFFFB0] =	vst v61  }
0x34b: {  	s31 =	sadd.s32 $0x55C00, s30;
	v0 =	vnsel vm15, $0x0, v0;
	[tilespmem:s0+$0xFFFFFFA0] =	vst v62  }
0x34c: {  	s18 =	sadd.s32 s7, s1;
	s0 =	sshrl.u32 s31, $0x3;
	[tilespmem:s15+$0xFFFFFFA0] =	vst v0  }
0x34d: {  	[hbm4b:s18+s11] =	stream.strided.scatter [tilespmem:s22], [sflag:$0x5], $0x1880, s12, s11, $0x38;
	[tilespmem:$0x16F80] =	vst v63  }
0x34e: {  	s0 =	sadd.s32 s7, s0  }
0x34f: {  	[hbm4b:s0+s11] =	stream.strided.scatter [tilespmem:s23], [sflag:$0x5], $0x1880, s12, s11, $0x38;
	[tilespmem:$0x16F80] =	vst v63  }
0x350: {  	_ =	swait.ge [sflag:s25], $0x1880  }
0x351: {  	[sflag:s25] =	ssyncset.done $0x0  }
0x352: {  	[sflag:s25] =	ssyncadd.s32 $0xFFFFE780  }
0x353: {  	_ =	swait.ge [sflag:s25], $0x1880  }
0x354: {  	[sflag:s25] =	ssyncset.done $0x0  }
0x355: {  	[sflag:s25] =	ssyncadd.s32 $0xFFFFE780  }
0x356: {  	p0 =	sne.s32 s29, $0xC;
	_ =	swait.ge [sflag:s26], $0x1880  }
.Ltmp8:
0x357: {  	[sflag:s26] =	ssyncset.done $0x0;
	(pc) =	sbr.rel @p0 .LBB2_2-.Ltmp8, $4  }
0x358: {  	[sflag:s26] =	ssyncadd.s32 $0xFFFFE780  }
0x359: {  	_ =	swait.ge [sflag:s26], $0x1880  }
0x35a: {  	[sflag:s26] =	ssyncset.done $0x0  }
0x35b: {  	[sflag:s26] =	ssyncadd.s32 $0xFFFFE780  }
0x35c: {  	s1 =	rddreg [dreg:$0x7]  }
0x35d: {  	s0 =	rddreg [dreg:$0x6];
	s1 =	sadd.s32 $0x1, s1  }
0x35e: {  	p0 =	sne.s32 s1, s0  }
.Ltmp9:
0x35f: {  	_ = 	snop;
	(pc) =	sbr.rel @p0 .LBB2_1-.Ltmp9, $1  }
0x360: {  	_ =	sdelay $0x3  }
0x361: {  	_ =	sfence.sel $0x180000  }
0x362: {  	[bflag:$0x0] =	sbarrier.arrive $0xFFFF  }
0x363: {  	_ =	strace $0x90000047  }
0x364: {  	s0 =	stileid.u32;
	[bflag:$0x2] =	sbarrier.arrive $0xFFFF  }
0x365: {  	p0 =	sne.s32 s0, $0x0;
	s0 =	rddreg [dreg:$0x1]  }
0x366: {  	s0 =	sadd.s32 @!p0 $0x100000, s0  }
0x367: {  	[sflag:s0] =	ssyncadd.tile.s32 @!p0 $0x1;
	_ =	shalt  }
.Lfunc_end2:
_tile_overlayer_lowered:
.L_overlay_start_2:
0x368: {  	(tag) =	ssettag $0x2  }
0x369: {  	s0 =	rddreg [dreg:$0x0];
	s2 =	stileid.u32  }
0x36a: {  	s1 =	rddreg [dreg:$0x1];
	p0 =	sne.s32 s2, $0x0  }
0x36b: {  	s3 =	rddreg [dreg:$0x2];
	[bflag:$0x3] =	sbarrier.arrive $0xFFFF;
	s2 =	simm.s32 @!p0 $0x1C07  }
0x36c: {  	[timem:s3], [sflag:s2] =	dma.local @!p0 [hbm:s0], s1  }
0x36d: {  	s0 =	simm.s32 @!p0 $0x7  }
0x36e: {  	_ =	swait.ge @!p0 [sflag:s0], s1  }
0x36f: {  	s1 =	ssub.s32 @!p0 $0x0, s1;
	[sflag:s0] =	ssyncset.done @!p0 $0x0  }
0x370: {  	[sflag:s0] =	ssyncadd.s32 @!p0 s1  }
0x371: {  	[bflag:$0x3] =	sbarrier.arrive $0xFFFF  }
0x372: {  	_ =	shalt  }

</sc_bundles>
